<compile_context>
chip_gen: v7x
topology: tpu7x:2x2x1
jax: 0.10.2.dev20260603
libtpu: 0.0.44.dev20260713+nightly
codegen_flags: <defaults>
</compile_context>

<pallas_src>
import functools

import jax
import jax.numpy as jnp
from jax import lax
from jax.experimental import pallas as pl
from jax.experimental.pallas import tpu as pltpu
from jax.experimental.pallas import tpu_sc as plsc

_GRID_PER_BATCH = 1024
_R = 1024
_MPAD = 10240
_C = 1280
_NCH = _MPAD // _C
_MASKVAL = 1e10


def _top3_body(sref, gp_ref, mp_ref, xn_ref, io_ref, idx_ref, w_ref):
    b = pl.program_id(0) // (_GRID_PER_BATCH // _R)
    cs = sref[2 * b]
    ncs = sref[2 * b + 1]
    gp = gp_ref[...]
    gpb = gp.astype(jnp.bfloat16)
    yn = ((gp[:, 0:1] * gp[:, 0:1] + gp[:, 2:3] * gp[:, 2:3])
          + gp[:, 1:2] * gp[:, 1:2])

    def chunk_body(cc, carry):
        rv0, rv1, rv2, rx0, rx1, rx2 = carry
        mp = mp_ref[pl.ds(cc * _C, _C), :]
        mpb = mp[:, 0:3].astype(jnp.bfloat16)
        p = lax.dot_general(gpb, mpb, (((1,), (1,)), ((), ())),
                            preferred_element_type=jnp.float32)
        xn = xn_ref[pl.ds(cc * 8, 8), :][0:1, :]
        d2 = (yn + xn) - 2.0 * p
        iota = io_ref[pl.ds(cc * 8, 8), :][0:1, :]
        nv, nx = [], []
        for j in range(3):
            m = jnp.min(d2, axis=1, keepdims=True)
            sel = jnp.where(d2 == m, iota, jnp.float32(3e38))
            ij = jnp.min(sel, axis=1, keepdims=True)
            nv.append(m)
            nx.append(ij)
            if j < 2:
                d2 = jnp.where(iota == ij, jnp.float32(3e38), d2)
        c0 = nv[0] < rv0
        o0v = jnp.where(c0, nv[0], rv0)
        o0x = jnp.where(c0, nx[0], rx0)
        c1 = nv[1] < rv0
        c2 = nv[0] < rv1
        o1v = jnp.where(c0, jnp.where(c1, nv[1], rv0),
                        jnp.where(c2, nv[0], rv1))
        o1x = jnp.where(c0, jnp.where(c1, nx[1], rx0),
                        jnp.where(c2, nx[0], rx1))
        c3 = nv[2] < rv0
        c4 = nv[1] < rv1
        c5 = nv[0] < rv2
        i2v = jnp.where(c4, nv[1], rv1)
        i2x = jnp.where(c4, nx[1], rx1)
        o2v = jnp.where(c0,
                        jnp.where(c1, jnp.where(c3, nv[2], rv0), i2v),
                        jnp.where(c2, i2v, jnp.where(c5, nv[0], rv2)))
        o2x = jnp.where(c0,
                        jnp.where(c1, jnp.where(c3, nx[2], rx0), i2x),
                        jnp.where(c2, i2x, jnp.where(c5, nx[0], rx2)))
        return (o0v, o1v, o2v, o0x, o1x, o2x)

    big = jnp.full((_R, 1), 3e38, jnp.float32)
    zero = jnp.zeros((_R, 1), jnp.float32)
    v0, v1, v2, x0, x1, x2 = lax.fori_loop(
        cs, cs + ncs, chunk_body, (big, big, big, zero, zero, zero))

    ws = [1.0 / jnp.maximum(vv, jnp.float32(1e-16)) for vv in (v0, v1, v2)]
    den = ws[0] + ws[1] + ws[2]
    wn = [w / den for w in ws]
    li3 = lax.broadcasted_iota(jnp.int32, (_R, 3), 1)
    idx_ref[...] = jnp.where(li3 == 0, x0,
                             jnp.where(li3 == 1, x1, x2)).astype(jnp.int32)
    lg = lax.broadcasted_iota(jnp.int32, (_R, 48), 1) // 16
    w_ref[...] = jnp.where(lg == 0, wn[0],
                           jnp.where(lg == 1, wn[1], wn[2]))


def _run_top3(scal, grid_pos, mp8, xnb, iob):
    n_grid = grid_pos.shape[0]
    bpb = _GRID_PER_BATCH // _R
    grid_spec = pltpu.PrefetchScalarGridSpec(
        num_scalar_prefetch=1,
        grid=(n_grid // _R,),
        in_specs=[
            pl.BlockSpec((_R, 3), lambda i, s: (i, 0)),
            pl.BlockSpec((_MPAD, 8), lambda i, s: (0, 0)),
            pl.BlockSpec((8 * _NCH, _C), lambda i, s: (i // bpb, 0)),
            pl.BlockSpec((8 * _NCH, _C), lambda i, s: (0, 0)),
        ],
        out_specs=[
            pl.BlockSpec((_R, 3), lambda i, s: (i, 0)),
            pl.BlockSpec((_R, 48), lambda i, s: (i, 0)),
        ],
    )
    return pl.pallas_call(
        _top3_body,
        grid_spec=grid_spec,
        out_shape=[
            jax.ShapeDtypeStruct((n_grid, 3), jnp.int32),
            jax.ShapeDtypeStruct((n_grid, 48), jnp.float32),
        ],
    )(scal, grid_pos, mp8, xnb, iob)


_NW = 32
_PTS_PER_W = 128
_CHUNK = 32
_NCHK = _PTS_PER_W // _CHUNK


def _sc_gather_body(x_hbm, idx_hbm, w_hbm, out_hbm, idx_v, w_v, rows0, rows1,
                    out_v, sem0, sem1):
    c = lax.axis_index("c")
    s = lax.axis_index("s")
    wid = s * 2 + c
    base = wid * _PTS_PER_W
    pltpu.sync_copy(idx_hbm.at[pl.ds(base * 3, 3 * _PTS_PER_W)], idx_v)
    pltpu.sync_copy(w_hbm.at[pl.ds(base * 48, 48 * _PTS_PER_W)], w_v)
    bufs = [(rows0, sem0), (rows1, sem1)]
    copies = [None] * _NCHK
    copies[0] = pltpu.async_copy(
        x_hbm.at[idx_v.at[pl.ds(0, 3 * _CHUNK)]], rows0, sem0)
    for ch in range(_NCHK):
        if ch + 1 < _NCHK:
            nbuf, nsem = bufs[(ch + 1) % 2]
            copies[ch + 1] = pltpu.async_copy(
                x_hbm.at[idx_v.at[pl.ds((ch + 1) * 3 * _CHUNK, 3 * _CHUNK)]],
                nbuf, nsem)
        cur, _ = bufs[ch % 2]
        copies[ch].wait()

        def body(p, carry, cur=cur, ch=ch):
            rb = p * 3
            o = ch * _CHUNK + p
            w0 = w_v[pl.ds(o * 48, 16)]
            w1 = w_v[pl.ds(o * 48 + 16, 16)]
            w2 = w_v[pl.ds(o * 48 + 32, 16)]
            for v in range(16):
                col = pl.ds(v * 16, 16)
                out_v[o, col] = (w0 * cur[rb, col]
                                 + w1 * cur[rb + 1, col]
                                 + w2 * cur[rb + 2, col])
            return carry

        lax.fori_loop(0, _CHUNK, body, 0)
    pltpu.sync_copy(out_v, out_hbm.at[pl.ds(base, _PTS_PER_W)])


def _run_sc_gather(x, flat_idx, flat_w, n_grid, d_feat):
    mesh = plsc.VectorSubcoreMesh(core_axis_name="c", subcore_axis_name="s")
    k = functools.partial(
        pl.kernel,
        mesh=mesh,
        out_type=jax.ShapeDtypeStruct((n_grid, d_feat), jnp.float32),
        scratch_types=[
            pltpu.VMEM((3 * _PTS_PER_W,), jnp.int32),
            pltpu.VMEM((48 * _PTS_PER_W,), jnp.float32),
            pltpu.VMEM((3 * _CHUNK, d_feat), jnp.float32),
            pltpu.VMEM((3 * _CHUNK, d_feat), jnp.float32),
            pltpu.VMEM((_PTS_PER_W, d_feat), jnp.float32),
            pltpu.SemaphoreType.DMA,
            pltpu.SemaphoreType.DMA,
        ],
    )(_sc_gather_body)
    return k(x, flat_idx, flat_w)


def kernel(x, mesh_pos, grid_pos, batch_idx):
    n_mesh, d_feat = x.shape
    n_grid = grid_pos.shape[0]
    n_batch = n_grid // _GRID_PER_BATCH
    bidx = batch_idx.astype(jnp.int32)

    mp8 = jnp.zeros((_MPAD, 8), jnp.float32).at[:n_mesh, :3].set(mesh_pos)
    xn = ((mesh_pos[:, 0] * mesh_pos[:, 0] + mesh_pos[:, 2] * mesh_pos[:, 2])
          + mesh_pos[:, 1] * mesh_pos[:, 1])
    xnp = jnp.full((_MPAD,), jnp.float32(_MASKVAL)).at[:n_mesh].set(xn)
    bip = jnp.full((_MPAD,), -1, jnp.int32).at[:n_mesh].set(bidx)
    batches = jnp.arange(n_batch, dtype=jnp.int32)
    xnb = jnp.where(bip[None, :] == batches[:, None], xnp[None, :],
                    jnp.float32(_MASKVAL))
    xnb = jnp.repeat(xnb.reshape(n_batch, _NCH, _C), 8,
                     axis=1).reshape(n_batch * 8 * _NCH, _C)
    iob = jnp.repeat(
        jnp.arange(_MPAD, dtype=jnp.float32).reshape(_NCH, _C), 8,
        axis=0)

    cmp = bidx[:, None]
    start = jnp.sum(cmp < batches[None, :], axis=0, dtype=jnp.int32)
    end = jnp.sum(cmp <= batches[None, :], axis=0, dtype=jnp.int32)
    nb = end - start
    cs = jnp.where(nb < 3, 0, start // _C)
    ce = jnp.where(nb == 0, 0, jnp.maximum(end - 1, start) // _C)
    ncs = ce - cs + 1
    scal = jnp.stack([cs, ncs], axis=1).reshape(-1)

    idx, wb = _run_top3(scal, grid_pos, mp8, xnb, iob)
    flat_idx = idx.reshape(-1)
    flat_w = wb.reshape(-1)
    return _run_sc_gather(x, flat_idx, flat_w, n_grid, d_feat)

# --- scband reference (transcript-rebuilt; emitter-appended) ---
"""Pipeline reference for scband-cfd-interpolate-mesh-to-grid-49744311222696 (READ-ONLY COPY).

The authoritative reference and input builder live on the scoring server;
editing this copy changes nothing except your own understanding.
"""

import jax, jax.numpy as jnp
import numpy as np

N_MESH = 10000
D_FEAT = 256
POS_DIM = 3
BATCH = 4
GRID_PER_BATCH = 1024
K = 3


def setup_inputs(seed: int = 0) -> dict:
    key = jax.random.key(seed)
    k1, k2, k3, k4 = jax.random.split(key, 4)
    x = jax.random.normal(k1, (N_MESH, D_FEAT), dtype=jnp.float32)
    mesh_pos = jax.random.uniform(k2, (N_MESH, POS_DIM), dtype=jnp.float32)
    grid_pos = jax.random.uniform(k3, (BATCH * GRID_PER_BATCH, POS_DIM), dtype=jnp.float32)
    batch_idx = jnp.sort(jax.random.randint(k4, (N_MESH,), 0, BATCH))
    return {"x": x, "mesh_pos": mesh_pos, "grid_pos": grid_pos, "batch_idx": batch_idx}


def _knn_interpolate(x, pos_x, pos_y, batch_x, batch_y, k=K):
    # squared pairwise distances [Ny, Nx] via the matmul expansion
    d2 = (
        jnp.sum(pos_y * pos_y, axis=1)[:, None]
        + jnp.sum(pos_x * pos_x, axis=1)[None, :]
        - 2.0 * (pos_y @ pos_x.T)
    )
    # mask out cross-batch pairs (knn_interpolate respects batch boundaries)
    mask = batch_y[:, None] != batch_x[None, :]
    d2 = jnp.where(mask, jnp.float32(1e10), d2)
    neg_vals, idx = jax.lax.top_k(-d2, k)  # k smallest distances
    d2_k = -neg_vals
    # PyG knn_interpolate: weights = 1 / clamp(squared_dist, min=1e-16)
    w = 1.0 / jnp.clip(d2_k, 1e-16, None)  # [Ny, k]
    gathered = x[idx]  # [Ny, k, F] gather
    num = jnp.sum(w[:, :, None] * gathered, axis=1)  # [Ny, F]
    den = jnp.sum(w, axis=1, keepdims=True)
    return num / den


def reference(x, mesh_pos, grid_pos, batch_idx):
    assert x.ndim == 2
    assert mesh_pos.ndim == 2
    assert grid_pos.ndim == 2
    batch_size = grid_pos.shape[0] // GRID_PER_BATCH
    assert grid_pos.shape[0] % batch_size == 0
    num_grid_points = grid_pos.shape[0] // batch_size
    batch_y = jnp.repeat(jnp.arange(batch_size), num_grid_points)
    return _knn_interpolate(x, mesh_pos, grid_pos, batch_idx, batch_y, k=K)


if False:  # reference __main__ guard neutralized (emitter)
    out = reference(**setup_inputs())
    print(out.shape, out.dtype)

if __name__ == "__main__":
    import jax
    _d = setup_inputs()
    print(jax.jit(kernel)(*tuple(_d.values())))

</pallas_src>

<mosaic_0001>
#map = affine_map<(d0, d1) -> (0, 0)>
#map1 = affine_map<(d0, d1) -> (0)>
module attributes {stable_mosaic.version = 14 : i64} {
  func.func @_sc_gather_body(%arg0: i32, %arg1: i32, %arg2: memref<10000x256xf32, #tpu.memory_space<hbm>>, %arg3: memref<12288xi32, #tpu.memory_space<hbm>>, %arg4: memref<196608xf32, #tpu.memory_space<hbm>>, %arg5: memref<4096x256xf32, #tpu.memory_space<hbm>>, %arg6: memref<384xi32, #tpu.memory_space<vmem>>, %arg7: memref<6144xf32, #tpu.memory_space<vmem>>, %arg8: memref<96x256xf32, #tpu.memory_space<vmem>>, %arg9: memref<96x256xf32, #tpu.memory_space<vmem>>, %arg10: memref<128x256xf32, #tpu.memory_space<vmem>>, %arg11: memref<!tpu.dma_semaphore, #tpu.memory_space<semaphore_mem>>, %arg12: memref<!tpu.dma_semaphore, #tpu.memory_space<semaphore_mem>>) attributes {dimension_semantics = [#tpu.dimension_semantics<core_parallel>, #tpu.dimension_semantics<subcore_parallel>], iteration_bounds = array<i64: 2, 16>, scalar_prefetch = 0 : i64, scratch_operands = 7 : i64, tpu.core_type = #tpu.core_type<sc_vector_subcore>, window_params = [{transform_indices = #map}, {transform_indices = #map1}, {transform_indices = #map1}, {transform_indices = #map}]} {
    %mul3A = arith.constant 2 : i32
    %mul3A_0 = arith.muli %arg1, %mul3A : i32
    %add3A = arith.addi %mul3A_0, %arg0 : i32
    %mul3A_1 = arith.constant 128 : i32
    %mul3A_2 = arith.muli %add3A, %mul3A_1 : i32
    %mul3A_3 = arith.constant 3 : i32
    %mul3A_4 = arith.muli %mul3A_2, %mul3A_3 : i32
    "tpu.region"() ({
      %run_scoped3A = tpu.sem_alloc : memref<!tpu.dma_semaphore, #tpu.memory_space<semaphore_mem>>
      %dma_start3A_68 = tpu.memref_slice %arg3[%mul3A_4] : memref<12288xi32, #tpu.memory_space<hbm>> -> memref<384xi32, #tpu.memory_space<hbm>>
      %dma_start3A_69 = tpu.memref_slice %arg3[%mul3A_4] : memref<12288xi32, #tpu.memory_space<hbm>> -> memref<384xi32, #tpu.memory_space<hbm>>
      tpu.enqueue_dma source(%dma_start3A_69 : memref<384xi32, #tpu.memory_space<hbm>>) target(%arg6 : memref<384xi32, #tpu.memory_space<vmem>>) target_semaphore(%run_scoped3A : memref<!tpu.dma_semaphore, #tpu.memory_space<semaphore_mem>>)
      %dma_wait3A_70 = tpu.memref_slice %arg3[%mul3A_4] : memref<12288xi32, #tpu.memory_space<hbm>> -> memref<384xi32, #tpu.memory_space<hbm>>
      %dma_wait3A_71 = tpu.memref_slice %arg3[%mul3A_4] : memref<12288xi32, #tpu.memory_space<hbm>> -> memref<384xi32, #tpu.memory_space<hbm>>
      tpu.wait_dma2 semaphore(%run_scoped3A : memref<!tpu.dma_semaphore, #tpu.memory_space<semaphore_mem>>) src(%dma_wait3A_71 : memref<384xi32, #tpu.memory_space<hbm>>) dst(%arg6 : memref<384xi32, #tpu.memory_space<vmem>>)
      tpu.yield
    }) : () -> ()
    %mul3A_5 = arith.constant 48 : i32
    %mul3A_6 = arith.muli %mul3A_2, %mul3A_5 : i32
    "tpu.region"() ({
      %run_scoped3A = tpu.sem_alloc : memref<!tpu.dma_semaphore, #tpu.memory_space<semaphore_mem>>
      %dma_start3A_68 = tpu.memref_slice %arg4[%mul3A_6] : memref<196608xf32, #tpu.memory_space<hbm>> -> memref<6144xf32, #tpu.memory_space<hbm>>
      %dma_start3A_69 = tpu.memref_slice %arg4[%mul3A_6] : memref<196608xf32, #tpu.memory_space<hbm>> -> memref<6144xf32, #tpu.memory_space<hbm>>
      tpu.enqueue_dma source(%dma_start3A_69 : memref<6144xf32, #tpu.memory_space<hbm>>) target(%arg7 : memref<6144xf32, #tpu.memory_space<vmem>>) target_semaphore(%run_scoped3A : memref<!tpu.dma_semaphore, #tpu.memory_space<semaphore_mem>>)
      %dma_wait3A_70 = tpu.memref_slice %arg4[%mul3A_6] : memref<196608xf32, #tpu.memory_space<hbm>> -> memref<6144xf32, #tpu.memory_space<hbm>>
      %dma_wait3A_71 = tpu.memref_slice %arg4[%mul3A_6] : memref<196608xf32, #tpu.memory_space<hbm>> -> memref<6144xf32, #tpu.memory_space<hbm>>
      tpu.wait_dma2 semaphore(%run_scoped3A : memref<!tpu.dma_semaphore, #tpu.memory_space<semaphore_mem>>) src(%dma_wait3A_71 : memref<6144xf32, #tpu.memory_space<hbm>>) dst(%arg7 : memref<6144xf32, #tpu.memory_space<vmem>>)
      tpu.yield
    }) : () -> ()
    %dma_start3A = arith.constant 0 : i32
    %dma_start3A_7 = tpu.memref_slice %arg6[%dma_start3A] : memref<384xi32, #tpu.memory_space<vmem>> -> memref<96xi32, #tpu.memory_space<vmem>>
    %dma_start3A_8 = arith.constant 0 : i32
    %dma_start3A_9 = arith.constant 0 : i32
    %dma_start3A_10 = tpu.memref_slice %arg2[%dma_start3A_8, %dma_start3A_9] : memref<10000x256xf32, #tpu.memory_space<hbm>> -> memref<10000x256xf32, #tpu.memory_space<hbm>>
    tpu.enqueue_indirect_dma source(%dma_start3A_10 : memref<10000x256xf32, #tpu.memory_space<hbm>>) target(%arg8 : memref<96x256xf32, #tpu.memory_space<vmem>>) offsets(%dma_start3A_7 : memref<96xi32, #tpu.memory_space<vmem>>) semaphore(%arg11 : memref<!tpu.dma_semaphore, #tpu.memory_space<semaphore_mem>>)
    %dma_start3A_11 = arith.constant 96 : i32
    %dma_start3A_12 = tpu.memref_slice %arg6[%dma_start3A_11] : memref<384xi32, #tpu.memory_space<vmem>> -> memref<96xi32, #tpu.memory_space<vmem>>
    %dma_start3A_13 = arith.constant 0 : i32
    %dma_start3A_14 = arith.constant 0 : i32
    %dma_start3A_15 = tpu.memref_slice %arg2[%dma_start3A_13, %dma_start3A_14] : memref<10000x256xf32, #tpu.memory_space<hbm>> -> memref<10000x256xf32, #tpu.memory_space<hbm>>
    tpu.enqueue_indirect_dma source(%dma_start3A_15 : memref<10000x256xf32, #tpu.memory_space<hbm>>) target(%arg9 : memref<96x256xf32, #tpu.memory_space<vmem>>) offsets(%dma_start3A_12 : memref<96xi32, #tpu.memory_space<vmem>>) semaphore(%arg12 : memref<!tpu.dma_semaphore, #tpu.memory_space<semaphore_mem>>)
    %dma_wait3A = arith.constant 0 : i32
    %dma_wait3A_16 = tpu.memref_slice %arg6[%dma_wait3A] : memref<384xi32, #tpu.memory_space<vmem>> -> memref<96xi32, #tpu.memory_space<vmem>>
    %dma_wait3A_17 = arith.constant 0 : i32
    %dma_wait3A_18 = arith.constant 0 : i32
    %dma_wait3A_19 = tpu.memref_slice %arg2[%dma_wait3A_17, %dma_wait3A_18] : memref<10000x256xf32, #tpu.memory_space<hbm>> -> memref<10000x256xf32, #tpu.memory_space<hbm>>
    tpu.wait_indirect_dma semaphore(%arg11 : memref<!tpu.dma_semaphore, #tpu.memory_space<semaphore_mem>>) src(%dma_wait3A_19 : memref<10000x256xf32, #tpu.memory_space<hbm>>) dst(%arg8 : memref<96x256xf32, #tpu.memory_space<vmem>>)
    %scan3A = arith.constant 0 : i32
    %scan3A_20 = arith.constant 0 : i32
    %scan3A_21 = arith.constant 32 : i32
    %scan3A_22 = arith.addi %scan3A_20, %scan3A_21 : i32
    %scan3A_23 = arith.constant 1 : i32
    scf.for %scan3A_68 = %scan3A_20 to %scan3A_22 step %scan3A_23  : i32 {
      %mul3A_69 = arith.constant 3 : i32
      %mul3A_70 = arith.muli %scan3A_68, %mul3A_69 : i32
      %add3A_71 = arith.constant 0 : i32
      %add3A_72 = arith.addi %add3A_71, %scan3A_68 : i32
      %mul3A_73 = arith.constant 48 : i32
      %mul3A_74 = arith.muli %add3A_72, %mul3A_73 : i32
      %get3A = arith.index_cast %mul3A_74 : i32 to index
      %get3A_75 = tpu.vector_load %arg7[%get3A] {strides = array<i32>} : memref<6144xf32, #tpu.memory_space<vmem>>, vector<16xf32>,
      %get3A_76 = vector.shape_cast %get3A_75 : vector<16xf32> to vector<16xf32>
      %mul3A_77 = arith.constant 48 : i32
      %mul3A_78 = arith.muli %add3A_72, %mul3A_77 : i32
      %add3A_79 = arith.constant 16 : i32
      %add3A_80 = arith.addi %mul3A_78, %add3A_79 : i32
      %get3A_81 = arith.index_cast %add3A_80 : i32 to index
      %get3A_82 = tpu.vector_load %arg7[%get3A_81] {strides = array<i32>} : memref<6144xf32, #tpu.memory_space<vmem>>, vector<16xf32>,
      %get3A_83 = vector.shape_cast %get3A_82 : vector<16xf32> to vector<16xf32>
      %mul3A_84 = arith.constant 48 : i32
      %mul3A_85 = arith.muli %add3A_72, %mul3A_84 : i32
      %add3A_86 = arith.constant 32 : i32
      %add3A_87 = arith.addi %mul3A_85, %add3A_86 : i32
      %get3A_88 = arith.index_cast %add3A_87 : i32 to index
      %get3A_89 = tpu.vector_load %arg7[%get3A_88] {strides = array<i32>} : memref<6144xf32, #tpu.memory_space<vmem>>, vector<16xf32>,
      %get3A_90 = vector.shape_cast %get3A_89 : vector<16xf32> to vector<16xf32>
      %get3A_91 = arith.index_cast %mul3A_70 : i32 to index
      %get3A_92 = arith.constant 0 : index
      %get3A_93 = tpu.vector_load %arg8[%get3A_91, %get3A_92] {strides = array<i32>} : memref<96x256xf32, #tpu.memory_space<vmem>>, vector<1x16xf32>,
      %get3A_94 = vector.shape_cast %get3A_93 : vector<1x16xf32> to vector<16xf32>
      %mul3A_95 = arith.mulf %get3A_76, %get3A_94 : vector<16xf32>
      %add3A_96 = arith.constant 1 : i32
      %add3A_97 = arith.addi %mul3A_70, %add3A_96 : i32
      %get3A_98 = arith.index_cast %add3A_97 : i32 to index
      %get3A_99 = arith.constant 0 : index
      %get3A_100 = tpu.vector_load %arg8[%get3A_98, %get3A_99] {strides = array<i32>} : memref<96x256xf32, #tpu.memory_space<vmem>>, vector<1x16xf32>,
      %get3A_101 = vector.shape_cast %get3A_100 : vector<1x16xf32> to vector<16xf32>
      %mul3A_102 = arith.mulf %get3A_83, %get3A_101 : vector<16xf32>
      %add3A_103 = arith.addf %mul3A_95, %mul3A_102 : vector<16xf32>
      %add3A_104 = arith.constant 2 : i32
      %add3A_105 = arith.addi %mul3A_70, %add3A_104 : i32
      %get3A_106 = arith.index_cast %add3A_105 : i32 to index
      %get3A_107 = arith.constant 0 : index
      %get3A_108 = tpu.vector_load %arg8[%get3A_106, %get3A_107] {strides = array<i32>} : memref<96x256xf32, #tpu.memory_space<vmem>>, vector<1x16xf32>,
      %get3A_109 = vector.shape_cast %get3A_108 : vector<1x16xf32> to vector<16xf32>
      %mul3A_110 = arith.mulf %get3A_90, %get3A_109 : vector<16xf32>
      %add3A_111 = arith.addf %add3A_103, %mul3A_110 : vector<16xf32>
      %swap3A = arith.index_cast %add3A_72 : i32 to index
      %swap3A_112 = arith.constant 0 : index
      %swap3A_113 = tpu.vector_load %arg10[%swap3A, %swap3A_112] {strides = array<i32>} : memref<128x256xf32, #tpu.memory_space<vmem>>, vector<1x16xf32>,
      %swap3A_114 = vector.shape_cast %swap3A_113 : vector<1x16xf32> to vector<16xf32>
      %swap3A_115 = vector.shape_cast %add3A_111 : vector<16xf32> to vector<1x16xf32>
      tpu.vector_store %arg10[%swap3A, %swap3A_112], %swap3A_115 {strides = array<i32>} : memref<128x256xf32, #tpu.memory_space<vmem>>, vector<1x16xf32>,
      %get3A_116 = arith.index_cast %mul3A_70 : i32 to index
      %get3A_117 = arith.constant 16 : index
      %get3A_118 = tpu.vector_load %arg8[%get3A_116, %get3A_117] {strides = array<i32>} : memref<96x256xf32, #tpu.memory_space<vmem>>, vector<1x16xf32>,
      %get3A_119 = vector.shape_cast %get3A_118 : vector<1x16xf32> to vector<16xf32>
      %mul3A_120 = arith.mulf %get3A_76, %get3A_119 : vector<16xf32>
      %add3A_121 = arith.constant 1 : i32
      %add3A_122 = arith.addi %mul3A_70, %add3A_121 : i32
      %get3A_123 = arith.index_cast %add3A_122 : i32 to index
      %get3A_124 = arith.constant 16 : index
      %get3A_125 = tpu.vector_load %arg8[%get3A_123, %get3A_124] {strides = array<i32>} : memref<96x256xf32, #tpu.memory_space<vmem>>, vector<1x16xf32>,
      %get3A_126 = vector.shape_cast %get3A_125 : vector<1x16xf32> to vector<16xf32>
      %mul3A_127 = arith.mulf %get3A_83, %get3A_126 : vector<16xf32>
      %add3A_128 = arith.addf %mul3A_120, %mul3A_127 : vector<16xf32>
      %add3A_129 = arith.constant 2 : i32
      %add3A_130 = arith.addi %mul3A_70, %add3A_129 : i32
      %get3A_131 = arith.index_cast %add3A_130 : i32 to index
      %get3A_132 = arith.constant 16 : index
      %get3A_133 = tpu.vector_load %arg8[%get3A_131, %get3A_132] {strides = array<i32>} : memref<96x256xf32, #tpu.memory_space<vmem>>, vector<1x16xf32>,
      %get3A_134 = vector.shape_cast %get3A_133 : vector<1x16xf32> to vector<16xf32>
      %mul3A_135 = arith.mulf %get3A_90, %get3A_134 : vector<16xf32>
      %add3A_136 = arith.addf %add3A_128, %mul3A_135 : vector<16xf32>
      %swap3A_137 = arith.index_cast %add3A_72 : i32 to index
      %swap3A_138 = arith.constant 16 : index
      %swap3A_139 = tpu.vector_load %arg10[%swap3A_137, %swap3A_138] {strides = array<i32>} : memref<128x256xf32, #tpu.memory_space<vmem>>, vector<1x16xf32>,
      %swap3A_140 = vector.shape_cast %swap3A_139 : vector<1x16xf32> to vector<16xf32>
      %swap3A_141 = vector.shape_cast %add3A_136 : vector<16xf32> to vector<1x16xf32>
      tpu.vector_store %arg10[%swap3A_137, %swap3A_138], %swap3A_141 {strides = array<i32>} : memref<128x256xf32, #tpu.memory_space<vmem>>, vector<1x16xf32>,
      %get3A_142 = arith.index_cast %mul3A_70 : i32 to index
      %get3A_143 = arith.constant 32 : index
      %get3A_144 = tpu.vector_load %arg8[%get3A_142, %get3A_143] {strides = array<i32>} : memref<96x256xf32, #tpu.memory_space<vmem>>, vector<1x16xf32>,
      %get3A_145 = vector.shape_cast %get3A_144 : vector<1x16xf32> to vector<16xf32>
      %mul3A_146 = arith.mulf %get3A_76, %get3A_145 : vector<16xf32>
      %add3A_147 = arith.constant 1 : i32
      %add3A_148 = arith.addi %mul3A_70, %add3A_147 : i32
      %get3A_149 = arith.index_cast %add3A_148 : i32 to index
      %get3A_150 = arith.constant 32 : index
      %get3A_151 = tpu.vector_load %arg8[%get3A_149, %get3A_150] {strides = array<i32>} : memref<96x256xf32, #tpu.memory_space<vmem>>, vector<1x16xf32>,
      %get3A_152 = vector.shape_cast %get3A_151 : vector<1x16xf32> to vector<16xf32>
      %mul3A_153 = arith.mulf %get3A_83, %get3A_152 : vector<16xf32>
      %add3A_154 = arith.addf %mul3A_146, %mul3A_153 : vector<16xf32>
      %add3A_155 = arith.constant 2 : i32
      %add3A_156 = arith.addi %mul3A_70, %add3A_155 : i32
      %get3A_157 = arith.index_cast %add3A_156 : i32 to index
      %get3A_158 = arith.constant 32 : index
      %get3A_159 = tpu.vector_load %arg8[%get3A_157, %get3A_158] {strides = array<i32>} : memref<96x256xf32, #tpu.memory_space<vmem>>, vector<1x16xf32>,
      %get3A_160 = vector.shape_cast %get3A_159 : vector<1x16xf32> to vector<16xf32>
      %mul3A_161 = arith.mulf %get3A_90, %get3A_160 : vector<16xf32>
      %add3A_162 = arith.addf %add3A_154, %mul3A_161 : vector<16xf32>
      %swap3A_163 = arith.index_cast %add3A_72 : i32 to index
      %swap3A_164 = arith.constant 32 : index
      %swap3A_165 = tpu.vector_load %arg10[%swap3A_163, %swap3A_164] {strides = array<i32>} : memref<128x256xf32, #tpu.memory_space<vmem>>, vector<1x16xf32>,
      %swap3A_166 = vector.shape_cast %swap3A_165 : vector<1x16xf32> to vector<16xf32>
      %swap3A_167 = vector.shape_cast %add3A_162 : vector<16xf32> to vector<1x16xf32>
      tpu.vector_store %arg10[%swap3A_163, %swap3A_164], %swap3A_167 {strides = array<i32>} : memref<128x256xf32, #tpu.memory_space<vmem>>, vector<1x16xf32>,
      %get3A_168 = arith.index_cast %mul3A_70 : i32 to index
      %get3A_169 = arith.constant 48 : index
      %get3A_170 = tpu.vector_load %arg8[%get3A_168, %get3A_169] {strides = array<i32>} : memref<96x256xf32, #tpu.memory_space<vmem>>, vector<1x16xf32>,
      %get3A_171 = vector.shape_cast %get3A_170 : vector<1x16xf32> to vector<16xf32>
      %mul3A_172 = arith.mulf %get3A_76, %get3A_171 : vector<16xf32>
      %add3A_173 = arith.constant 1 : i32
      %add3A_174 = arith.addi %mul3A_70, %add3A_173 : i32
      %get3A_175 = arith.index_cast %add3A_174 : i32 to index
      %get3A_176 = arith.constant 48 : index
      %get3A_177 = tpu.vector_load %arg8[%get3A_175, %get3A_176] {strides = array<i32>} : memref<96x256xf32, #tpu.memory_space<vmem>>, vector<1x16xf32>,
      %get3A_178 = vector.shape_cast %get3A_177 : vector<1x16xf32> to vector<16xf32>
      %mul3A_179 = arith.mulf %get3A_83, %get3A_178 : vector<16xf32>
      %add3A_180 = arith.addf %mul3A_172, %mul3A_179 : vector<16xf32>
      %add3A_181 = arith.constant 2 : i32
      %add3A_182 = arith.addi %mul3A_70, %add3A_181 : i32
      %get3A_183 = arith.index_cast %add3A_182 : i32 to index
      %get3A_184 = arith.constant 48 : index
      %get3A_185 = tpu.vector_load %arg8[%get3A_183, %get3A_184] {strides = array<i32>} : memref<96x256xf32, #tpu.memory_space<vmem>>, vector<1x16xf32>,
      %get3A_186 = vector.shape_cast %get3A_185 : vector<1x16xf32> to vector<16xf32>
      %mul3A_187 = arith.mulf %get3A_90, %get3A_186 : vector<16xf32>
      %add3A_188 = arith.addf %add3A_180, %mul3A_187 : vector<16xf32>
      %swap3A_189 = arith.index_cast %add3A_72 : i32 to index
      %swap3A_190 = arith.constant 48 : index
      %swap3A_191 = tpu.vector_load %arg10[%swap3A_189, %swap3A_190] {strides = array<i32>} : memref<128x256xf32, #tpu.memory_space<vmem>>, vector<1x16xf32>,
      %swap3A_192 = vector.shape_cast %swap3A_191 : vector<1x16xf32> to vector<16xf32>
      %swap3A_193 = vector.shape_cast %add3A_188 : vector<16xf32> to vector<1x16xf32>
      tpu.vector_store %arg10[%swap3A_189, %swap3A_190], %swap3A_193 {strides = array<i32>} : memref<128x256xf32, #tpu.memory_space<vmem>>, vector<1x16xf32>,
      %get3A_194 = arith.index_cast %mul3A_70 : i32 to index
      %get3A_195 = arith.constant 64 : index
      %get3A_196 = tpu.vector_load %arg8[%get3A_194, %get3A_195] {strides = array<i32>} : memref<96x256xf32, #tpu.memory_space<vmem>>, vector<1x16xf32>,
      %get3A_197 = vector.shape_cast %get3A_196 : vector<1x16xf32> to vector<16xf32>
      %mul3A_198 = arith.mulf %get3A_76, %get3A_197 : vector<16xf32>
      %add3A_199 = arith.constant 1 : i32
      %add3A_200 = arith.addi %mul3A_70, %add3A_199 : i32
      %get3A_201 = arith.index_cast %add3A_200 : i32 to index
      %get3A_202 = arith.constant 64 : index
      %get3A_203 = tpu.vector_load %arg8[%get3A_201, %get3A_202] {strides = array<i32>} : memref<96x256xf32, #tpu.memory_space<vmem>>, vector<1x16xf32>,
      %get3A_204 = vector.shape_cast %get3A_203 : vector<1x16xf32> to vector<16xf32>
      %mul3A_205 = arith.mulf %get3A_83, %get3A_204 : vector<16xf32>
      %add3A_206 = arith.addf %mul3A_198, %mul3A_205 : vector<16xf32>
      %add3A_207 = arith.constant 2 : i32
      %add3A_208 = arith.addi %mul3A_70, %add3A_207 : i32
      %get3A_209 = arith.index_cast %add3A_208 : i32 to index
      %get3A_210 = arith.constant 64 : index
      %get3A_211 = tpu.vector_load %arg8[%get3A_209, %get3A_210] {strides = array<i32>} : memref<96x256xf32, #tpu.memory_space<vmem>>, vector<1x16xf32>,
      %get3A_212 = vector.shape_cast %get3A_211 : vector<1x16xf32> to vector<16xf32>
      %mul3A_213 = arith.mulf %get3A_90, %get3A_212 : vector<16xf32>
      %add3A_214 = arith.addf %add3A_206, %mul3A_213 : vector<16xf32>
      %swap3A_215 = arith.index_cast %add3A_72 : i32 to index
      %swap3A_216 = arith.constant 64 : index
      %swap3A_217 = tpu.vector_load %arg10[%swap3A_215, %swap3A_216] {strides = array<i32>} : memref<128x256xf32, #tpu.memory_space<vmem>>, vector<1x16xf32>,
      %swap3A_218 = vector.shape_cast %swap3A_217 : vector<1x16xf32> to vector<16xf32>
      %swap3A_219 = vector.shape_cast %add3A_214 : vector<16xf32> to vector<1x16xf32>
      tpu.vector_store %arg10[%swap3A_215, %swap3A_216], %swap3A_219 {strides = array<i32>} : memref<128x256xf32, #tpu.memory_space<vmem>>, vector<1x16xf32>,
      %get3A_220 = arith.index_cast %mul3A_70 : i32 to index
      %get3A_221 = arith.constant 80 : index
      %get3A_222 = tpu.vector_load %arg8[%get3A_220, %get3A_221] {strides = array<i32>} : memref<96x256xf32, #tpu.memory_space<vmem>>, vector<1x16xf32>,
      %get3A_223 = vector.shape_cast %get3A_222 : vector<1x16xf32> to vector<16xf32>
      %mul3A_224 = arith.mulf %get3A_76, %get3A_223 : vector<16xf32>
      %add3A_225 = arith.constant 1 : i32
      %add3A_226 = arith.addi %mul3A_70, %add3A_225 : i32
      %get3A_227 = arith.index_cast %add3A_226 : i32 to index
      %get3A_228 = arith.constant 80 : index
      %get3A_229 = tpu.vector_load %arg8[%get3A_227, %get3A_228] {strides = array<i32>} : memref<96x256xf32, #tpu.memory_space<vmem>>, vector<1x16xf32>,
      %get3A_230 = vector.shape_cast %get3A_229 : vector<1x16xf32> to vector<16xf32>
      %mul3A_231 = arith.mulf %get3A_83, %get3A_230 : vector<16xf32>
      %add3A_232 = arith.addf %mul3A_224, %mul3A_231 : vector<16xf32>
      %add3A_233 = arith.constant 2 : i32
      %add3A_234 = arith.addi %mul3A_70, %add3A_233 : i32
      %get3A_235 = arith.index_cast %add3A_234 : i32 to index
      %get3A_236 = arith.constant 80 : index
      %get3A_237 = tpu.vector_load %arg8[%get3A_235, %get3A_236] {strides = array<i32>} : memref<96x256xf32, #tpu.memory_space<vmem>>, vector<1x16xf32>,
      %get3A_238 = vector.shape_cast %get3A_237 : vector<1x16xf32> to vector<16xf32>
      %mul3A_239 = arith.mulf %get3A_90, %get3A_238 : vector<16xf32>
      %add3A_240 = arith.addf %add3A_232, %mul3A_239 : vector<16xf32>
      %swap3A_241 = arith.index_cast %add3A_72 : i32 to index
      %swap3A_242 = arith.constant 80 : index
      %swap3A_243 = tpu.vector_load %arg10[%swap3A_241, %swap3A_242] {strides = array<i32>} : memref<128x256xf32, #tpu.memory_space<vmem>>, vector<1x16xf32>,
      %swap3A_244 = vector.shape_cast %swap3A_243 : vector<1x16xf32> to vector<16xf32>
      %swap3A_245 = vector.shape_cast %add3A_240 : vector<16xf32> to vector<1x16xf32>
      tpu.vector_store %arg10[%swap3A_241, %swap3A_242], %swap3A_245 {strides = array<i32>} : memref<128x256xf32, #tpu.memory_space<vmem>>, vector<1x16xf32>,
      %get3A_246 = arith.index_cast %mul3A_70 : i32 to index
      %get3A_247 = arith.constant 96 : index
      %get3A_248 = tpu.vector_load %arg8[%get3A_246, %get3A_247] {strides = array<i32>} : memref<96x256xf32, #tpu.memory_space<vmem>>, vector<1x16xf32>,
      %get3A_249 = vector.shape_cast %get3A_248 : vector<1x16xf32> to vector<16xf32>
      %mul3A_250 = arith.mulf %get3A_76, %get3A_249 : vector<16xf32>
      %add3A_251 = arith.constant 1 : i32
      %add3A_252 = arith.addi %mul3A_70, %add3A_251 : i32
      %get3A_253 = arith.index_cast %add3A_252 : i32 to index
      %get3A_254 = arith.constant 96 : index
      %get3A_255 = tpu.vector_load %arg8[%get3A_253, %get3A_254] {strides = array<i32>} : memref<96x256xf32, #tpu.memory_space<vmem>>, vector<1x16xf32>,
      %get3A_256 = vector.shape_cast %get3A_255 : vector<1x16xf32> to vector<16xf32>
      %mul3A_257 = arith.mulf %get3A_83, %get3A_256 : vector<16xf32>
      %add3A_258 = arith.addf %mul3A_250, %mul3A_257 : vector<16xf32>
      %add3A_259 = arith.constant 2 : i32
      %add3A_260 = arith.addi %mul3A_70, %add3A_259 : i32
      %get3A_261 = arith.index_cast %add3A_260 : i32 to index
      %get3A_262 = arith.constant 96 : index
      %get3A_263 = tpu.vector_load %arg8[%get3A_261, %get3A_262] {strides = array<i32>} : memref<96x256xf32, #tpu.memory_space<vmem>>, vector<1x16xf32>,
      %get3A_264 = vector.shape_cast %get3A_263 : vector<1x16xf32> to vector<16xf32>
      %mul3A_265 = arith.mulf %get3A_90, %get3A_264 : vector<16xf32>
      %add3A_266 = arith.addf %add3A_258, %mul3A_265 : vector<16xf32>
      %swap3A_267 = arith.index_cast %add3A_72 : i32 to index
      %swap3A_268 = arith.constant 96 : index
      %swap3A_269 = tpu.vector_load %arg10[%swap3A_267, %swap3A_268] {strides = array<i32>} : memref<128x256xf32, #tpu.memory_space<vmem>>, vector<1x16xf32>,
      %swap3A_270 = vector.shape_cast %swap3A_269 : vector<1x16xf32> to vector<16xf32>
      %swap3A_271 = vector.shape_cast %add3A_266 : vector<16xf32> to vector<1x16xf32>
      tpu.vector_store %arg10[%swap3A_267, %swap3A_268], %swap3A_271 {strides = array<i32>} : memref<128x256xf32, #tpu.memory_space<vmem>>, vector<1x16xf32>,
      %get3A_272 = arith.index_cast %mul3A_70 : i32 to index
      %get3A_273 = arith.constant 112 : index
      %get3A_274 = tpu.vector_load %arg8[%get3A_272, %get3A_273] {strides = array<i32>} : memref<96x256xf32, #tpu.memory_space<vmem>>, vector<1x16xf32>,
      %get3A_275 = vector.shape_cast %get3A_274 : vector<1x16xf32> to vector<16xf32>
      %mul3A_276 = arith.mulf %get3A_76, %get3A_275 : vector<16xf32>
      %add3A_277 = arith.constant 1 : i32
      %add3A_278 = arith.addi %mul3A_70, %add3A_277 : i32
      %get3A_279 = arith.index_cast %add3A_278 : i32 to index
      %get3A_280 = arith.constant 112 : index
      %get3A_281 = tpu.vector_load %arg8[%get3A_279, %get3A_280] {strides = array<i32>} : memref<96x256xf32, #tpu.memory_space<vmem>>, vector<1x16xf32>,
      %get3A_282 = vector.shape_cast %get3A_281 : vector<1x16xf32> to vector<16xf32>
      %mul3A_283 = arith.mulf %get3A_83, %get3A_282 : vector<16xf32>
      %add3A_284 = arith.addf %mul3A_276, %mul3A_283 : vector<16xf32>
      %add3A_285 = arith.constant 2 : i32
      %add3A_286 = arith.addi %mul3A_70, %add3A_285 : i32
      %get3A_287 = arith.index_cast %add3A_286 : i32 to index
      %get3A_288 = arith.constant 112 : index
      %get3A_289 = tpu.vector_load %arg8[%get3A_287, %get3A_288] {strides = array<i32>} : memref<96x256xf32, #tpu.memory_space<vmem>>, vector<1x16xf32>,
      %get3A_290 = vector.shape_cast %get3A_289 : vector<1x16xf32> to vector<16xf32>
      %mul3A_291 = arith.mulf %get3A_90, %get3A_290 : vector<16xf32>
      %add3A_292 = arith.addf %add3A_284, %mul3A_291 : vector<16xf32>
      %swap3A_293 = arith.index_cast %add3A_72 : i32 to index
      %swap3A_294 = arith.constant 112 : index
      %swap3A_295 = tpu.vector_load %arg10[%swap3A_293, %swap3A_294] {strides = array<i32>} : memref<128x256xf32, #tpu.memory_space<vmem>>, vector<1x16xf32>,
      %swap3A_296 = vector.shape_cast %swap3A_295 : vector<1x16xf32> to vector<16xf32>
      %swap3A_297 = vector.shape_cast %add3A_292 : vector<16xf32> to vector<1x16xf32>
      tpu.vector_store %arg10[%swap3A_293, %swap3A_294], %swap3A_297 {strides = array<i32>} : memref<128x256xf32, #tpu.memory_space<vmem>>, vector<1x16xf32>,
      %get3A_298 = arith.index_cast %mul3A_70 : i32 to index
      %get3A_299 = arith.constant 128 : index
      %get3A_300 = tpu.vector_load %arg8[%get3A_298, %get3A_299] {strides = array<i32>} : memref<96x256xf32, #tpu.memory_space<vmem>>, vector<1x16xf32>,
      %get3A_301 = vector.shape_cast %get3A_300 : vector<1x16xf32> to vector<16xf32>
      %mul3A_302 = arith.mulf %get3A_76, %get3A_301 : vector<16xf32>
      %add3A_303 = arith.constant 1 : i32
      %add3A_304 = arith.addi %mul3A_70, %add3A_303 : i32
      %get3A_305 = arith.index_cast %add3A_304 : i32 to index
      %get3A_306 = arith.constant 128 : index
      %get3A_307 = tpu.vector_load %arg8[%get3A_305, %get3A_306] {strides = array<i32>} : memref<96x256xf32, #tpu.memory_space<vmem>>, vector<1x16xf32>,
      %get3A_308 = vector.shape_cast %get3A_307 : vector<1x16xf32> to vector<16xf32>
      %mul3A_309 = arith.mulf %get3A_83, %get3A_308 : vector<16xf32>
      %add3A_310 = arith.addf %mul3A_302, %mul3A_309 : vector<16xf32>
      %add3A_311 = arith.constant 2 : i32
      %add3A_312 = arith.addi %mul3A_70, %add3A_311 : i32
      %get3A_313 = arith.index_cast %add3A_312 : i32 to index
      %get3A_314 = arith.constant 128 : index
      %get3A_315 = tpu.vector_load %arg8[%get3A_313, %get3A_314] {strides = array<i32>} : memref<96x256xf32, #tpu.memory_space<vmem>>, vector<1x16xf32>,
      %get3A_316 = vector.shape_cast %get3A_315 : vector<1x16xf32> to vector<16xf32>
      %mul3A_317 = arith.mulf %get3A_90, %get3A_316 : vector<16xf32>
      %add3A_318 = arith.addf %add3A_310, %mul3A_317 : vector<16xf32>
      %swap3A_319 = arith.index_cast %add3A_72 : i32 to index
      %swap3A_320 = arith.constant 128 : index
      %swap3A_321 = tpu.vector_load %arg10[%swap3A_319, %swap3A_320] {strides = array<i32>} : memref<128x256xf32, #tpu.memory_space<vmem>>, vector<1x16xf32>,
      %swap3A_322 = vector.shape_cast %swap3A_321 : vector<1x16xf32> to vector<16xf32>
      %swap3A_323 = vector.shape_cast %add3A_318 : vector<16xf32> to vector<1x16xf32>
      tpu.vector_store %arg10[%swap3A_319, %swap3A_320], %swap3A_323 {strides = array<i32>} : memref<128x256xf32, #tpu.memory_space<vmem>>, vector<1x16xf32>,
      %get3A_324 = arith.index_cast %mul3A_70 : i32 to index
      %get3A_325 = arith.constant 144 : index
      %get3A_326 = tpu.vector_load %arg8[%get3A_324, %get3A_325] {strides = array<i32>} : memref<96x256xf32, #tpu.memory_space<vmem>>, vector<1x16xf32>,
      %get3A_327 = vector.shape_cast %get3A_326 : vector<1x16xf32> to vector<16xf32>
      %mul3A_328 = arith.mulf %get3A_76, %get3A_327 : vector<16xf32>
      %add3A_329 = arith.constant 1 : i32
      %add3A_330 = arith.addi %mul3A_70, %add3A_329 : i32
      %get3A_331 = arith.index_cast %add3A_330 : i32 to index
      %get3A_332 = arith.constant 144 : index
      %get3A_333 = tpu.vector_load %arg8[%get3A_331, %get3A_332] {strides = array<i32>} : memref<96x256xf32, #tpu.memory_space<vmem>>, vector<1x16xf32>,
      %get3A_334 = vector.shape_cast %get3A_333 : vector<1x16xf32> to vector<16xf32>
      %mul3A_335 = arith.mulf %get3A_83, %get3A_334 : vector<16xf32>
      %add3A_336 = arith.addf %mul3A_328, %mul3A_335 : vector<16xf32>
      %add3A_337 = arith.constant 2 : i32
      %add3A_338 = arith.addi %mul3A_70, %add3A_337 : i32
      %get3A_339 = arith.index_cast %add3A_338 : i32 to index
      %get3A_340 = arith.constant 144 : index
      %get3A_341 = tpu.vector_load %arg8[%get3A_339, %get3A_340] {strides = array<i32>} : memref<96x256xf32, #tpu.memory_space<vmem>>, vector<1x16xf32>,
      %get3A_342 = vector.shape_cast %get3A_341 : vector<1x16xf32> to vector<16xf32>
      %mul3A_343 = arith.mulf %get3A_90, %get3A_342 : vector<16xf32>
      %add3A_344 = arith.addf %add3A_336, %mul3A_343 : vector<16xf32>
      %swap3A_345 = arith.index_cast %add3A_72 : i32 to index
      %swap3A_346 = arith.constant 144 : index
      %swap3A_347 = tpu.vector_load %arg10[%swap3A_345, %swap3A_346] {strides = array<i32>} : memref<128x256xf32, #tpu.memory_space<vmem>>, vector<1x16xf32>,
      %swap3A_348 = vector.shape_cast %swap3A_347 : vector<1x16xf32> to vector<16xf32>
      %swap3A_349 = vector.shape_cast %add3A_344 : vector<16xf32> to vector<1x16xf32>
      tpu.vector_store %arg10[%swap3A_345, %swap3A_346], %swap3A_349 {strides = array<i32>} : memref<128x256xf32, #tpu.memory_space<vmem>>, vector<1x16xf32>,
      %get3A_350 = arith.index_cast %mul3A_70 : i32 to index
      %get3A_351 = arith.constant 160 : index
      %get3A_352 = tpu.vector_load %arg8[%get3A_350, %get3A_351] {strides = array<i32>} : memref<96x256xf32, #tpu.memory_space<vmem>>, vector<1x16xf32>,
      %get3A_353 = vector.shape_cast %get3A_352 : vector<1x16xf32> to vector<16xf32>
      %mul3A_354 = arith.mulf %get3A_76, %get3A_353 : vector<16xf32>
      %add3A_355 = arith.constant 1 : i32
      %add3A_356 = arith.addi %mul3A_70, %add3A_355 : i32
      %get3A_357 = arith.index_cast %add3A_356 : i32 to index
      %get3A_358 = arith.constant 160 : index
      %get3A_359 = tpu.vector_load %arg8[%get3A_357, %get3A_358] {strides = array<i32>} : memref<96x256xf32, #tpu.memory_space<vmem>>, vector<1x16xf32>,
      %get3A_360 = vector.shape_cast %get3A_359 : vector<1x16xf32> to vector<16xf32>
      %mul3A_361 = arith.mulf %get3A_83, %get3A_360 : vector<16xf32>
      %add3A_362 = arith.addf %mul3A_354, %mul3A_361 : vector<16xf32>
      %add3A_363 = arith.constant 2 : i32
      %add3A_364 = arith.addi %mul3A_70, %add3A_363 : i32
      %get3A_365 = arith.index_cast %add3A_364 : i32 to index
      %get3A_366 = arith.constant 160 : index
      %get3A_367 = tpu.vector_load %arg8[%get3A_365, %get3A_366] {strides = array<i32>} : memref<96x256xf32, #tpu.memory_space<vmem>>, vector<1x16xf32>,
      %get3A_368 = vector.shape_cast %get3A_367 : vector<1x16xf32> to vector<16xf32>
      %mul3A_369 = arith.mulf %get3A_90, %get3A_368 : vector<16xf32>
      %add3A_370 = arith.addf %add3A_362, %mul3A_369 : vector<16xf32>
      %swap3A_371 = arith.index_cast %add3A_72 : i32 to index
      %swap3A_372 = arith.constant 160 : index
      %swap3A_373 = tpu.vector_load %arg10[%swap3A_371, %swap3A_372] {strides = array<i32>} : memref<128x256xf32, #tpu.memory_space<vmem>>, vector<1x16xf32>,
      %swap3A_374 = vector.shape_cast %swap3A_373 : vector<1x16xf32> to vector<16xf32>
      %swap3A_375 = vector.shape_cast %add3A_370 : vector<16xf32> to vector<1x16xf32>
      tpu.vector_store %arg10[%swap3A_371, %swap3A_372], %swap3A_375 {strides = array<i32>} : memref<128x256xf32, #tpu.memory_space<vmem>>, vector<1x16xf32>,
      %get3A_376 = arith.index_cast %mul3A_70 : i32 to index
      %get3A_377 = arith.constant 176 : index
      %get3A_378 = tpu.vector_load %arg8[%get3A_376, %get3A_377] {strides = array<i32>} : memref<96x256xf32, #tpu.memory_space<vmem>>, vector<1x16xf32>,
      %get3A_379 = vector.shape_cast %get3A_378 : vector<1x16xf32> to vector<16xf32>
      %mul3A_380 = arith.mulf %get3A_76, %get3A_379 : vector<16xf32>
      %add3A_381 = arith.constant 1 : i32
      %add3A_382 = arith.addi %mul3A_70, %add3A_381 : i32
      %get3A_383 = arith.index_cast %add3A_382 : i32 to index
      %get3A_384 = arith.constant 176 : index
      %get3A_385 = tpu.vector_load %arg8[%get3A_383, %get3A_384] {strides = array<i32>} : memref<96x256xf32, #tpu.memory_space<vmem>>, vector<1x16xf32>,
      %get3A_386 = vector.shape_cast %get3A_385 : vector<1x16xf32> to vector<16xf32>
      %mul3A_387 = arith.mulf %get3A_83, %get3A_386 : vector<16xf32>
      %add3A_388 = arith.addf %mul3A_380, %mul3A_387 : vector<16xf32>
      %add3A_389 = arith.constant 2 : i32
      %add3A_390 = arith.addi %mul3A_70, %add3A_389 : i32
      %get3A_391 = arith.index_cast %add3A_390 : i32 to index
      %get3A_392 = arith.constant 176 : index
      %get3A_393 = tpu.vector_load %arg8[%get3A_391, %get3A_392] {strides = array<i32>} : memref<96x256xf32, #tpu.memory_space<vmem>>, vector<1x16xf32>,
      %get3A_394 = vector.shape_cast %get3A_393 : vector<1x16xf32> to vector<16xf32>
      %mul3A_395 = arith.mulf %get3A_90, %get3A_394 : vector<16xf32>
      %add3A_396 = arith.addf %add3A_388, %mul3A_395 : vector<16xf32>
      %swap3A_397 = arith.index_cast %add3A_72 : i32 to index
      %swap3A_398 = arith.constant 176 : index
      %swap3A_399 = tpu.vector_load %arg10[%swap3A_397, %swap3A_398] {strides = array<i32>} : memref<128x256xf32, #tpu.memory_space<vmem>>, vector<1x16xf32>,
      %swap3A_400 = vector.shape_cast %swap3A_399 : vector<1x16xf32> to vector<16xf32>
      %swap3A_401 = vector.shape_cast %add3A_396 : vector<16xf32> to vector<1x16xf32>
      tpu.vector_store %arg10[%swap3A_397, %swap3A_398], %swap3A_401 {strides = array<i32>} : memref<128x256xf32, #tpu.memory_space<vmem>>, vector<1x16xf32>,
      %get3A_402 = arith.index_cast %mul3A_70 : i32 to index
      %get3A_403 = arith.constant 192 : index
      %get3A_404 = tpu.vector_load %arg8[%get3A_402, %get3A_403] {strides = array<i32>} : memref<96x256xf32, #tpu.memory_space<vmem>>, vector<1x16xf32>,
      %get3A_405 = vector.shape_cast %get3A_404 : vector<1x16xf32> to vector<16xf32>
      %mul3A_406 = arith.mulf %get3A_76, %get3A_405 : vector<16xf32>
      %add3A_407 = arith.constant 1 : i32
      %add3A_408 = arith.addi %mul3A_70, %add3A_407 : i32
      %get3A_409 = arith.index_cast %add3A_408 : i32 to index
      %get3A_410 = arith.constant 192 : index
      %get3A_411 = tpu.vector_load %arg8[%get3A_409, %get3A_410] {strides = array<i32>} : memref<96x256xf32, #tpu.memory_space<vmem>>, vector<1x16xf32>,
      %get3A_412 = vector.shape_cast %get3A_411 : vector<1x16xf32> to vector<16xf32>
      %mul3A_413 = arith.mulf %get3A_83, %get3A_412 : vector<16xf32>
      %add3A_414 = arith.addf %mul3A_406, %mul3A_413 : vector<16xf32>
      %add3A_415 = arith.constant 2 : i32
      %add3A_416 = arith.addi %mul3A_70, %add3A_415 : i32
      %get3A_417 = arith.index_cast %add3A_416 : i32 to index
      %get3A_418 = arith.constant 192 : index
      %get3A_419 = tpu.vector_load %arg8[%get3A_417, %get3A_418] {strides = array<i32>} : memref<96x256xf32, #tpu.memory_space<vmem>>, vector<1x16xf32>,
      %get3A_420 = vector.shape_cast %get3A_419 : vector<1x16xf32> to vector<16xf32>
      %mul3A_421 = arith.mulf %get3A_90, %get3A_420 : vector<16xf32>
      %add3A_422 = arith.addf %add3A_414, %mul3A_421 : vector<16xf32>
      %swap3A_423 = arith.index_cast %add3A_72 : i32 to index
      %swap3A_424 = arith.constant 192 : index
      %swap3A_425 = tpu.vector_load %arg10[%swap3A_423, %swap3A_424] {strides = array<i32>} : memref<128x256xf32, #tpu.memory_space<vmem>>, vector<1x16xf32>,
      %swap3A_426 = vector.shape_cast %swap3A_425 : vector<1x16xf32> to vector<16xf32>
      %swap3A_427 = vector.shape_cast %add3A_422 : vector<16xf32> to vector<1x16xf32>
      tpu.vector_store %arg10[%swap3A_423, %swap3A_424], %swap3A_427 {strides = array<i32>} : memref<128x256xf32, #tpu.memory_space<vmem>>, vector<1x16xf32>,
      %get3A_428 = arith.index_cast %mul3A_70 : i32 to index
      %get3A_429 = arith.constant 208 : index
      %get3A_430 = tpu.vector_load %arg8[%get3A_428, %get3A_429] {strides = array<i32>} : memref<96x256xf32, #tpu.memory_space<vmem>>, vector<1x16xf32>,
      %get3A_431 = vector.shape_cast %get3A_430 : vector<1x16xf32> to vector<16xf32>
      %mul3A_432 = arith.mulf %get3A_76, %get3A_431 : vector<16xf32>
      %add3A_433 = arith.constant 1 : i32
      %add3A_434 = arith.addi %mul3A_70, %add3A_433 : i32
      %get3A_435 = arith.index_cast %add3A_434 : i32 to index
      %get3A_436 = arith.constant 208 : index
      %get3A_437 = tpu.vector_load %arg8[%get3A_435, %get3A_436] {strides = array<i32>} : memref<96x256xf32, #tpu.memory_space<vmem>>, vector<1x16xf32>,
      %get3A_438 = vector.shape_cast %get3A_437 : vector<1x16xf32> to vector<16xf32>
      %mul3A_439 = arith.mulf %get3A_83, %get3A_438 : vector<16xf32>
      %add3A_440 = arith.addf %mul3A_432, %mul3A_439 : vector<16xf32>
      %add3A_441 = arith.constant 2 : i32
      %add3A_442 = arith.addi %mul3A_70, %add3A_441 : i32
      %get3A_443 = arith.index_cast %add3A_442 : i32 to index
      %get3A_444 = arith.constant 208 : index
      %get3A_445 = tpu.vector_load %arg8[%get3A_443, %get3A_444] {strides = array<i32>} : memref<96x256xf32, #tpu.memory_space<vmem>>, vector<1x16xf32>,
      %get3A_446 = vector.shape_cast %get3A_445 : vector<1x16xf32> to vector<16xf32>
      %mul3A_447 = arith.mulf %get3A_90, %get3A_446 : vector<16xf32>
      %add3A_448 = arith.addf %add3A_440, %mul3A_447 : vector<16xf32>
      %swap3A_449 = arith.index_cast %add3A_72 : i32 to index
      %swap3A_450 = arith.constant 208 : index
      %swap3A_451 = tpu.vector_load %arg10[%swap3A_449, %swap3A_450] {strides = array<i32>} : memref<128x256xf32, #tpu.memory_space<vmem>>, vector<1x16xf32>,
      %swap3A_452 = vector.shape_cast %swap3A_451 : vector<1x16xf32> to vector<16xf32>
      %swap3A_453 = vector.shape_cast %add3A_448 : vector<16xf32> to vector<1x16xf32>
      tpu.vector_store %arg10[%swap3A_449, %swap3A_450], %swap3A_453 {strides = array<i32>} : memref<128x256xf32, #tpu.memory_space<vmem>>, vector<1x16xf32>,
      %get3A_454 = arith.index_cast %mul3A_70 : i32 to index
      %get3A_455 = arith.constant 224 : index
      %get3A_456 = tpu.vector_load %arg8[%get3A_454, %get3A_455] {strides = array<i32>} : memref<96x256xf32, #tpu.memory_space<vmem>>, vector<1x16xf32>,
      %get3A_457 = vector.shape_cast %get3A_456 : vector<1x16xf32> to vector<16xf32>
      %mul3A_458 = arith.mulf %get3A_76, %get3A_457 : vector<16xf32>
      %add3A_459 = arith.constant 1 : i32
      %add3A_460 = arith.addi %mul3A_70, %add3A_459 : i32
      %get3A_461 = arith.index_cast %add3A_460 : i32 to index
      %get3A_462 = arith.constant 224 : index
      %get3A_463 = tpu.vector_load %arg8[%get3A_461, %get3A_462] {strides = array<i32>} : memref<96x256xf32, #tpu.memory_space<vmem>>, vector<1x16xf32>,
      %get3A_464 = vector.shape_cast %get3A_463 : vector<1x16xf32> to vector<16xf32>
      %mul3A_465 = arith.mulf %get3A_83, %get3A_464 : vector<16xf32>
      %add3A_466 = arith.addf %mul3A_458, %mul3A_465 : vector<16xf32>
      %add3A_467 = arith.constant 2 : i32
      %add3A_468 = arith.addi %mul3A_70, %add3A_467 : i32
      %get3A_469 = arith.index_cast %add3A_468 : i32 to index
      %get3A_470 = arith.constant 224 : index
      %get3A_471 = tpu.vector_load %arg8[%get3A_469, %get3A_470] {strides = array<i32>} : memref<96x256xf32, #tpu.memory_space<vmem>>, vector<1x16xf32>,
      %get3A_472 = vector.shape_cast %get3A_471 : vector<1x16xf32> to vector<16xf32>
      %mul3A_473 = arith.mulf %get3A_90, %get3A_472 : vector<16xf32>
      %add3A_474 = arith.addf %add3A_466, %mul3A_473 : vector<16xf32>
      %swap3A_475 = arith.index_cast %add3A_72 : i32 to index
      %swap3A_476 = arith.constant 224 : index
      %swap3A_477 = tpu.vector_load %arg10[%swap3A_475, %swap3A_476] {strides = array<i32>} : memref<128x256xf32, #tpu.memory_space<vmem>>, vector<1x16xf32>,
      %swap3A_478 = vector.shape_cast %swap3A_477 : vector<1x16xf32> to vector<16xf32>
      %swap3A_479 = vector.shape_cast %add3A_474 : vector<16xf32> to vector<1x16xf32>
      tpu.vector_store %arg10[%swap3A_475, %swap3A_476], %swap3A_479 {strides = array<i32>} : memref<128x256xf32, #tpu.memory_space<vmem>>, vector<1x16xf32>,
      %get3A_480 = arith.index_cast %mul3A_70 : i32 to index
      %get3A_481 = arith.constant 240 : index
      %get3A_482 = tpu.vector_load %arg8[%get3A_480, %get3A_481] {strides = array<i32>} : memref<96x256xf32, #tpu.memory_space<vmem>>, vector<1x16xf32>,
      %get3A_483 = vector.shape_cast %get3A_482 : vector<1x16xf32> to vector<16xf32>
      %mul3A_484 = arith.mulf %get3A_76, %get3A_483 : vector<16xf32>
      %add3A_485 = arith.constant 1 : i32
      %add3A_486 = arith.addi %mul3A_70, %add3A_485 : i32
      %get3A_487 = arith.index_cast %add3A_486 : i32 to index
      %get3A_488 = arith.constant 240 : index
      %get3A_489 = tpu.vector_load %arg8[%get3A_487, %get3A_488] {strides = array<i32>} : memref<96x256xf32, #tpu.memory_space<vmem>>, vector<1x16xf32>,
      %get3A_490 = vector.shape_cast %get3A_489 : vector<1x16xf32> to vector<16xf32>
      %mul3A_491 = arith.mulf %get3A_83, %get3A_490 : vector<16xf32>
      %add3A_492 = arith.addf %mul3A_484, %mul3A_491 : vector<16xf32>
      %add3A_493 = arith.constant 2 : i32
      %add3A_494 = arith.addi %mul3A_70, %add3A_493 : i32
      %get3A_495 = arith.index_cast %add3A_494 : i32 to index
      %get3A_496 = arith.constant 240 : index
      %get3A_497 = tpu.vector_load %arg8[%get3A_495, %get3A_496] {strides = array<i32>} : memref<96x256xf32, #tpu.memory_space<vmem>>, vector<1x16xf32>,
      %get3A_498 = vector.shape_cast %get3A_497 : vector<1x16xf32> to vector<16xf32>
      %mul3A_499 = arith.mulf %get3A_90, %get3A_498 : vector<16xf32>
      %add3A_500 = arith.addf %add3A_492, %mul3A_499 : vector<16xf32>
      %swap3A_501 = arith.index_cast %add3A_72 : i32 to index
      %swap3A_502 = arith.constant 240 : index
      %swap3A_503 = tpu.vector_load %arg10[%swap3A_501, %swap3A_502] {strides = array<i32>} : memref<128x256xf32, #tpu.memory_space<vmem>>, vector<1x16xf32>,
      %swap3A_504 = vector.shape_cast %swap3A_503 : vector<1x16xf32> to vector<16xf32>
      %swap3A_505 = vector.shape_cast %add3A_500 : vector<16xf32> to vector<1x16xf32>
      tpu.vector_store %arg10[%swap3A_501, %swap3A_502], %swap3A_505 {strides = array<i32>} : memref<128x256xf32, #tpu.memory_space<vmem>>, vector<1x16xf32>,
    }
    %scan3A_24 = arith.constant 32 : i32
    %dma_start3A_25 = arith.constant 192 : i32
    %dma_start3A_26 = tpu.memref_slice %arg6[%dma_start3A_25] : memref<384xi32, #tpu.memory_space<vmem>> -> memref<96xi32, #tpu.memory_space<vmem>>
    %dma_start3A_27 = arith.constant 0 : i32
    %dma_start3A_28 = arith.constant 0 : i32
    %dma_start3A_29 = tpu.memref_slice %arg2[%dma_start3A_27, %dma_start3A_28] : memref<10000x256xf32, #tpu.memory_space<hbm>> -> memref<10000x256xf32, #tpu.memory_space<hbm>>
    tpu.enqueue_indirect_dma source(%dma_start3A_29 : memref<10000x256xf32, #tpu.memory_space<hbm>>) target(%arg8 : memref<96x256xf32, #tpu.memory_space<vmem>>) offsets(%dma_start3A_26 : memref<96xi32, #tpu.memory_space<vmem>>) semaphore(%arg11 : memref<!tpu.dma_semaphore, #tpu.memory_space<semaphore_mem>>)
    %dma_wait3A_30 = arith.constant 96 : i32
    %dma_wait3A_31 = tpu.memref_slice %arg6[%dma_wait3A_30] : memref<384xi32, #tpu.memory_space<vmem>> -> memref<96xi32, #tpu.memory_space<vmem>>
    %dma_wait3A_32 = arith.constant 0 : i32
    %dma_wait3A_33 = arith.constant 0 : i32
    %dma_wait3A_34 = tpu.memref_slice %arg2[%dma_wait3A_32, %dma_wait3A_33] : memref<10000x256xf32, #tpu.memory_space<hbm>> -> memref<10000x256xf32, #tpu.memory_space<hbm>>
    tpu.wait_indirect_dma semaphore(%arg12 : memref<!tpu.dma_semaphore, #tpu.memory_space<semaphore_mem>>) src(%dma_wait3A_34 : memref<10000x256xf32, #tpu.memory_space<hbm>>) dst(%arg9 : memref<96x256xf32, #tpu.memory_space<vmem>>)
    %scan3A_35 = arith.constant 0 : i32
    %scan3A_36 = arith.constant 0 : i32
    %scan3A_37 = arith.constant 32 : i32
    %scan3A_38 = arith.addi %scan3A_36, %scan3A_37 : i32
    %scan3A_39 = arith.constant 1 : i32
    scf.for %scan3A_68 = %scan3A_36 to %scan3A_38 step %scan3A_39  : i32 {
      %mul3A_69 = arith.constant 3 : i32
      %mul3A_70 = arith.muli %scan3A_68, %mul3A_69 : i32
      %add3A_71 = arith.constant 32 : i32
      %add3A_72 = arith.addi %add3A_71, %scan3A_68 : i32
      %mul3A_73 = arith.constant 48 : i32
      %mul3A_74 = arith.muli %add3A_72, %mul3A_73 : i32
      %get3A = arith.index_cast %mul3A_74 : i32 to index
      %get3A_75 = tpu.vector_load %arg7[%get3A] {strides = array<i32>} : memref<6144xf32, #tpu.memory_space<vmem>>, vector<16xf32>,
      %get3A_76 = vector.shape_cast %get3A_75 : vector<16xf32> to vector<16xf32>
      %mul3A_77 = arith.constant 48 : i32
      %mul3A_78 = arith.muli %add3A_72, %mul3A_77 : i32
      %add3A_79 = arith.constant 16 : i32
      %add3A_80 = arith.addi %mul3A_78, %add3A_79 : i32
      %get3A_81 = arith.index_cast %add3A_80 : i32 to index
      %get3A_82 = tpu.vector_load %arg7[%get3A_81] {strides = array<i32>} : memref<6144xf32, #tpu.memory_space<vmem>>, vector<16xf32>,
      %get3A_83 = vector.shape_cast %get3A_82 : vector<16xf32> to vector<16xf32>
      %mul3A_84 = arith.constant 48 : i32
      %mul3A_85 = arith.muli %add3A_72, %mul3A_84 : i32
      %add3A_86 = arith.constant 32 : i32
      %add3A_87 = arith.addi %mul3A_85, %add3A_86 : i32
      %get3A_88 = arith.index_cast %add3A_87 : i32 to index
      %get3A_89 = tpu.vector_load %arg7[%get3A_88] {strides = array<i32>} : memref<6144xf32, #tpu.memory_space<vmem>>, vector<16xf32>,
      %get3A_90 = vector.shape_cast %get3A_89 : vector<16xf32> to vector<16xf32>
      %get3A_91 = arith.index_cast %mul3A_70 : i32 to index
      %get3A_92 = arith.constant 0 : index
      %get3A_93 = tpu.vector_load %arg9[%get3A_91, %get3A_92] {strides = array<i32>} : memref<96x256xf32, #tpu.memory_space<vmem>>, vector<1x16xf32>,
      %get3A_94 = vector.shape_cast %get3A_93 : vector<1x16xf32> to vector<16xf32>
      %mul3A_95 = arith.mulf %get3A_76, %get3A_94 : vector<16xf32>
      %add3A_96 = arith.constant 1 : i32
      %add3A_97 = arith.addi %mul3A_70, %add3A_96 : i32
      %get3A_98 = arith.index_cast %add3A_97 : i32 to index
      %get3A_99 = arith.constant 0 : index
      %get3A_100 = tpu.vector_load %arg9[%get3A_98, %get3A_99] {strides = array<i32>} : memref<96x256xf32, #tpu.memory_space<vmem>>, vector<1x16xf32>,
      %get3A_101 = vector.shape_cast %get3A_100 : vector<1x16xf32> to vector<16xf32>
      %mul3A_102 = arith.mulf %get3A_83, %get3A_101 : vector<16xf32>
      %add3A_103 = arith.addf %mul3A_95, %mul3A_102 : vector<16xf32>
      %add3A_104 = arith.constant 2 : i32
      %add3A_105 = arith.addi %mul3A_70, %add3A_104 : i32
      %get3A_106 = arith.index_cast %add3A_105 : i32 to index
      %get3A_107 = arith.constant 0 : index
      %get3A_108 = tpu.vector_load %arg9[%get3A_106, %get3A_107] {strides = array<i32>} : memref<96x256xf32, #tpu.memory_space<vmem>>, vector<1x16xf32>,
      %get3A_109 = vector.shape_cast %get3A_108 : vector<1x16xf32> to vector<16xf32>
      %mul3A_110 = arith.mulf %get3A_90, %get3A_109 : vector<16xf32>
      %add3A_111 = arith.addf %add3A_103, %mul3A_110 : vector<16xf32>
      %swap3A = arith.index_cast %add3A_72 : i32 to index
      %swap3A_112 = arith.constant 0 : index
      %swap3A_113 = tpu.vector_load %arg10[%swap3A, %swap3A_112] {strides = array<i32>} : memref<128x256xf32, #tpu.memory_space<vmem>>, vector<1x16xf32>,
      %swap3A_114 = vector.shape_cast %swap3A_113 : vector<1x16xf32> to vector<16xf32>
      %swap3A_115 = vector.shape_cast %add3A_111 : vector<16xf32> to vector<1x16xf32>
      tpu.vector_store %arg10[%swap3A, %swap3A_112], %swap3A_115 {strides = array<i32>} : memref<128x256xf32, #tpu.memory_space<vmem>>, vector<1x16xf32>,
      %get3A_116 = arith.index_cast %mul3A_70 : i32 to index
      %get3A_117 = arith.constant 16 : index
      %get3A_118 = tpu.vector_load %arg9[%get3A_116, %get3A_117] {strides = array<i32>} : memref<96x256xf32, #tpu.memory_space<vmem>>, vector<1x16xf32>,
      %get3A_119 = vector.shape_cast %get3A_118 : vector<1x16xf32> to vector<16xf32>
      %mul3A_120 = arith.mulf %get3A_76, %get3A_119 : vector<16xf32>
      %add3A_121 = arith.constant 1 : i32
      %add3A_122 = arith.addi %mul3A_70, %add3A_121 : i32
      %get3A_123 = arith.index_cast %add3A_122 : i32 to index
      %get3A_124 = arith.constant 16 : index
      %get3A_125 = tpu.vector_load %arg9[%get3A_123, %get3A_124] {strides = array<i32>} : memref<96x256xf32, #tpu.memory_space<vmem>>, vector<1x16xf32>,
      %get3A_126 = vector.shape_cast %get3A_125 : vector<1x16xf32> to vector<16xf32>
      %mul3A_127 = arith.mulf %get3A_83, %get3A_126 : vector<16xf32>
      %add3A_128 = arith.addf %mul3A_120, %mul3A_127 : vector<16xf32>
      %add3A_129 = arith.constant 2 : i32
      %add3A_130 = arith.addi %mul3A_70, %add3A_129 : i32
      %get3A_131 = arith.index_cast %add3A_130 : i32 to index
      %get3A_132 = arith.constant 16 : index
      %get3A_133 = tpu.vector_load %arg9[%get3A_131, %get3A_132] {strides = array<i32>} : memref<96x256xf32, #tpu.memory_space<vmem>>, vector<1x16xf32>,
      %get3A_134 = vector.shape_cast %get3A_133 : vector<1x16xf32> to vector<16xf32>
      %mul3A_135 = arith.mulf %get3A_90, %get3A_134 : vector<16xf32>
      %add3A_136 = arith.addf %add3A_128, %mul3A_135 : vector<16xf32>
      %swap3A_137 = arith.index_cast %add3A_72 : i32 to index
      %swap3A_138 = arith.constant 16 : index
      %swap3A_139 = tpu.vector_load %arg10[%swap3A_137, %swap3A_138] {strides = array<i32>} : memref<128x256xf32, #tpu.memory_space<vmem>>, vector<1x16xf32>,
      %swap3A_140 = vector.shape_cast %swap3A_139 : vector<1x16xf32> to vector<16xf32>
      %swap3A_141 = vector.shape_cast %add3A_136 : vector<16xf32> to vector<1x16xf32>
      tpu.vector_store %arg10[%swap3A_137, %swap3A_138], %swap3A_141 {strides = array<i32>} : memref<128x256xf32, #tpu.memory_space<vmem>>, vector<1x16xf32>,
      %get3A_142 = arith.index_cast %mul3A_70 : i32 to index
      %get3A_143 = arith.constant 32 : index
      %get3A_144 = tpu.vector_load %arg9[%get3A_142, %get3A_143] {strides = array<i32>} : memref<96x256xf32, #tpu.memory_space<vmem>>, vector<1x16xf32>,
      %get3A_145 = vector.shape_cast %get3A_144 : vector<1x16xf32> to vector<16xf32>
      %mul3A_146 = arith.mulf %get3A_76, %get3A_145 : vector<16xf32>
      %add3A_147 = arith.constant 1 : i32
      %add3A_148 = arith.addi %mul3A_70, %add3A_147 : i32
      %get3A_149 = arith.index_cast %add3A_148 : i32 to index
      %get3A_150 = arith.constant 32 : index
      %get3A_151 = tpu.vector_load %arg9[%get3A_149, %get3A_150] {strides = array<i32>} : memref<96x256xf32, #tpu.memory_space<vmem>>, vector<1x16xf32>,
      %get3A_152 = vector.shape_cast %get3A_151 : vector<1x16xf32> to vector<16xf32>
      %mul3A_153 = arith.mulf %get3A_83, %get3A_152 : vector<16xf32>
      %add3A_154 = arith.addf %mul3A_146, %mul3A_153 : vector<16xf32>
      %add3A_155 = arith.constant 2 : i32
      %add3A_156 = arith.addi %mul3A_70, %add3A_155 : i32
      %get3A_157 = arith.index_cast %add3A_156 : i32 to index
      %get3A_158 = arith.constant 32 : index
      %get3A_159 = tpu.vector_load %arg9[%get3A_157, %get3A_158] {strides = array<i32>} : memref<96x256xf32, #tpu.memory_space<vmem>>, vector<1x16xf32>,
      %get3A_160 = vector.shape_cast %get3A_159 : vector<1x16xf32> to vector<16xf32>
      %mul3A_161 = arith.mulf %get3A_90, %get3A_160 : vector<16xf32>
      %add3A_162 = arith.addf %add3A_154, %mul3A_161 : vector<16xf32>
      %swap3A_163 = arith.index_cast %add3A_72 : i32 to index
      %swap3A_164 = arith.constant 32 : index
      %swap3A_165 = tpu.vector_load %arg10[%swap3A_163, %swap3A_164] {strides = array<i32>} : memref<128x256xf32, #tpu.memory_space<vmem>>, vector<1x16xf32>,
      %swap3A_166 = vector.shape_cast %swap3A_165 : vector<1x16xf32> to vector<16xf32>
      %swap3A_167 = vector.shape_cast %add3A_162 : vector<16xf32> to vector<1x16xf32>
      tpu.vector_store %arg10[%swap3A_163, %swap3A_164], %swap3A_167 {strides = array<i32>} : memref<128x256xf32, #tpu.memory_space<vmem>>, vector<1x16xf32>,
      %get3A_168 = arith.index_cast %mul3A_70 : i32 to index
      %get3A_169 = arith.constant 48 : index
      %get3A_170 = tpu.vector_load %arg9[%get3A_168, %get3A_169] {strides = array<i32>} : memref<96x256xf32, #tpu.memory_space<vmem>>, vector<1x16xf32>,
      %get3A_171 = vector.shape_cast %get3A_170 : vector<1x16xf32> to vector<16xf32>
      %mul3A_172 = arith.mulf %get3A_76, %get3A_171 : vector<16xf32>
      %add3A_173 = arith.constant 1 : i32
      %add3A_174 = arith.addi %mul3A_70, %add3A_173 : i32
      %get3A_175 = arith.index_cast %add3A_174 : i32 to index
      %get3A_176 = arith.constant 48 : index
      %get3A_177 = tpu.vector_load %arg9[%get3A_175, %get3A_176] {strides = array<i32>} : memref<96x256xf32, #tpu.memory_space<vmem>>, vector<1x16xf32>,
      %get3A_178 = vector.shape_cast %get3A_177 : vector<1x16xf32> to vector<16xf32>
      %mul3A_179 = arith.mulf %get3A_83, %get3A_178 : vector<16xf32>
      %add3A_180 = arith.addf %mul3A_172, %mul3A_179 : vector<16xf32>
      %add3A_181 = arith.constant 2 : i32
      %add3A_182 = arith.addi %mul3A_70, %add3A_181 : i32
      %get3A_183 = arith.index_cast %add3A_182 : i32 to index
      %get3A_184 = arith.constant 48 : index
      %get3A_185 = tpu.vector_load %arg9[%get3A_183, %get3A_184] {strides = array<i32>} : memref<96x256xf32, #tpu.memory_space<vmem>>, vector<1x16xf32>,
      %get3A_186 = vector.shape_cast %get3A_185 : vector<1x16xf32> to vector<16xf32>
      %mul3A_187 = arith.mulf %get3A_90, %get3A_186 : vector<16xf32>
      %add3A_188 = arith.addf %add3A_180, %mul3A_187 : vector<16xf32>
      %swap3A_189 = arith.index_cast %add3A_72 : i32 to index
      %swap3A_190 = arith.constant 48 : index
      %swap3A_191 = tpu.vector_load %arg10[%swap3A_189, %swap3A_190] {strides = array<i32>} : memref<128x256xf32, #tpu.memory_space<vmem>>, vector<1x16xf32>,
      %swap3A_192 = vector.shape_cast %swap3A_191 : vector<1x16xf32> to vector<16xf32>
      %swap3A_193 = vector.shape_cast %add3A_188 : vector<16xf32> to vector<1x16xf32>
      tpu.vector_store %arg10[%swap3A_189, %swap3A_190], %swap3A_193 {strides = array<i32>} : memref<128x256xf32, #tpu.memory_space<vmem>>, vector<1x16xf32>,
      %get3A_194 = arith.index_cast %mul3A_70 : i32 to index
      %get3A_195 = arith.constant 64 : index
      %get3A_196 = tpu.vector_load %arg9[%get3A_194, %get3A_195] {strides = array<i32>} : memref<96x256xf32, #tpu.memory_space<vmem>>, vector<1x16xf32>,
      %get3A_197 = vector.shape_cast %get3A_196 : vector<1x16xf32> to vector<16xf32>
      %mul3A_198 = arith.mulf %get3A_76, %get3A_197 : vector<16xf32>
      %add3A_199 = arith.constant 1 : i32
      %add3A_200 = arith.addi %mul3A_70, %add3A_199 : i32
      %get3A_201 = arith.index_cast %add3A_200 : i32 to index
      %get3A_202 = arith.constant 64 : index
      %get3A_203 = tpu.vector_load %arg9[%get3A_201, %get3A_202] {strides = array<i32>} : memref<96x256xf32, #tpu.memory_space<vmem>>, vector<1x16xf32>,
      %get3A_204 = vector.shape_cast %get3A_203 : vector<1x16xf32> to vector<16xf32>
      %mul3A_205 = arith.mulf %get3A_83, %get3A_204 : vector<16xf32>
      %add3A_206 = arith.addf %mul3A_198, %mul3A_205 : vector<16xf32>
      %add3A_207 = arith.constant 2 : i32
      %add3A_208 = arith.addi %mul3A_70, %add3A_207 : i32
      %get3A_209 = arith.index_cast %add3A_208 : i32 to index
      %get3A_210 = arith.constant 64 : index
      %get3A_211 = tpu.vector_load %arg9[%get3A_209, %get3A_210] {strides = array<i32>} : memref<96x256xf32, #tpu.memory_space<vmem>>, vector<1x16xf32>,
      %get3A_212 = vector.shape_cast %get3A_211 : vector<1x16xf32> to vector<16xf32>
      %mul3A_213 = arith.mulf %get3A_90, %get3A_212 : vector<16xf32>
      %add3A_214 = arith.addf %add3A_206, %mul3A_213 : vector<16xf32>
      %swap3A_215 = arith.index_cast %add3A_72 : i32 to index
      %swap3A_216 = arith.constant 64 : index
      %swap3A_217 = tpu.vector_load %arg10[%swap3A_215, %swap3A_216] {strides = array<i32>} : memref<128x256xf32, #tpu.memory_space<vmem>>, vector<1x16xf32>,
      %swap3A_218 = vector.shape_cast %swap3A_217 : vector<1x16xf32> to vector<16xf32>
      %swap3A_219 = vector.shape_cast %add3A_214 : vector<16xf32> to vector<1x16xf32>
      tpu.vector_store %arg10[%swap3A_215, %swap3A_216], %swap3A_219 {strides = array<i32>} : memref<128x256xf32, #tpu.memory_space<vmem>>, vector<1x16xf32>,
      %get3A_220 = arith.index_cast %mul3A_70 : i32 to index
      %get3A_221 = arith.constant 80 : index
      %get3A_222 = tpu.vector_load %arg9[%get3A_220, %get3A_221] {strides = array<i32>} : memref<96x256xf32, #tpu.memory_space<vmem>>, vector<1x16xf32>,
      %get3A_223 = vector.shape_cast %get3A_222 : vector<1x16xf32> to vector<16xf32>
      %mul3A_224 = arith.mulf %get3A_76, %get3A_223 : vector<16xf32>
      %add3A_225 = arith.constant 1 : i32
      %add3A_226 = arith.addi %mul3A_70, %add3A_225 : i32
      %get3A_227 = arith.index_cast %add3A_226 : i32 to index
      %get3A_228 = arith.constant 80 : index
      %get3A_229 = tpu.vector_load %arg9[%get3A_227, %get3A_228] {strides = array<i32>} : memref<96x256xf32, #tpu.memory_space<vmem>>, vector<1x16xf32>,
      %get3A_230 = vector.shape_cast %get3A_229 : vector<1x16xf32> to vector<16xf32>
      %mul3A_231 = arith.mulf %get3A_83, %get3A_230 : vector<16xf32>
      %add3A_232 = arith.addf %mul3A_224, %mul3A_231 : vector<16xf32>
      %add3A_233 = arith.constant 2 : i32
      %add3A_234 = arith.addi %mul3A_70, %add3A_233 : i32
      %get3A_235 = arith.index_cast %add3A_234 : i32 to index
      %get3A_236 = arith.constant 80 : index
      %get3A_237 = tpu.vector_load %arg9[%get3A_235, %get3A_236] {strides = array<i32>} : memref<96x256xf32, #tpu.memory_space<vmem>>, vector<1x16xf32>,
      %get3A_238 = vector.shape_cast %get3A_237 : vector<1x16xf32> to vector<16xf32>
      %mul3A_239 = arith.mulf %get3A_90, %get3A_238 : vector<16xf32>
      %add3A_240 = arith.addf %add3A_232, %mul3A_239 : vector<16xf32>
      %swap3A_241 = arith.index_cast %add3A_72 : i32 to index
      %swap3A_242 = arith.constant 80 : index
      %swap3A_243 = tpu.vector_load %arg10[%swap3A_241, %swap3A_242] {strides = array<i32>} : memref<128x256xf32, #tpu.memory_space<vmem>>, vector<1x16xf32>,
      %swap3A_244 = vector.shape_cast %swap3A_243 : vector<1x16xf32> to vector<16xf32>
      %swap3A_245 = vector.shape_cast %add3A_240 : vector<16xf32> to vector<1x16xf32>
      tpu.vector_store %arg10[%swap3A_241, %swap3A_242], %swap3A_245 {strides = array<i32>} : memref<128x256xf32, #tpu.memory_space<vmem>>, vector<1x16xf32>,
      %get3A_246 = arith.index_cast %mul3A_70 : i32 to index
      %get3A_247 = arith.constant 96 : index
      %get3A_248 = tpu.vector_load %arg9[%get3A_246, %get3A_247] {strides = array<i32>} : memref<96x256xf32, #tpu.memory_space<vmem>>, vector<1x16xf32>,
      %get3A_249 = vector.shape_cast %get3A_248 : vector<1x16xf32> to vector<16xf32>
      %mul3A_250 = arith.mulf %get3A_76, %get3A_249 : vector<16xf32>
      %add3A_251 = arith.constant 1 : i32
      %add3A_252 = arith.addi %mul3A_70, %add3A_251 : i32
      %get3A_253 = arith.index_cast %add3A_252 : i32 to index
      %get3A_254 = arith.constant 96 : index
      %get3A_255 = tpu.vector_load %arg9[%get3A_253, %get3A_254] {strides = array<i32>} : memref<96x256xf32, #tpu.memory_space<vmem>>, vector<1x16xf32>,
      %get3A_256 = vector.shape_cast %get3A_255 : vector<1x16xf32> to vector<16xf32>
      %mul3A_257 = arith.mulf %get3A_83, %get3A_256 : vector<16xf32>
      %add3A_258 = arith.addf %mul3A_250, %mul3A_257 : vector<16xf32>
      %add3A_259 = arith.constant 2 : i32
      %add3A_260 = arith.addi %mul3A_70, %add3A_259 : i32
      %get3A_261 = arith.index_cast %add3A_260 : i32 to index
      %get3A_262 = arith.constant 96 : index
      %get3A_263 = tpu.vector_load %arg9[%get3A_261, %get3A_262] {strides = array<i32>} : memref<96x256xf32, #tpu.memory_space<vmem>>, vector<1x16xf32>,
      %get3A_264 = vector.shape_cast %get3A_263 : vector<1x16xf32> to vector<16xf32>
      %mul3A_265 = arith.mulf %get3A_90, %get3A_264 : vector<16xf32>
      %add3A_266 = arith.addf %add3A_258, %mul3A_265 : vector<16xf32>
      %swap3A_267 = arith.index_cast %add3A_72 : i32 to index
      %swap3A_268 = arith.constant 96 : index
      %swap3A_269 = tpu.vector_load %arg10[%swap3A_267, %swap3A_268] {strides = array<i32>} : memref<128x256xf32, #tpu.memory_space<vmem>>, vector<1x16xf32>,
      %swap3A_270 = vector.shape_cast %swap3A_269 : vector<1x16xf32> to vector<16xf32>
      %swap3A_271 = vector.shape_cast %add3A_266 : vector<16xf32> to vector<1x16xf32>
      tpu.vector_store %arg10[%swap3A_267, %swap3A_268], %swap3A_271 {strides = array<i32>} : memref<128x256xf32, #tpu.memory_space<vmem>>, vector<1x16xf32>,
      %get3A_272 = arith.index_cast %mul3A_70 : i32 to index
      %get3A_273 = arith.constant 112 : index
      %get3A_274 = tpu.vector_load %arg9[%get3A_272, %get3A_273] {strides = array<i32>} : memref<96x256xf32, #tpu.memory_space<vmem>>, vector<1x16xf32>,
      %get3A_275 = vector.shape_cast %get3A_274 : vector<1x16xf32> to vector<16xf32>
      %mul3A_276 = arith.mulf %get3A_76, %get3A_275 : vector<16xf32>
      %add3A_277 = arith.constant 1 : i32
      %add3A_278 = arith.addi %mul3A_70, %add3A_277 : i32
      %get3A_279 = arith.index_cast %add3A_278 : i32 to index
      %get3A_280 = arith.constant 112 : index
      %get3A_281 = tpu.vector_load %arg9[%get3A_279, %get3A_280] {strides = array<i32>} : memref<96x256xf32, #tpu.memory_space<vmem>>, vector<1x16xf32>,
      %get3A_282 = vector.shape_cast %get3A_281 : vector<1x16xf32> to vector<16xf32>
      %mul3A_283 = arith.mulf %get3A_83, %get3A_282 : vector<16xf32>
      %add3A_284 = arith.addf %mul3A_276, %mul3A_283 : vector<16xf32>
      %add3A_285 = arith.constant 2 : i32
      %add3A_286 = arith.addi %mul3A_70, %add3A_285 : i32
      %get3A_287 = arith.index_cast %add3A_286 : i32 to index
      %get3A_288 = arith.constant 112 : index
      %get3A_289 = tpu.vector_load %arg9[%get3A_287, %get3A_288] {strides = array<i32>} : memref<96x256xf32, #tpu.memory_space<vmem>>, vector<1x16xf32>,
      %get3A_290 = vector.shape_cast %get3A_289 : vector<1x16xf32> to vector<16xf32>
      %mul3A_291 = arith.mulf %get3A_90, %get3A_290 : vector<16xf32>
      %add3A_292 = arith.addf %add3A_284, %mul3A_291 : vector<16xf32>
      %swap3A_293 = arith.index_cast %add3A_72 : i32 to index
      %swap3A_294 = arith.constant 112 : index
      %swap3A_295 = tpu.vector_load %arg10[%swap3A_293, %swap3A_294] {strides = array<i32>} : memref<128x256xf32, #tpu.memory_space<vmem>>, vector<1x16xf32>,
      %swap3A_296 = vector.shape_cast %swap3A_295 : vector<1x16xf32> to vector<16xf32>
      %swap3A_297 = vector.shape_cast %add3A_292 : vector<16xf32> to vector<1x16xf32>
      tpu.vector_store %arg10[%swap3A_293, %swap3A_294], %swap3A_297 {strides = array<i32>} : memref<128x256xf32, #tpu.memory_space<vmem>>, vector<1x16xf32>,
      %get3A_298 = arith.index_cast %mul3A_70 : i32 to index
      %get3A_299 = arith.constant 128 : index
      %get3A_300 = tpu.vector_load %arg9[%get3A_298, %get3A_299] {strides = array<i32>} : memref<96x256xf32, #tpu.memory_space<vmem>>, vector<1x16xf32>,
      %get3A_301 = vector.shape_cast %get3A_300 : vector<1x16xf32> to vector<16xf32>
      %mul3A_302 = arith.mulf %get3A_76, %get3A_301 : vector<16xf32>
      %add3A_303 = arith.constant 1 : i32
      %add3A_304 = arith.addi %mul3A_70, %add3A_303 : i32
      %get3A_305 = arith.index_cast %add3A_304 : i32 to index
      %get3A_306 = arith.constant 128 : index
      %get3A_307 = tpu.vector_load %arg9[%get3A_305, %get3A_306] {strides = array<i32>} : memref<96x256xf32, #tpu.memory_space<vmem>>, vector<1x16xf32>,
      %get3A_308 = vector.shape_cast %get3A_307 : vector<1x16xf32> to vector<16xf32>
      %mul3A_309 = arith.mulf %get3A_83, %get3A_308 : vector<16xf32>
      %add3A_310 = arith.addf %mul3A_302, %mul3A_309 : vector<16xf32>
      %add3A_311 = arith.constant 2 : i32
      %add3A_312 = arith.addi %mul3A_70, %add3A_311 : i32
      %get3A_313 = arith.index_cast %add3A_312 : i32 to index
      %get3A_314 = arith.constant 128 : index
      %get3A_315 = tpu.vector_load %arg9[%get3A_313, %get3A_314] {strides = array<i32>} : memref<96x256xf32, #tpu.memory_space<vmem>>, vector<1x16xf32>,
      %get3A_316 = vector.shape_cast %get3A_315 : vector<1x16xf32> to vector<16xf32>
      %mul3A_317 = arith.mulf %get3A_90, %get3A_316 : vector<16xf32>
      %add3A_318 = arith.addf %add3A_310, %mul3A_317 : vector<16xf32>
      %swap3A_319 = arith.index_cast %add3A_72 : i32 to index
      %swap3A_320 = arith.constant 128 : index
      %swap3A_321 = tpu.vector_load %arg10[%swap3A_319, %swap3A_320] {strides = array<i32>} : memref<128x256xf32, #tpu.memory_space<vmem>>, vector<1x16xf32>,
      %swap3A_322 = vector.shape_cast %swap3A_321 : vector<1x16xf32> to vector<16xf32>
      %swap3A_323 = vector.shape_cast %add3A_318 : vector<16xf32> to vector<1x16xf32>
      tpu.vector_store %arg10[%swap3A_319, %swap3A_320], %swap3A_323 {strides = array<i32>} : memref<128x256xf32, #tpu.memory_space<vmem>>, vector<1x16xf32>,
      %get3A_324 = arith.index_cast %mul3A_70 : i32 to index
      %get3A_325 = arith.constant 144 : index
      %get3A_326 = tpu.vector_load %arg9[%get3A_324, %get3A_325] {strides = array<i32>} : memref<96x256xf32, #tpu.memory_space<vmem>>, vector<1x16xf32>,
      %get3A_327 = vector.shape_cast %get3A_326 : vector<1x16xf32> to vector<16xf32>
      %mul3A_328 = arith.mulf %get3A_76, %get3A_327 : vector<16xf32>
      %add3A_329 = arith.constant 1 : i32
      %add3A_330 = arith.addi %mul3A_70, %add3A_329 : i32
      %get3A_331 = arith.index_cast %add3A_330 : i32 to index
      %get3A_332 = arith.constant 144 : index
      %get3A_333 = tpu.vector_load %arg9[%get3A_331, %get3A_332] {strides = array<i32>} : memref<96x256xf32, #tpu.memory_space<vmem>>, vector<1x16xf32>,
      %get3A_334 = vector.shape_cast %get3A_333 : vector<1x16xf32> to vector<16xf32>
      %mul3A_335 = arith.mulf %get3A_83, %get3A_334 : vector<16xf32>
      %add3A_336 = arith.addf %mul3A_328, %mul3A_335 : vector<16xf32>
      %add3A_337 = arith.constant 2 : i32
      %add3A_338 = arith.addi %mul3A_70, %add3A_337 : i32
      %get3A_339 = arith.index_cast %add3A_338 : i32 to index
      %get3A_340 = arith.constant 144 : index
      %get3A_341 = tpu.vector_load %arg9[%get3A_339, %get3A_340] {strides = array<i32>} : memref<96x256xf32, #tpu.memory_space<vmem>>, vector<1x16xf32>,
      %get3A_342 = vector.shape_cast %get3A_341 : vector<1x16xf32> to vector<16xf32>
      %mul3A_343 = arith.mulf %get3A_90, %get3A_342 : vector<16xf32>
      %add3A_344 = arith.addf %add3A_336, %mul3A_343 : vector<16xf32>
      %swap3A_345 = arith.index_cast %add3A_72 : i32 to index
      %swap3A_346 = arith.constant 144 : index
      %swap3A_347 = tpu.vector_load %arg10[%swap3A_345, %swap3A_346] {strides = array<i32>} : memref<128x256xf32, #tpu.memory_space<vmem>>, vector<1x16xf32>,
      %swap3A_348 = vector.shape_cast %swap3A_347 : vector<1x16xf32> to vector<16xf32>
      %swap3A_349 = vector.shape_cast %add3A_344 : vector<16xf32> to vector<1x16xf32>
      tpu.vector_store %arg10[%swap3A_345, %swap3A_346], %swap3A_349 {strides = array<i32>} : memref<128x256xf32, #tpu.memory_space<vmem>>, vector<1x16xf32>,
      %get3A_350 = arith.index_cast %mul3A_70 : i32 to index
      %get3A_351 = arith.constant 160 : index
      %get3A_352 = tpu.vector_load %arg9[%get3A_350, %get3A_351] {strides = array<i32>} : memref<96x256xf32, #tpu.memory_space<vmem>>, vector<1x16xf32>,
      %get3A_353 = vector.shape_cast %get3A_352 : vector<1x16xf32> to vector<16xf32>
      %mul3A_354 = arith.mulf %get3A_76, %get3A_353 : vector<16xf32>
      %add3A_355 = arith.constant 1 : i32
      %add3A_356 = arith.addi %mul3A_70, %add3A_355 : i32
      %get3A_357 = arith.index_cast %add3A_356 : i32 to index
      %get3A_358 = arith.constant 160 : index
      %get3A_359 = tpu.vector_load %arg9[%get3A_357, %get3A_358] {strides = array<i32>} : memref<96x256xf32, #tpu.memory_space<vmem>>, vector<1x16xf32>,
      %get3A_360 = vector.shape_cast %get3A_359 : vector<1x16xf32> to vector<16xf32>
      %mul3A_361 = arith.mulf %get3A_83, %get3A_360 : vector<16xf32>
      %add3A_362 = arith.addf %mul3A_354, %mul3A_361 : vector<16xf32>
      %add3A_363 = arith.constant 2 : i32
      %add3A_364 = arith.addi %mul3A_70, %add3A_363 : i32
      %get3A_365 = arith.index_cast %add3A_364 : i32 to index
      %get3A_366 = arith.constant 160 : index
      %get3A_367 = tpu.vector_load %arg9[%get3A_365, %get3A_366] {strides = array<i32>} : memref<96x256xf32, #tpu.memory_space<vmem>>, vector<1x16xf32>,
      %get3A_368 = vector.shape_cast %get3A_367 : vector<1x16xf32> to vector<16xf32>
      %mul3A_369 = arith.mulf %get3A_90, %get3A_368 : vector<16xf32>
      %add3A_370 = arith.addf %add3A_362, %mul3A_369 : vector<16xf32>
      %swap3A_371 = arith.index_cast %add3A_72 : i32 to index
      %swap3A_372 = arith.constant 160 : index
      %swap3A_373 = tpu.vector_load %arg10[%swap3A_371, %swap3A_372] {strides = array<i32>} : memref<128x256xf32, #tpu.memory_space<vmem>>, vector<1x16xf32>,
      %swap3A_374 = vector.shape_cast %swap3A_373 : vector<1x16xf32> to vector<16xf32>
      %swap3A_375 = vector.shape_cast %add3A_370 : vector<16xf32> to vector<1x16xf32>
      tpu.vector_store %arg10[%swap3A_371, %swap3A_372], %swap3A_375 {strides = array<i32>} : memref<128x256xf32, #tpu.memory_space<vmem>>, vector<1x16xf32>,
      %get3A_376 = arith.index_cast %mul3A_70 : i32 to index
      %get3A_377 = arith.constant 176 : index
      %get3A_378 = tpu.vector_load %arg9[%get3A_376, %get3A_377] {strides = array<i32>} : memref<96x256xf32, #tpu.memory_space<vmem>>, vector<1x16xf32>,
      %get3A_379 = vector.shape_cast %get3A_378 : vector<1x16xf32> to vector<16xf32>
      %mul3A_380 = arith.mulf %get3A_76, %get3A_379 : vector<16xf32>
      %add3A_381 = arith.constant 1 : i32
      %add3A_382 = arith.addi %mul3A_70, %add3A_381 : i32
      %get3A_383 = arith.index_cast %add3A_382 : i32 to index
      %get3A_384 = arith.constant 176 : index
      %get3A_385 = tpu.vector_load %arg9[%get3A_383, %get3A_384] {strides = array<i32>} : memref<96x256xf32, #tpu.memory_space<vmem>>, vector<1x16xf32>,
      %get3A_386 = vector.shape_cast %get3A_385 : vector<1x16xf32> to vector<16xf32>
      %mul3A_387 = arith.mulf %get3A_83, %get3A_386 : vector<16xf32>
      %add3A_388 = arith.addf %mul3A_380, %mul3A_387 : vector<16xf32>
      %add3A_389 = arith.constant 2 : i32
      %add3A_390 = arith.addi %mul3A_70, %add3A_389 : i32
      %get3A_391 = arith.index_cast %add3A_390 : i32 to index
      %get3A_392 = arith.constant 176 : index
      %get3A_393 = tpu.vector_load %arg9[%get3A_391, %get3A_392] {strides = array<i32>} : memref<96x256xf32, #tpu.memory_space<vmem>>, vector<1x16xf32>,
      %get3A_394 = vector.shape_cast %get3A_393 : vector<1x16xf32> to vector<16xf32>
      %mul3A_395 = arith.mulf %get3A_90, %get3A_394 : vector<16xf32>
      %add3A_396 = arith.addf %add3A_388, %mul3A_395 : vector<16xf32>
      %swap3A_397 = arith.index_cast %add3A_72 : i32 to index
      %swap3A_398 = arith.constant 176 : index
      %swap3A_399 = tpu.vector_load %arg10[%swap3A_397, %swap3A_398] {strides = array<i32>} : memref<128x256xf32, #tpu.memory_space<vmem>>, vector<1x16xf32>,
      %swap3A_400 = vector.shape_cast %swap3A_399 : vector<1x16xf32> to vector<16xf32>
      %swap3A_401 = vector.shape_cast %add3A_396 : vector<16xf32> to vector<1x16xf32>
      tpu.vector_store %arg10[%swap3A_397, %swap3A_398], %swap3A_401 {strides = array<i32>} : memref<128x256xf32, #tpu.memory_space<vmem>>, vector<1x16xf32>,
      %get3A_402 = arith.index_cast %mul3A_70 : i32 to index
      %get3A_403 = arith.constant 192 : index
      %get3A_404 = tpu.vector_load %arg9[%get3A_402, %get3A_403] {strides = array<i32>} : memref<96x256xf32, #tpu.memory_space<vmem>>, vector<1x16xf32>,
      %get3A_405 = vector.shape_cast %get3A_404 : vector<1x16xf32> to vector<16xf32>
      %mul3A_406 = arith.mulf %get3A_76, %get3A_405 : vector<16xf32>
      %add3A_407 = arith.constant 1 : i32
      %add3A_408 = arith.addi %mul3A_70, %add3A_407 : i32
      %get3A_409 = arith.index_cast %add3A_408 : i32 to index
      %get3A_410 = arith.constant 192 : index
      %get3A_411 = tpu.vector_load %arg9[%get3A_409, %get3A_410] {strides = array<i32>} : memref<96x256xf32, #tpu.memory_space<vmem>>, vector<1x16xf32>,
      %get3A_412 = vector.shape_cast %get3A_411 : vector<1x16xf32> to vector<16xf32>
      %mul3A_413 = arith.mulf %get3A_83, %get3A_412 : vector<16xf32>
      %add3A_414 = arith.addf %mul3A_406, %mul3A_413 : vector<16xf32>
      %add3A_415 = arith.constant 2 : i32
      %add3A_416 = arith.addi %mul3A_70, %add3A_415 : i32
      %get3A_417 = arith.index_cast %add3A_416 : i32 to index
      %get3A_418 = arith.constant 192 : index
      %get3A_419 = tpu.vector_load %arg9[%get3A_417, %get3A_418] {strides = array<i32>} : memref<96x256xf32, #tpu.memory_space<vmem>>, vector<1x16xf32>,
      %get3A_420 = vector.shape_cast %get3A_419 : vector<1x16xf32> to vector<16xf32>
      %mul3A_421 = arith.mulf %get3A_90, %get3A_420 : vector<16xf32>
      %add3A_422 = arith.addf %add3A_414, %mul3A_421 : vector<16xf32>
      %swap3A_423 = arith.index_cast %add3A_72 : i32 to index
      %swap3A_424 = arith.constant 192 : index
      %swap3A_425 = tpu.vector_load %arg10[%swap3A_423, %swap3A_424] {strides = array<i32>} : memref<128x256xf32, #tpu.memory_space<vmem>>, vector<1x16xf32>,
      %swap3A_426 = vector.shape_cast %swap3A_425 : vector<1x16xf32> to vector<16xf32>
      %swap3A_427 = vector.shape_cast %add3A_422 : vector<16xf32> to vector<1x16xf32>
      tpu.vector_store %arg10[%swap3A_423, %swap3A_424], %swap3A_427 {strides = array<i32>} : memref<128x256xf32, #tpu.memory_space<vmem>>, vector<1x16xf32>,
      %get3A_428 = arith.index_cast %mul3A_70 : i32 to index
      %get3A_429 = arith.constant 208 : index
      %get3A_430 = tpu.vector_load %arg9[%get3A_428, %get3A_429] {strides = array<i32>} : memref<96x256xf32, #tpu.memory_space<vmem>>, vector<1x16xf32>,
      %get3A_431 = vector.shape_cast %get3A_430 : vector<1x16xf32> to vector<16xf32>
      %mul3A_432 = arith.mulf %get3A_76, %get3A_431 : vector<16xf32>
      %add3A_433 = arith.constant 1 : i32
      %add3A_434 = arith.addi %mul3A_70, %add3A_433 : i32
      %get3A_435 = arith.index_cast %add3A_434 : i32 to index
      %get3A_436 = arith.constant 208 : index
      %get3A_437 = tpu.vector_load %arg9[%get3A_435, %get3A_436] {strides = array<i32>} : memref<96x256xf32, #tpu.memory_space<vmem>>, vector<1x16xf32>,
      %get3A_438 = vector.shape_cast %get3A_437 : vector<1x16xf32> to vector<16xf32>
      %mul3A_439 = arith.mulf %get3A_83, %get3A_438 : vector<16xf32>
      %add3A_440 = arith.addf %mul3A_432, %mul3A_439 : vector<16xf32>
      %add3A_441 = arith.constant 2 : i32
      %add3A_442 = arith.addi %mul3A_70, %add3A_441 : i32
      %get3A_443 = arith.index_cast %add3A_442 : i32 to index
      %get3A_444 = arith.constant 208 : index
      %get3A_445 = tpu.vector_load %arg9[%get3A_443, %get3A_444] {strides = array<i32>} : memref<96x256xf32, #tpu.memory_space<vmem>>, vector<1x16xf32>,
      %get3A_446 = vector.shape_cast %get3A_445 : vector<1x16xf32> to vector<16xf32>
      %mul3A_447 = arith.mulf %get3A_90, %get3A_446 : vector<16xf32>
      %add3A_448 = arith.addf %add3A_440, %mul3A_447 : vector<16xf32>
      %swap3A_449 = arith.index_cast %add3A_72 : i32 to index
      %swap3A_450 = arith.constant 208 : index
      %swap3A_451 = tpu.vector_load %arg10[%swap3A_449, %swap3A_450] {strides = array<i32>} : memref<128x256xf32, #tpu.memory_space<vmem>>, vector<1x16xf32>,
      %swap3A_452 = vector.shape_cast %swap3A_451 : vector<1x16xf32> to vector<16xf32>
      %swap3A_453 = vector.shape_cast %add3A_448 : vector<16xf32> to vector<1x16xf32>
      tpu.vector_store %arg10[%swap3A_449, %swap3A_450], %swap3A_453 {strides = array<i32>} : memref<128x256xf32, #tpu.memory_space<vmem>>, vector<1x16xf32>,
      %get3A_454 = arith.index_cast %mul3A_70 : i32 to index
      %get3A_455 = arith.constant 224 : index
      %get3A_456 = tpu.vector_load %arg9[%get3A_454, %get3A_455] {strides = array<i32>} : memref<96x256xf32, #tpu.memory_space<vmem>>, vector<1x16xf32>,
      %get3A_457 = vector.shape_cast %get3A_456 : vector<1x16xf32> to vector<16xf32>
      %mul3A_458 = arith.mulf %get3A_76, %get3A_457 : vector<16xf32>
      %add3A_459 = arith.constant 1 : i32
      %add3A_460 = arith.addi %mul3A_70, %add3A_459 : i32
      %get3A_461 = arith.index_cast %add3A_460 : i32 to index
      %get3A_462 = arith.constant 224 : index
      %get3A_463 = tpu.vector_load %arg9[%get3A_461, %get3A_462] {strides = array<i32>} : memref<96x256xf32, #tpu.memory_space<vmem>>, vector<1x16xf32>,
      %get3A_464 = vector.shape_cast %get3A_463 : vector<1x16xf32> to vector<16xf32>
      %mul3A_465 = arith.mulf %get3A_83, %get3A_464 : vector<16xf32>
      %add3A_466 = arith.addf %mul3A_458, %mul3A_465 : vector<16xf32>
      %add3A_467 = arith.constant 2 : i32
      %add3A_468 = arith.addi %mul3A_70, %add3A_467 : i32
      %get3A_469 = arith.index_cast %add3A_468 : i32 to index
      %get3A_470 = arith.constant 224 : index
      %get3A_471 = tpu.vector_load %arg9[%get3A_469, %get3A_470] {strides = array<i32>} : memref<96x256xf32, #tpu.memory_space<vmem>>, vector<1x16xf32>,
      %get3A_472 = vector.shape_cast %get3A_471 : vector<1x16xf32> to vector<16xf32>
      %mul3A_473 = arith.mulf %get3A_90, %get3A_472 : vector<16xf32>
      %add3A_474 = arith.addf %add3A_466, %mul3A_473 : vector<16xf32>
      %swap3A_475 = arith.index_cast %add3A_72 : i32 to index
      %swap3A_476 = arith.constant 224 : index
      %swap3A_477 = tpu.vector_load %arg10[%swap3A_475, %swap3A_476] {strides = array<i32>} : memref<128x256xf32, #tpu.memory_space<vmem>>, vector<1x16xf32>,
      %swap3A_478 = vector.shape_cast %swap3A_477 : vector<1x16xf32> to vector<16xf32>
      %swap3A_479 = vector.shape_cast %add3A_474 : vector<16xf32> to vector<1x16xf32>
      tpu.vector_store %arg10[%swap3A_475, %swap3A_476], %swap3A_479 {strides = array<i32>} : memref<128x256xf32, #tpu.memory_space<vmem>>, vector<1x16xf32>,
      %get3A_480 = arith.index_cast %mul3A_70 : i32 to index
      %get3A_481 = arith.constant 240 : index
      %get3A_482 = tpu.vector_load %arg9[%get3A_480, %get3A_481] {strides = array<i32>} : memref<96x256xf32, #tpu.memory_space<vmem>>, vector<1x16xf32>,
      %get3A_483 = vector.shape_cast %get3A_482 : vector<1x16xf32> to vector<16xf32>
      %mul3A_484 = arith.mulf %get3A_76, %get3A_483 : vector<16xf32>
      %add3A_485 = arith.constant 1 : i32
      %add3A_486 = arith.addi %mul3A_70, %add3A_485 : i32
      %get3A_487 = arith.index_cast %add3A_486 : i32 to index
      %get3A_488 = arith.constant 240 : index
      %get3A_489 = tpu.vector_load %arg9[%get3A_487, %get3A_488] {strides = array<i32>} : memref<96x256xf32, #tpu.memory_space<vmem>>, vector<1x16xf32>,
      %get3A_490 = vector.shape_cast %get3A_489 : vector<1x16xf32> to vector<16xf32>
      %mul3A_491 = arith.mulf %get3A_83, %get3A_490 : vector<16xf32>
      %add3A_492 = arith.addf %mul3A_484, %mul3A_491 : vector<16xf32>
      %add3A_493 = arith.constant 2 : i32
      %add3A_494 = arith.addi %mul3A_70, %add3A_493 : i32
      %get3A_495 = arith.index_cast %add3A_494 : i32 to index
      %get3A_496 = arith.constant 240 : index
      %get3A_497 = tpu.vector_load %arg9[%get3A_495, %get3A_496] {strides = array<i32>} : memref<96x256xf32, #tpu.memory_space<vmem>>, vector<1x16xf32>,
      %get3A_498 = vector.shape_cast %get3A_497 : vector<1x16xf32> to vector<16xf32>
      %mul3A_499 = arith.mulf %get3A_90, %get3A_498 : vector<16xf32>
      %add3A_500 = arith.addf %add3A_492, %mul3A_499 : vector<16xf32>
      %swap3A_501 = arith.index_cast %add3A_72 : i32 to index
      %swap3A_502 = arith.constant 240 : index
      %swap3A_503 = tpu.vector_load %arg10[%swap3A_501, %swap3A_502] {strides = array<i32>} : memref<128x256xf32, #tpu.memory_space<vmem>>, vector<1x16xf32>,
      %swap3A_504 = vector.shape_cast %swap3A_503 : vector<1x16xf32> to vector<16xf32>
      %swap3A_505 = vector.shape_cast %add3A_500 : vector<16xf32> to vector<1x16xf32>
      tpu.vector_store %arg10[%swap3A_501, %swap3A_502], %swap3A_505 {strides = array<i32>} : memref<128x256xf32, #tpu.memory_space<vmem>>, vector<1x16xf32>,
    }
    %scan3A_40 = arith.constant 32 : i32
    %dma_start3A_41 = arith.constant 288 : i32
    %dma_start3A_42 = tpu.memref_slice %arg6[%dma_start3A_41] : memref<384xi32, #tpu.memory_space<vmem>> -> memref<96xi32, #tpu.memory_space<vmem>>
    %dma_start3A_43 = arith.constant 0 : i32
    %dma_start3A_44 = arith.constant 0 : i32
    %dma_start3A_45 = tpu.memref_slice %arg2[%dma_start3A_43, %dma_start3A_44] : memref<10000x256xf32, #tpu.memory_space<hbm>> -> memref<10000x256xf32, #tpu.memory_space<hbm>>
    tpu.enqueue_indirect_dma source(%dma_start3A_45 : memref<10000x256xf32, #tpu.memory_space<hbm>>) target(%arg9 : memref<96x256xf32, #tpu.memory_space<vmem>>) offsets(%dma_start3A_42 : memref<96xi32, #tpu.memory_space<vmem>>) semaphore(%arg12 : memref<!tpu.dma_semaphore, #tpu.memory_space<semaphore_mem>>)
    %dma_wait3A_46 = arith.constant 192 : i32
    %dma_wait3A_47 = tpu.memref_slice %arg6[%dma_wait3A_46] : memref<384xi32, #tpu.memory_space<vmem>> -> memref<96xi32, #tpu.memory_space<vmem>>
    %dma_wait3A_48 = arith.constant 0 : i32
    %dma_wait3A_49 = arith.constant 0 : i32
    %dma_wait3A_50 = tpu.memref_slice %arg2[%dma_wait3A_48, %dma_wait3A_49] : memref<10000x256xf32, #tpu.memory_space<hbm>> -> memref<10000x256xf32, #tpu.memory_space<hbm>>
    tpu.wait_indirect_dma semaphore(%arg11 : memref<!tpu.dma_semaphore, #tpu.memory_space<semaphore_mem>>) src(%dma_wait3A_50 : memref<10000x256xf32, #tpu.memory_space<hbm>>) dst(%arg8 : memref<96x256xf32, #tpu.memory_space<vmem>>)
    %scan3A_51 = arith.constant 0 : i32
    %scan3A_52 = arith.constant 0 : i32
    %scan3A_53 = arith.constant 32 : i32
    %scan3A_54 = arith.addi %scan3A_52, %scan3A_53 : i32
    %scan3A_55 = arith.constant 1 : i32
    scf.for %scan3A_68 = %scan3A_52 to %scan3A_54 step %scan3A_55  : i32 {
      %mul3A_69 = arith.constant 3 : i32
      %mul3A_70 = arith.muli %scan3A_68, %mul3A_69 : i32
      %add3A_71 = arith.constant 64 : i32
      %add3A_72 = arith.addi %add3A_71, %scan3A_68 : i32
      %mul3A_73 = arith.constant 48 : i32
      %mul3A_74 = arith.muli %add3A_72, %mul3A_73 : i32
      %get3A = arith.index_cast %mul3A_74 : i32 to index
      %get3A_75 = tpu.vector_load %arg7[%get3A] {strides = array<i32>} : memref<6144xf32, #tpu.memory_space<vmem>>, vector<16xf32>,
      %get3A_76 = vector.shape_cast %get3A_75 : vector<16xf32> to vector<16xf32>
      %mul3A_77 = arith.constant 48 : i32
      %mul3A_78 = arith.muli %add3A_72, %mul3A_77 : i32
      %add3A_79 = arith.constant 16 : i32
      %add3A_80 = arith.addi %mul3A_78, %add3A_79 : i32
      %get3A_81 = arith.index_cast %add3A_80 : i32 to index
      %get3A_82 = tpu.vector_load %arg7[%get3A_81] {strides = array<i32>} : memref<6144xf32, #tpu.memory_space<vmem>>, vector<16xf32>,
      %get3A_83 = vector.shape_cast %get3A_82 : vector<16xf32> to vector<16xf32>
      %mul3A_84 = arith.constant 48 : i32
      %mul3A_85 = arith.muli %add3A_72, %mul3A_84 : i32
      %add3A_86 = arith.constant 32 : i32
      %add3A_87 = arith.addi %mul3A_85, %add3A_86 : i32
      %get3A_88 = arith.index_cast %add3A_87 : i32 to index
      %get3A_89 = tpu.vector_load %arg7[%get3A_88] {strides = array<i32>} : memref<6144xf32, #tpu.memory_space<vmem>>, vector<16xf32>,
      %get3A_90 = vector.shape_cast %get3A_89 : vector<16xf32> to vector<16xf32>
      %get3A_91 = arith.index_cast %mul3A_70 : i32 to index
      %get3A_92 = arith.constant 0 : index
      %get3A_93 = tpu.vector_load %arg8[%get3A_91, %get3A_92] {strides = array<i32>} : memref<96x256xf32, #tpu.memory_space<vmem>>, vector<1x16xf32>,
      %get3A_94 = vector.shape_cast %get3A_93 : vector<1x16xf32> to vector<16xf32>
      %mul3A_95 = arith.mulf %get3A_76, %get3A_94 : vector<16xf32>
      %add3A_96 = arith.constant 1 : i32
      %add3A_97 = arith.addi %mul3A_70, %add3A_96 : i32
      %get3A_98 = arith.index_cast %add3A_97 : i32 to index
      %get3A_99 = arith.constant 0 : index
      %get3A_100 = tpu.vector_load %arg8[%get3A_98, %get3A_99] {strides = array<i32>} : memref<96x256xf32, #tpu.memory_space<vmem>>, vector<1x16xf32>,
      %get3A_101 = vector.shape_cast %get3A_100 : vector<1x16xf32> to vector<16xf32>
      %mul3A_102 = arith.mulf %get3A_83, %get3A_101 : vector<16xf32>
      %add3A_103 = arith.addf %mul3A_95, %mul3A_102 : vector<16xf32>
      %add3A_104 = arith.constant 2 : i32
      %add3A_105 = arith.addi %mul3A_70, %add3A_104 : i32
      %get3A_106 = arith.index_cast %add3A_105 : i32 to index
      %get3A_107 = arith.constant 0 : index
      %get3A_108 = tpu.vector_load %arg8[%get3A_106, %get3A_107] {strides = array<i32>} : memref<96x256xf32, #tpu.memory_space<vmem>>, vector<1x16xf32>,
      %get3A_109 = vector.shape_cast %get3A_108 : vector<1x16xf32> to vector<16xf32>
      %mul3A_110 = arith.mulf %get3A_90, %get3A_109 : vector<16xf32>
      %add3A_111 = arith.addf %add3A_103, %mul3A_110 : vector<16xf32>
      %swap3A = arith.index_cast %add3A_72 : i32 to index
      %swap3A_112 = arith.constant 0 : index
      %swap3A_113 = tpu.vector_load %arg10[%swap3A, %swap3A_112] {strides = array<i32>} : memref<128x256xf32, #tpu.memory_space<vmem>>, vector<1x16xf32>,
      %swap3A_114 = vector.shape_cast %swap3A_113 : vector<1x16xf32> to vector<16xf32>
      %swap3A_115 = vector.shape_cast %add3A_111 : vector<16xf32> to vector<1x16xf32>
      tpu.vector_store %arg10[%swap3A, %swap3A_112], %swap3A_115 {strides = array<i32>} : memref<128x256xf32, #tpu.memory_space<vmem>>, vector<1x16xf32>,
      %get3A_116 = arith.index_cast %mul3A_70 : i32 to index
      %get3A_117 = arith.constant 16 : index
      %get3A_118 = tpu.vector_load %arg8[%get3A_116, %get3A_117] {strides = array<i32>} : memref<96x256xf32, #tpu.memory_space<vmem>>, vector<1x16xf32>,
      %get3A_119 = vector.shape_cast %get3A_118 : vector<1x16xf32> to vector<16xf32>
      %mul3A_120 = arith.mulf %get3A_76, %get3A_119 : vector<16xf32>
      %add3A_121 = arith.constant 1 : i32
      %add3A_122 = arith.addi %mul3A_70, %add3A_121 : i32
      %get3A_123 = arith.index_cast %add3A_122 : i32 to index
      %get3A_124 = arith.constant 16 : index
      %get3A_125 = tpu.vector_load %arg8[%get3A_123, %get3A_124] {strides = array<i32>} : memref<96x256xf32, #tpu.memory_space<vmem>>, vector<1x16xf32>,
      %get3A_126 = vector.shape_cast %get3A_125 : vector<1x16xf32> to vector<16xf32>
      %mul3A_127 = arith.mulf %get3A_83, %get3A_126 : vector<16xf32>
      %add3A_128 = arith.addf %mul3A_120, %mul3A_127 : vector<16xf32>
      %add3A_129 = arith.constant 2 : i32
      %add3A_130 = arith.addi %mul3A_70, %add3A_129 : i32
      %get3A_131 = arith.index_cast %add3A_130 : i32 to index
      %get3A_132 = arith.constant 16 : index
      %get3A_133 = tpu.vector_load %arg8[%get3A_131, %get3A_132] {strides = array<i32>} : memref<96x256xf32, #tpu.memory_space<vmem>>, vector<1x16xf32>,
      %get3A_134 = vector.shape_cast %get3A_133 : vector<1x16xf32> to vector<16xf32>
      %mul3A_135 = arith.mulf %get3A_90, %get3A_134 : vector<16xf32>
      %add3A_136 = arith.addf %add3A_128, %mul3A_135 : vector<16xf32>
      %swap3A_137 = arith.index_cast %add3A_72 : i32 to index
      %swap3A_138 = arith.constant 16 : index
      %swap3A_139 = tpu.vector_load %arg10[%swap3A_137, %swap3A_138] {strides = array<i32>} : memref<128x256xf32, #tpu.memory_space<vmem>>, vector<1x16xf32>,
      %swap3A_140 = vector.shape_cast %swap3A_139 : vector<1x16xf32> to vector<16xf32>
      %swap3A_141 = vector.shape_cast %add3A_136 : vector<16xf32> to vector<1x16xf32>
      tpu.vector_store %arg10[%swap3A_137, %swap3A_138], %swap3A_141 {strides = array<i32>} : memref<128x256xf32, #tpu.memory_space<vmem>>, vector<1x16xf32>,
      %get3A_142 = arith.index_cast %mul3A_70 : i32 to index
      %get3A_143 = arith.constant 32 : index
      %get3A_144 = tpu.vector_load %arg8[%get3A_142, %get3A_143] {strides = array<i32>} : memref<96x256xf32, #tpu.memory_space<vmem>>, vector<1x16xf32>,
      %get3A_145 = vector.shape_cast %get3A_144 : vector<1x16xf32> to vector<16xf32>
      %mul3A_146 = arith.mulf %get3A_76, %get3A_145 : vector<16xf32>
      %add3A_147 = arith.constant 1 : i32
      %add3A_148 = arith.addi %mul3A_70, %add3A_147 : i32
      %get3A_149 = arith.index_cast %add3A_148 : i32 to index
      %get3A_150 = arith.constant 32 : index
      %get3A_151 = tpu.vector_load %arg8[%get3A_149, %get3A_150] {strides = array<i32>} : memref<96x256xf32, #tpu.memory_space<vmem>>, vector<1x16xf32>,
      %get3A_152 = vector.shape_cast %get3A_151 : vector<1x16xf32> to vector<16xf32>
      %mul3A_153 = arith.mulf %get3A_83, %get3A_152 : vector<16xf32>
      %add3A_154 = arith.addf %mul3A_146, %mul3A_153 : vector<16xf32>
      %add3A_155 = arith.constant 2 : i32
      %add3A_156 = arith.addi %mul3A_70, %add3A_155 : i32
      %get3A_157 = arith.index_cast %add3A_156 : i32 to index
      %get3A_158 = arith.constant 32 : index
      %get3A_159 = tpu.vector_load %arg8[%get3A_157, %get3A_158] {strides = array<i32>} : memref<96x256xf32, #tpu.memory_space<vmem>>, vector<1x16xf32>,
      %get3A_160 = vector.shape_cast %get3A_159 : vector<1x16xf32> to vector<16xf32>
      %mul3A_161 = arith.mulf %get3A_90, %get3A_160 : vector<16xf32>
      %add3A_162 = arith.addf %add3A_154, %mul3A_161 : vector<16xf32>
      %swap3A_163 = arith.index_cast %add3A_72 : i32 to index
      %swap3A_164 = arith.constant 32 : index
      %swap3A_165 = tpu.vector_load %arg10[%swap3A_163, %swap3A_164] {strides = array<i32>} : memref<128x256xf32, #tpu.memory_space<vmem>>, vector<1x16xf32>,
      %swap3A_166 = vector.shape_cast %swap3A_165 : vector<1x16xf32> to vector<16xf32>
      %swap3A_167 = vector.shape_cast %add3A_162 : vector<16xf32> to vector<1x16xf32>
      tpu.vector_store %arg10[%swap3A_163, %swap3A_164], %swap3A_167 {strides = array<i32>} : memref<128x256xf32, #tpu.memory_space<vmem>>, vector<1x16xf32>,
      %get3A_168 = arith.index_cast %mul3A_70 : i32 to index
      %get3A_169 = arith.constant 48 : index
      %get3A_170 = tpu.vector_load %arg8[%get3A_168, %get3A_169] {strides = array<i32>} : memref<96x256xf32, #tpu.memory_space<vmem>>, vector<1x16xf32>,
      %get3A_171 = vector.shape_cast %get3A_170 : vector<1x16xf32> to vector<16xf32>
      %mul3A_172 = arith.mulf %get3A_76, %get3A_171 : vector<16xf32>
      %add3A_173 = arith.constant 1 : i32
      %add3A_174 = arith.addi %mul3A_70, %add3A_173 : i32
      %get3A_175 = arith.index_cast %add3A_174 : i32 to index
      %get3A_176 = arith.constant 48 : index
      %get3A_177 = tpu.vector_load %arg8[%get3A_175, %get3A_176] {strides = array<i32>} : memref<96x256xf32, #tpu.memory_space<vmem>>, vector<1x16xf32>,
      %get3A_178 = vector.shape_cast %get3A_177 : vector<1x16xf32> to vector<16xf32>
      %mul3A_179 = arith.mulf %get3A_83, %get3A_178 : vector<16xf32>
      %add3A_180 = arith.addf %mul3A_172, %mul3A_179 : vector<16xf32>
      %add3A_181 = arith.constant 2 : i32
      %add3A_182 = arith.addi %mul3A_70, %add3A_181 : i32
      %get3A_183 = arith.index_cast %add3A_182 : i32 to index
      %get3A_184 = arith.constant 48 : index
      %get3A_185 = tpu.vector_load %arg8[%get3A_183, %get3A_184] {strides = array<i32>} : memref<96x256xf32, #tpu.memory_space<vmem>>, vector<1x16xf32>,
      %get3A_186 = vector.shape_cast %get3A_185 : vector<1x16xf32> to vector<16xf32>
      %mul3A_187 = arith.mulf %get3A_90, %get3A_186 : vector<16xf32>
      %add3A_188 = arith.addf %add3A_180, %mul3A_187 : vector<16xf32>
      %swap3A_189 = arith.index_cast %add3A_72 : i32 to index
      %swap3A_190 = arith.constant 48 : index
      %swap3A_191 = tpu.vector_load %arg10[%swap3A_189, %swap3A_190] {strides = array<i32>} : memref<128x256xf32, #tpu.memory_space<vmem>>, vector<1x16xf32>,
      %swap3A_192 = vector.shape_cast %swap3A_191 : vector<1x16xf32> to vector<16xf32>
      %swap3A_193 = vector.shape_cast %add3A_188 : vector<16xf32> to vector<1x16xf32>
      tpu.vector_store %arg10[%swap3A_189, %swap3A_190], %swap3A_193 {strides = array<i32>} : memref<128x256xf32, #tpu.memory_space<vmem>>, vector<1x16xf32>,
      %get3A_194 = arith.index_cast %mul3A_70 : i32 to index
      %get3A_195 = arith.constant 64 : index
      %get3A_196 = tpu.vector_load %arg8[%get3A_194, %get3A_195] {strides = array<i32>} : memref<96x256xf32, #tpu.memory_space<vmem>>, vector<1x16xf32>,
      %get3A_197 = vector.shape_cast %get3A_196 : vector<1x16xf32> to vector<16xf32>
      %mul3A_198 = arith.mulf %get3A_76, %get3A_197 : vector<16xf32>
      %add3A_199 = arith.constant 1 : i32
      %add3A_200 = arith.addi %mul3A_70, %add3A_199 : i32
      %get3A_201 = arith.index_cast %add3A_200 : i32 to index
      %get3A_202 = arith.constant 64 : index
      %get3A_203 = tpu.vector_load %arg8[%get3A_201, %get3A_202] {strides = array<i32>} : memref<96x256xf32, #tpu.memory_space<vmem>>, vector<1x16xf32>,
      %get3A_204 = vector.shape_cast %get3A_203 : vector<1x16xf32> to vector<16xf32>
      %mul3A_205 = arith.mulf %get3A_83, %get3A_204 : vector<16xf32>
      %add3A_206 = arith.addf %mul3A_198, %mul3A_205 : vector<16xf32>
      %add3A_207 = arith.constant 2 : i32
      %add3A_208 = arith.addi %mul3A_70, %add3A_207 : i32
      %get3A_209 = arith.index_cast %add3A_208 : i32 to index
      %get3A_210 = arith.constant 64 : index
      %get3A_211 = tpu.vector_load %arg8[%get3A_209, %get3A_210] {strides = array<i32>} : memref<96x256xf32, #tpu.memory_space<vmem>>, vector<1x16xf32>,
      %get3A_212 = vector.shape_cast %get3A_211 : vector<1x16xf32> to vector<16xf32>
      %mul3A_213 = arith.mulf %get3A_90, %get3A_212 : vector<16xf32>
      %add3A_214 = arith.addf %add3A_206, %mul3A_213 : vector<16xf32>
      %swap3A_215 = arith.index_cast %add3A_72 : i32 to index
      %swap3A_216 = arith.constant 64 : index
      %swap3A_217 = tpu.vector_load %arg10[%swap3A_215, %swap3A_216] {strides = array<i32>} : memref<128x256xf32, #tpu.memory_space<vmem>>, vector<1x16xf32>,
      %swap3A_218 = vector.shape_cast %swap3A_217 : vector<1x16xf32> to vector<16xf32>
      %swap3A_219 = vector.shape_cast %add3A_214 : vector<16xf32> to vector<1x16xf32>
      tpu.vector_store %arg10[%swap3A_215, %swap3A_216], %swap3A_219 {strides = array<i32>} : memref<128x256xf32, #tpu.memory_space<vmem>>, vector<1x16xf32>,
      %get3A_220 = arith.index_cast %mul3A_70 : i32 to index
      %get3A_221 = arith.constant 80 : index
      %get3A_222 = tpu.vector_load %arg8[%get3A_220, %get3A_221] {strides = array<i32>} : memref<96x256xf32, #tpu.memory_space<vmem>>, vector<1x16xf32>,
      %get3A_223 = vector.shape_cast %get3A_222 : vector<1x16xf32> to vector<16xf32>
      %mul3A_224 = arith.mulf %get3A_76, %get3A_223 : vector<16xf32>
      %add3A_225 = arith.constant 1 : i32
      %add3A_226 = arith.addi %mul3A_70, %add3A_225 : i32
      %get3A_227 = arith.index_cast %add3A_226 : i32 to index
      %get3A_228 = arith.constant 80 : index
      %get3A_229 = tpu.vector_load %arg8[%get3A_227, %get3A_228] {strides = array<i32>} : memref<96x256xf32, #tpu.memory_space<vmem>>, vector<1x16xf32>,
      %get3A_230 = vector.shape_cast %get3A_229 : vector<1x16xf32> to vector<16xf32>
      %mul3A_231 = arith.mulf %get3A_83, %get3A_230 : vector<16xf32>
      %add3A_232 = arith.addf %mul3A_224, %mul3A_231 : vector<16xf32>
      %add3A_233 = arith.constant 2 : i32
      %add3A_234 = arith.addi %mul3A_70, %add3A_233 : i32
      %get3A_235 = arith.index_cast %add3A_234 : i32 to index
      %get3A_236 = arith.constant 80 : index
      %get3A_237 = tpu.vector_load %arg8[%get3A_235, %get3A_236] {strides = array<i32>} : memref<96x256xf32, #tpu.memory_space<vmem>>, vector<1x16xf32>,
      %get3A_238 = vector.shape_cast %get3A_237 : vector<1x16xf32> to vector<16xf32>
      %mul3A_239 = arith.mulf %get3A_90, %get3A_238 : vector<16xf32>
      %add3A_240 = arith.addf %add3A_232, %mul3A_239 : vector<16xf32>
      %swap3A_241 = arith.index_cast %add3A_72 : i32 to index
      %swap3A_242 = arith.constant 80 : index
      %swap3A_243 = tpu.vector_load %arg10[%swap3A_241, %swap3A_242] {strides = array<i32>} : memref<128x256xf32, #tpu.memory_space<vmem>>, vector<1x16xf32>,
      %swap3A_244 = vector.shape_cast %swap3A_243 : vector<1x16xf32> to vector<16xf32>
      %swap3A_245 = vector.shape_cast %add3A_240 : vector<16xf32> to vector<1x16xf32>
      tpu.vector_store %arg10[%swap3A_241, %swap3A_242], %swap3A_245 {strides = array<i32>} : memref<128x256xf32, #tpu.memory_space<vmem>>, vector<1x16xf32>,
      %get3A_246 = arith.index_cast %mul3A_70 : i32 to index
      %get3A_247 = arith.constant 96 : index
      %get3A_248 = tpu.vector_load %arg8[%get3A_246, %get3A_247] {strides = array<i32>} : memref<96x256xf32, #tpu.memory_space<vmem>>, vector<1x16xf32>,
      %get3A_249 = vector.shape_cast %get3A_248 : vector<1x16xf32> to vector<16xf32>
      %mul3A_250 = arith.mulf %get3A_76, %get3A_249 : vector<16xf32>
      %add3A_251 = arith.constant 1 : i32
      %add3A_252 = arith.addi %mul3A_70, %add3A_251 : i32
      %get3A_253 = arith.index_cast %add3A_252 : i32 to index
      %get3A_254 = arith.constant 96 : index
      %get3A_255 = tpu.vector_load %arg8[%get3A_253, %get3A_254] {strides = array<i32>} : memref<96x256xf32, #tpu.memory_space<vmem>>, vector<1x16xf32>,
      %get3A_256 = vector.shape_cast %get3A_255 : vector<1x16xf32> to vector<16xf32>
      %mul3A_257 = arith.mulf %get3A_83, %get3A_256 : vector<16xf32>
      %add3A_258 = arith.addf %mul3A_250, %mul3A_257 : vector<16xf32>
      %add3A_259 = arith.constant 2 : i32
      %add3A_260 = arith.addi %mul3A_70, %add3A_259 : i32
      %get3A_261 = arith.index_cast %add3A_260 : i32 to index
      %get3A_262 = arith.constant 96 : index
      %get3A_263 = tpu.vector_load %arg8[%get3A_261, %get3A_262] {strides = array<i32>} : memref<96x256xf32, #tpu.memory_space<vmem>>, vector<1x16xf32>,
      %get3A_264 = vector.shape_cast %get3A_263 : vector<1x16xf32> to vector<16xf32>
      %mul3A_265 = arith.mulf %get3A_90, %get3A_264 : vector<16xf32>
      %add3A_266 = arith.addf %add3A_258, %mul3A_265 : vector<16xf32>
      %swap3A_267 = arith.index_cast %add3A_72 : i32 to index
      %swap3A_268 = arith.constant 96 : index
      %swap3A_269 = tpu.vector_load %arg10[%swap3A_267, %swap3A_268] {strides = array<i32>} : memref<128x256xf32, #tpu.memory_space<vmem>>, vector<1x16xf32>,
      %swap3A_270 = vector.shape_cast %swap3A_269 : vector<1x16xf32> to vector<16xf32>
      %swap3A_271 = vector.shape_cast %add3A_266 : vector<16xf32> to vector<1x16xf32>
      tpu.vector_store %arg10[%swap3A_267, %swap3A_268], %swap3A_271 {strides = array<i32>} : memref<128x256xf32, #tpu.memory_space<vmem>>, vector<1x16xf32>,
      %get3A_272 = arith.index_cast %mul3A_70 : i32 to index
      %get3A_273 = arith.constant 112 : index
      %get3A_274 = tpu.vector_load %arg8[%get3A_272, %get3A_273] {strides = array<i32>} : memref<96x256xf32, #tpu.memory_space<vmem>>, vector<1x16xf32>,
      %get3A_275 = vector.shape_cast %get3A_274 : vector<1x16xf32> to vector<16xf32>
      %mul3A_276 = arith.mulf %get3A_76, %get3A_275 : vector<16xf32>
      %add3A_277 = arith.constant 1 : i32
      %add3A_278 = arith.addi %mul3A_70, %add3A_277 : i32
      %get3A_279 = arith.index_cast %add3A_278 : i32 to index
      %get3A_280 = arith.constant 112 : index
      %get3A_281 = tpu.vector_load %arg8[%get3A_279, %get3A_280] {strides = array<i32>} : memref<96x256xf32, #tpu.memory_space<vmem>>, vector<1x16xf32>,
      %get3A_282 = vector.shape_cast %get3A_281 : vector<1x16xf32> to vector<16xf32>
      %mul3A_283 = arith.mulf %get3A_83, %get3A_282 : vector<16xf32>
      %add3A_284 = arith.addf %mul3A_276, %mul3A_283 : vector<16xf32>
      %add3A_285 = arith.constant 2 : i32
      %add3A_286 = arith.addi %mul3A_70, %add3A_285 : i32
      %get3A_287 = arith.index_cast %add3A_286 : i32 to index
      %get3A_288 = arith.constant 112 : index
      %get3A_289 = tpu.vector_load %arg8[%get3A_287, %get3A_288] {strides = array<i32>} : memref<96x256xf32, #tpu.memory_space<vmem>>, vector<1x16xf32>,
      %get3A_290 = vector.shape_cast %get3A_289 : vector<1x16xf32> to vector<16xf32>
      %mul3A_291 = arith.mulf %get3A_90, %get3A_290 : vector<16xf32>
      %add3A_292 = arith.addf %add3A_284, %mul3A_291 : vector<16xf32>
      %swap3A_293 = arith.index_cast %add3A_72 : i32 to index
      %swap3A_294 = arith.constant 112 : index
      %swap3A_295 = tpu.vector_load %arg10[%swap3A_293, %swap3A_294] {strides = array<i32>} : memref<128x256xf32, #tpu.memory_space<vmem>>, vector<1x16xf32>,
      %swap3A_296 = vector.shape_cast %swap3A_295 : vector<1x16xf32> to vector<16xf32>
      %swap3A_297 = vector.shape_cast %add3A_292 : vector<16xf32> to vector<1x16xf32>
      tpu.vector_store %arg10[%swap3A_293, %swap3A_294], %swap3A_297 {strides = array<i32>} : memref<128x256xf32, #tpu.memory_space<vmem>>, vector<1x16xf32>,
      %get3A_298 = arith.index_cast %mul3A_70 : i32 to index
      %get3A_299 = arith.constant 128 : index
      %get3A_300 = tpu.vector_load %arg8[%get3A_298, %get3A_299] {strides = array<i32>} : memref<96x256xf32, #tpu.memory_space<vmem>>, vector<1x16xf32>,
      %get3A_301 = vector.shape_cast %get3A_300 : vector<1x16xf32> to vector<16xf32>
      %mul3A_302 = arith.mulf %get3A_76, %get3A_301 : vector<16xf32>
      %add3A_303 = arith.constant 1 : i32
      %add3A_304 = arith.addi %mul3A_70, %add3A_303 : i32
      %get3A_305 = arith.index_cast %add3A_304 : i32 to index
      %get3A_306 = arith.constant 128 : index
      %get3A_307 = tpu.vector_load %arg8[%get3A_305, %get3A_306] {strides = array<i32>} : memref<96x256xf32, #tpu.memory_space<vmem>>, vector<1x16xf32>,
      %get3A_308 = vector.shape_cast %get3A_307 : vector<1x16xf32> to vector<16xf32>
      %mul3A_309 = arith.mulf %get3A_83, %get3A_308 : vector<16xf32>
      %add3A_310 = arith.addf %mul3A_302, %mul3A_309 : vector<16xf32>
      %add3A_311 = arith.constant 2 : i32
      %add3A_312 = arith.addi %mul3A_70, %add3A_311 : i32
      %get3A_313 = arith.index_cast %add3A_312 : i32 to index
      %get3A_314 = arith.constant 128 : index
      %get3A_315 = tpu.vector_load %arg8[%get3A_313, %get3A_314] {strides = array<i32>} : memref<96x256xf32, #tpu.memory_space<vmem>>, vector<1x16xf32>,
      %get3A_316 = vector.shape_cast %get3A_315 : vector<1x16xf32> to vector<16xf32>
      %mul3A_317 = arith.mulf %get3A_90, %get3A_316 : vector<16xf32>
      %add3A_318 = arith.addf %add3A_310, %mul3A_317 : vector<16xf32>
      %swap3A_319 = arith.index_cast %add3A_72 : i32 to index
      %swap3A_320 = arith.constant 128 : index
      %swap3A_321 = tpu.vector_load %arg10[%swap3A_319, %swap3A_320] {strides = array<i32>} : memref<128x256xf32, #tpu.memory_space<vmem>>, vector<1x16xf32>,
      %swap3A_322 = vector.shape_cast %swap3A_321 : vector<1x16xf32> to vector<16xf32>
      %swap3A_323 = vector.shape_cast %add3A_318 : vector<16xf32> to vector<1x16xf32>
      tpu.vector_store %arg10[%swap3A_319, %swap3A_320], %swap3A_323 {strides = array<i32>} : memref<128x256xf32, #tpu.memory_space<vmem>>, vector<1x16xf32>,
      %get3A_324 = arith.index_cast %mul3A_70 : i32 to index
      %get3A_325 = arith.constant 144 : index
      %get3A_326 = tpu.vector_load %arg8[%get3A_324, %get3A_325] {strides = array<i32>} : memref<96x256xf32, #tpu.memory_space<vmem>>, vector<1x16xf32>,
      %get3A_327 = vector.shape_cast %get3A_326 : vector<1x16xf32> to vector<16xf32>
      %mul3A_328 = arith.mulf %get3A_76, %get3A_327 : vector<16xf32>
      %add3A_329 = arith.constant 1 : i32
      %add3A_330 = arith.addi %mul3A_70, %add3A_329 : i32
      %get3A_331 = arith.index_cast %add3A_330 : i32 to index
      %get3A_332 = arith.constant 144 : index
      %get3A_333 = tpu.vector_load %arg8[%get3A_331, %get3A_332] {strides = array<i32>} : memref<96x256xf32, #tpu.memory_space<vmem>>, vector<1x16xf32>,
      %get3A_334 = vector.shape_cast %get3A_333 : vector<1x16xf32> to vector<16xf32>
      %mul3A_335 = arith.mulf %get3A_83, %get3A_334 : vector<16xf32>
      %add3A_336 = arith.addf %mul3A_328, %mul3A_335 : vector<16xf32>
      %add3A_337 = arith.constant 2 : i32
      %add3A_338 = arith.addi %mul3A_70, %add3A_337 : i32
      %get3A_339 = arith.index_cast %add3A_338 : i32 to index
      %get3A_340 = arith.constant 144 : index
      %get3A_341 = tpu.vector_load %arg8[%get3A_339, %get3A_340] {strides = array<i32>} : memref<96x256xf32, #tpu.memory_space<vmem>>, vector<1x16xf32>,
      %get3A_342 = vector.shape_cast %get3A_341 : vector<1x16xf32> to vector<16xf32>
      %mul3A_343 = arith.mulf %get3A_90, %get3A_342 : vector<16xf32>
      %add3A_344 = arith.addf %add3A_336, %mul3A_343 : vector<16xf32>
      %swap3A_345 = arith.index_cast %add3A_72 : i32 to index
      %swap3A_346 = arith.constant 144 : index
      %swap3A_347 = tpu.vector_load %arg10[%swap3A_345, %swap3A_346] {strides = array<i32>} : memref<128x256xf32, #tpu.memory_space<vmem>>, vector<1x16xf32>,
      %swap3A_348 = vector.shape_cast %swap3A_347 : vector<1x16xf32> to vector<16xf32>
      %swap3A_349 = vector.shape_cast %add3A_344 : vector<16xf32> to vector<1x16xf32>
      tpu.vector_store %arg10[%swap3A_345, %swap3A_346], %swap3A_349 {strides = array<i32>} : memref<128x256xf32, #tpu.memory_space<vmem>>, vector<1x16xf32>,
      %get3A_350 = arith.index_cast %mul3A_70 : i32 to index
      %get3A_351 = arith.constant 160 : index
      %get3A_352 = tpu.vector_load %arg8[%get3A_350, %get3A_351] {strides = array<i32>} : memref<96x256xf32, #tpu.memory_space<vmem>>, vector<1x16xf32>,
      %get3A_353 = vector.shape_cast %get3A_352 : vector<1x16xf32> to vector<16xf32>
      %mul3A_354 = arith.mulf %get3A_76, %get3A_353 : vector<16xf32>
      %add3A_355 = arith.constant 1 : i32
      %add3A_356 = arith.addi %mul3A_70, %add3A_355 : i32
      %get3A_357 = arith.index_cast %add3A_356 : i32 to index
      %get3A_358 = arith.constant 160 : index
      %get3A_359 = tpu.vector_load %arg8[%get3A_357, %get3A_358] {strides = array<i32>} : memref<96x256xf32, #tpu.memory_space<vmem>>, vector<1x16xf32>,
      %get3A_360 = vector.shape_cast %get3A_359 : vector<1x16xf32> to vector<16xf32>
      %mul3A_361 = arith.mulf %get3A_83, %get3A_360 : vector<16xf32>
      %add3A_362 = arith.addf %mul3A_354, %mul3A_361 : vector<16xf32>
      %add3A_363 = arith.constant 2 : i32
      %add3A_364 = arith.addi %mul3A_70, %add3A_363 : i32
      %get3A_365 = arith.index_cast %add3A_364 : i32 to index
      %get3A_366 = arith.constant 160 : index
      %get3A_367 = tpu.vector_load %arg8[%get3A_365, %get3A_366] {strides = array<i32>} : memref<96x256xf32, #tpu.memory_space<vmem>>, vector<1x16xf32>,
      %get3A_368 = vector.shape_cast %get3A_367 : vector<1x16xf32> to vector<16xf32>
      %mul3A_369 = arith.mulf %get3A_90, %get3A_368 : vector<16xf32>
      %add3A_370 = arith.addf %add3A_362, %mul3A_369 : vector<16xf32>
      %swap3A_371 = arith.index_cast %add3A_72 : i32 to index
      %swap3A_372 = arith.constant 160 : index
      %swap3A_373 = tpu.vector_load %arg10[%swap3A_371, %swap3A_372] {strides = array<i32>} : memref<128x256xf32, #tpu.memory_space<vmem>>, vector<1x16xf32>,
      %swap3A_374 = vector.shape_cast %swap3A_373 : vector<1x16xf32> to vector<16xf32>
      %swap3A_375 = vector.shape_cast %add3A_370 : vector<16xf32> to vector<1x16xf32>
      tpu.vector_store %arg10[%swap3A_371, %swap3A_372], %swap3A_375 {strides = array<i32>} : memref<128x256xf32, #tpu.memory_space<vmem>>, vector<1x16xf32>,
      %get3A_376 = arith.index_cast %mul3A_70 : i32 to index
      %get3A_377 = arith.constant 176 : index
      %get3A_378 = tpu.vector_load %arg8[%get3A_376, %get3A_377] {strides = array<i32>} : memref<96x256xf32, #tpu.memory_space<vmem>>, vector<1x16xf32>,
      %get3A_379 = vector.shape_cast %get3A_378 : vector<1x16xf32> to vector<16xf32>
      %mul3A_380 = arith.mulf %get3A_76, %get3A_379 : vector<16xf32>
      %add3A_381 = arith.constant 1 : i32
      %add3A_382 = arith.addi %mul3A_70, %add3A_381 : i32
      %get3A_383 = arith.index_cast %add3A_382 : i32 to index
      %get3A_384 = arith.constant 176 : index
      %get3A_385 = tpu.vector_load %arg8[%get3A_383, %get3A_384] {strides = array<i32>} : memref<96x256xf32, #tpu.memory_space<vmem>>, vector<1x16xf32>,
      %get3A_386 = vector.shape_cast %get3A_385 : vector<1x16xf32> to vector<16xf32>
      %mul3A_387 = arith.mulf %get3A_83, %get3A_386 : vector<16xf32>
      %add3A_388 = arith.addf %mul3A_380, %mul3A_387 : vector<16xf32>
      %add3A_389 = arith.constant 2 : i32
      %add3A_390 = arith.addi %mul3A_70, %add3A_389 : i32
      %get3A_391 = arith.index_cast %add3A_390 : i32 to index
      %get3A_392 = arith.constant 176 : index
      %get3A_393 = tpu.vector_load %arg8[%get3A_391, %get3A_392] {strides = array<i32>} : memref<96x256xf32, #tpu.memory_space<vmem>>, vector<1x16xf32>,
      %get3A_394 = vector.shape_cast %get3A_393 : vector<1x16xf32> to vector<16xf32>
      %mul3A_395 = arith.mulf %get3A_90, %get3A_394 : vector<16xf32>
      %add3A_396 = arith.addf %add3A_388, %mul3A_395 : vector<16xf32>
      %swap3A_397 = arith.index_cast %add3A_72 : i32 to index
      %swap3A_398 = arith.constant 176 : index
      %swap3A_399 = tpu.vector_load %arg10[%swap3A_397, %swap3A_398] {strides = array<i32>} : memref<128x256xf32, #tpu.memory_space<vmem>>, vector<1x16xf32>,
      %swap3A_400 = vector.shape_cast %swap3A_399 : vector<1x16xf32> to vector<16xf32>
      %swap3A_401 = vector.shape_cast %add3A_396 : vector<16xf32> to vector<1x16xf32>
      tpu.vector_store %arg10[%swap3A_397, %swap3A_398], %swap3A_401 {strides = array<i32>} : memref<128x256xf32, #tpu.memory_space<vmem>>, vector<1x16xf32>,
      %get3A_402 = arith.index_cast %mul3A_70 : i32 to index
      %get3A_403 = arith.constant 192 : index
      %get3A_404 = tpu.vector_load %arg8[%get3A_402, %get3A_403] {strides = array<i32>} : memref<96x256xf32, #tpu.memory_space<vmem>>, vector<1x16xf32>,
      %get3A_405 = vector.shape_cast %get3A_404 : vector<1x16xf32> to vector<16xf32>
      %mul3A_406 = arith.mulf %get3A_76, %get3A_405 : vector<16xf32>
      %add3A_407 = arith.constant 1 : i32
      %add3A_408 = arith.addi %mul3A_70, %add3A_407 : i32
      %get3A_409 = arith.index_cast %add3A_408 : i32 to index
      %get3A_410 = arith.constant 192 : index
      %get3A_411 = tpu.vector_load %arg8[%get3A_409, %get3A_410] {strides = array<i32>} : memref<96x256xf32, #tpu.memory_space<vmem>>, vector<1x16xf32>,
      %get3A_412 = vector.shape_cast %get3A_411 : vector<1x16xf32> to vector<16xf32>
      %mul3A_413 = arith.mulf %get3A_83, %get3A_412 : vector<16xf32>
      %add3A_414 = arith.addf %mul3A_406, %mul3A_413 : vector<16xf32>
      %add3A_415 = arith.constant 2 : i32
      %add3A_416 = arith.addi %mul3A_70, %add3A_415 : i32
      %get3A_417 = arith.index_cast %add3A_416 : i32 to index
      %get3A_418 = arith.constant 192 : index
      %get3A_419 = tpu.vector_load %arg8[%get3A_417, %get3A_418] {strides = array<i32>} : memref<96x256xf32, #tpu.memory_space<vmem>>, vector<1x16xf32>,
      %get3A_420 = vector.shape_cast %get3A_419 : vector<1x16xf32> to vector<16xf32>
      %mul3A_421 = arith.mulf %get3A_90, %get3A_420 : vector<16xf32>
      %add3A_422 = arith.addf %add3A_414, %mul3A_421 : vector<16xf32>
      %swap3A_423 = arith.index_cast %add3A_72 : i32 to index
      %swap3A_424 = arith.constant 192 : index
      %swap3A_425 = tpu.vector_load %arg10[%swap3A_423, %swap3A_424] {strides = array<i32>} : memref<128x256xf32, #tpu.memory_space<vmem>>, vector<1x16xf32>,
      %swap3A_426 = vector.shape_cast %swap3A_425 : vector<1x16xf32> to vector<16xf32>
      %swap3A_427 = vector.shape_cast %add3A_422 : vector<16xf32> to vector<1x16xf32>
      tpu.vector_store %arg10[%swap3A_423, %swap3A_424], %swap3A_427 {strides = array<i32>} : memref<128x256xf32, #tpu.memory_space<vmem>>, vector<1x16xf32>,
      %get3A_428 = arith.index_cast %mul3A_70 : i32 to index
      %get3A_429 = arith.constant 208 : index
      %get3A_430 = tpu.vector_load %arg8[%get3A_428, %get3A_429] {strides = array<i32>} : memref<96x256xf32, #tpu.memory_space<vmem>>, vector<1x16xf32>,
      %get3A_431 = vector.shape_cast %get3A_430 : vector<1x16xf32> to vector<16xf32>
      %mul3A_432 = arith.mulf %get3A_76, %get3A_431 : vector<16xf32>
      %add3A_433 = arith.constant 1 : i32
      %add3A_434 = arith.addi %mul3A_70, %add3A_433 : i32
      %get3A_435 = arith.index_cast %add3A_434 : i32 to index
      %get3A_436 = arith.constant 208 : index
      %get3A_437 = tpu.vector_load %arg8[%get3A_435, %get3A_436] {strides = array<i32>} : memref<96x256xf32, #tpu.memory_space<vmem>>, vector<1x16xf32>,
      %get3A_438 = vector.shape_cast %get3A_437 : vector<1x16xf32> to vector<16xf32>
      %mul3A_439 = arith.mulf %get3A_83, %get3A_438 : vector<16xf32>
      %add3A_440 = arith.addf %mul3A_432, %mul3A_439 : vector<16xf32>
      %add3A_441 = arith.constant 2 : i32
      %add3A_442 = arith.addi %mul3A_70, %add3A_441 : i32
      %get3A_443 = arith.index_cast %add3A_442 : i32 to index
      %get3A_444 = arith.constant 208 : index
      %get3A_445 = tpu.vector_load %arg8[%get3A_443, %get3A_444] {strides = array<i32>} : memref<96x256xf32, #tpu.memory_space<vmem>>, vector<1x16xf32>,
      %get3A_446 = vector.shape_cast %get3A_445 : vector<1x16xf32> to vector<16xf32>
      %mul3A_447 = arith.mulf %get3A_90, %get3A_446 : vector<16xf32>
      %add3A_448 = arith.addf %add3A_440, %mul3A_447 : vector<16xf32>
      %swap3A_449 = arith.index_cast %add3A_72 : i32 to index
      %swap3A_450 = arith.constant 208 : index
      %swap3A_451 = tpu.vector_load %arg10[%swap3A_449, %swap3A_450] {strides = array<i32>} : memref<128x256xf32, #tpu.memory_space<vmem>>, vector<1x16xf32>,
      %swap3A_452 = vector.shape_cast %swap3A_451 : vector<1x16xf32> to vector<16xf32>
      %swap3A_453 = vector.shape_cast %add3A_448 : vector<16xf32> to vector<1x16xf32>
      tpu.vector_store %arg10[%swap3A_449, %swap3A_450], %swap3A_453 {strides = array<i32>} : memref<128x256xf32, #tpu.memory_space<vmem>>, vector<1x16xf32>,
      %get3A_454 = arith.index_cast %mul3A_70 : i32 to index
      %get3A_455 = arith.constant 224 : index
      %get3A_456 = tpu.vector_load %arg8[%get3A_454, %get3A_455] {strides = array<i32>} : memref<96x256xf32, #tpu.memory_space<vmem>>, vector<1x16xf32>,
      %get3A_457 = vector.shape_cast %get3A_456 : vector<1x16xf32> to vector<16xf32>
      %mul3A_458 = arith.mulf %get3A_76, %get3A_457 : vector<16xf32>
      %add3A_459 = arith.constant 1 : i32
      %add3A_460 = arith.addi %mul3A_70, %add3A_459 : i32
      %get3A_461 = arith.index_cast %add3A_460 : i32 to index
      %get3A_462 = arith.constant 224 : index
      %get3A_463 = tpu.vector_load %arg8[%get3A_461, %get3A_462] {strides = array<i32>} : memref<96x256xf32, #tpu.memory_space<vmem>>, vector<1x16xf32>,
      %get3A_464 = vector.shape_cast %get3A_463 : vector<1x16xf32> to vector<16xf32>
      %mul3A_465 = arith.mulf %get3A_83, %get3A_464 : vector<16xf32>
      %add3A_466 = arith.addf %mul3A_458, %mul3A_465 : vector<16xf32>
      %add3A_467 = arith.constant 2 : i32
      %add3A_468 = arith.addi %mul3A_70, %add3A_467 : i32
      %get3A_469 = arith.index_cast %add3A_468 : i32 to index
      %get3A_470 = arith.constant 224 : index
      %get3A_471 = tpu.vector_load %arg8[%get3A_469, %get3A_470] {strides = array<i32>} : memref<96x256xf32, #tpu.memory_space<vmem>>, vector<1x16xf32>,
      %get3A_472 = vector.shape_cast %get3A_471 : vector<1x16xf32> to vector<16xf32>
      %mul3A_473 = arith.mulf %get3A_90, %get3A_472 : vector<16xf32>
      %add3A_474 = arith.addf %add3A_466, %mul3A_473 : vector<16xf32>
      %swap3A_475 = arith.index_cast %add3A_72 : i32 to index
      %swap3A_476 = arith.constant 224 : index
      %swap3A_477 = tpu.vector_load %arg10[%swap3A_475, %swap3A_476] {strides = array<i32>} : memref<128x256xf32, #tpu.memory_space<vmem>>, vector<1x16xf32>,
      %swap3A_478 = vector.shape_cast %swap3A_477 : vector<1x16xf32> to vector<16xf32>
      %swap3A_479 = vector.shape_cast %add3A_474 : vector<16xf32> to vector<1x16xf32>
      tpu.vector_store %arg10[%swap3A_475, %swap3A_476], %swap3A_479 {strides = array<i32>} : memref<128x256xf32, #tpu.memory_space<vmem>>, vector<1x16xf32>,
      %get3A_480 = arith.index_cast %mul3A_70 : i32 to index
      %get3A_481 = arith.constant 240 : index
      %get3A_482 = tpu.vector_load %arg8[%get3A_480, %get3A_481] {strides = array<i32>} : memref<96x256xf32, #tpu.memory_space<vmem>>, vector<1x16xf32>,
      %get3A_483 = vector.shape_cast %get3A_482 : vector<1x16xf32> to vector<16xf32>
      %mul3A_484 = arith.mulf %get3A_76, %get3A_483 : vector<16xf32>
      %add3A_485 = arith.constant 1 : i32
      %add3A_486 = arith.addi %mul3A_70, %add3A_485 : i32
      %get3A_487 = arith.index_cast %add3A_486 : i32 to index
      %get3A_488 = arith.constant 240 : index
      %get3A_489 = tpu.vector_load %arg8[%get3A_487, %get3A_488] {strides = array<i32>} : memref<96x256xf32, #tpu.memory_space<vmem>>, vector<1x16xf32>,
      %get3A_490 = vector.shape_cast %get3A_489 : vector<1x16xf32> to vector<16xf32>
      %mul3A_491 = arith.mulf %get3A_83, %get3A_490 : vector<16xf32>
      %add3A_492 = arith.addf %mul3A_484, %mul3A_491 : vector<16xf32>
      %add3A_493 = arith.constant 2 : i32
      %add3A_494 = arith.addi %mul3A_70, %add3A_493 : i32
      %get3A_495 = arith.index_cast %add3A_494 : i32 to index
      %get3A_496 = arith.constant 240 : index
      %get3A_497 = tpu.vector_load %arg8[%get3A_495, %get3A_496] {strides = array<i32>} : memref<96x256xf32, #tpu.memory_space<vmem>>, vector<1x16xf32>,
      %get3A_498 = vector.shape_cast %get3A_497 : vector<1x16xf32> to vector<16xf32>
      %mul3A_499 = arith.mulf %get3A_90, %get3A_498 : vector<16xf32>
      %add3A_500 = arith.addf %add3A_492, %mul3A_499 : vector<16xf32>
      %swap3A_501 = arith.index_cast %add3A_72 : i32 to index
      %swap3A_502 = arith.constant 240 : index
      %swap3A_503 = tpu.vector_load %arg10[%swap3A_501, %swap3A_502] {strides = array<i32>} : memref<128x256xf32, #tpu.memory_space<vmem>>, vector<1x16xf32>,
      %swap3A_504 = vector.shape_cast %swap3A_503 : vector<1x16xf32> to vector<16xf32>
      %swap3A_505 = vector.shape_cast %add3A_500 : vector<16xf32> to vector<1x16xf32>
      tpu.vector_store %arg10[%swap3A_501, %swap3A_502], %swap3A_505 {strides = array<i32>} : memref<128x256xf32, #tpu.memory_space<vmem>>, vector<1x16xf32>,
    }
    %scan3A_56 = arith.constant 32 : i32
    %dma_wait3A_57 = arith.constant 288 : i32
    %dma_wait3A_58 = tpu.memref_slice %arg6[%dma_wait3A_57] : memref<384xi32, #tpu.memory_space<vmem>> -> memref<96xi32, #tpu.memory_space<vmem>>
    %dma_wait3A_59 = arith.constant 0 : i32
    %dma_wait3A_60 = arith.constant 0 : i32
    %dma_wait3A_61 = tpu.memref_slice %arg2[%dma_wait3A_59, %dma_wait3A_60] : memref<10000x256xf32, #tpu.memory_space<hbm>> -> memref<10000x256xf32, #tpu.memory_space<hbm>>
    tpu.wait_indirect_dma semaphore(%arg12 : memref<!tpu.dma_semaphore, #tpu.memory_space<semaphore_mem>>) src(%dma_wait3A_61 : memref<10000x256xf32, #tpu.memory_space<hbm>>) dst(%arg9 : memref<96x256xf32, #tpu.memory_space<vmem>>)
    %scan3A_62 = arith.constant 0 : i32
    %scan3A_63 = arith.constant 0 : i32
    %scan3A_64 = arith.constant 32 : i32
    %scan3A_65 = arith.addi %scan3A_63, %scan3A_64 : i32
    %scan3A_66 = arith.constant 1 : i32
    scf.for %scan3A_68 = %scan3A_63 to %scan3A_65 step %scan3A_66  : i32 {
      %mul3A_69 = arith.constant 3 : i32
      %mul3A_70 = arith.muli %scan3A_68, %mul3A_69 : i32
      %add3A_71 = arith.constant 96 : i32
      %add3A_72 = arith.addi %add3A_71, %scan3A_68 : i32
      %mul3A_73 = arith.constant 48 : i32
      %mul3A_74 = arith.muli %add3A_72, %mul3A_73 : i32
      %get3A = arith.index_cast %mul3A_74 : i32 to index
      %get3A_75 = tpu.vector_load %arg7[%get3A] {strides = array<i32>} : memref<6144xf32, #tpu.memory_space<vmem>>, vector<16xf32>,
      %get3A_76 = vector.shape_cast %get3A_75 : vector<16xf32> to vector<16xf32>
      %mul3A_77 = arith.constant 48 : i32
      %mul3A_78 = arith.muli %add3A_72, %mul3A_77 : i32
      %add3A_79 = arith.constant 16 : i32
      %add3A_80 = arith.addi %mul3A_78, %add3A_79 : i32
      %get3A_81 = arith.index_cast %add3A_80 : i32 to index
      %get3A_82 = tpu.vector_load %arg7[%get3A_81] {strides = array<i32>} : memref<6144xf32, #tpu.memory_space<vmem>>, vector<16xf32>,
      %get3A_83 = vector.shape_cast %get3A_82 : vector<16xf32> to vector<16xf32>
      %mul3A_84 = arith.constant 48 : i32
      %mul3A_85 = arith.muli %add3A_72, %mul3A_84 : i32
      %add3A_86 = arith.constant 32 : i32
      %add3A_87 = arith.addi %mul3A_85, %add3A_86 : i32
      %get3A_88 = arith.index_cast %add3A_87 : i32 to index
      %get3A_89 = tpu.vector_load %arg7[%get3A_88] {strides = array<i32>} : memref<6144xf32, #tpu.memory_space<vmem>>, vector<16xf32>,
      %get3A_90 = vector.shape_cast %get3A_89 : vector<16xf32> to vector<16xf32>
      %get3A_91 = arith.index_cast %mul3A_70 : i32 to index
      %get3A_92 = arith.constant 0 : index
      %get3A_93 = tpu.vector_load %arg9[%get3A_91, %get3A_92] {strides = array<i32>} : memref<96x256xf32, #tpu.memory_space<vmem>>, vector<1x16xf32>,
      %get3A_94 = vector.shape_cast %get3A_93 : vector<1x16xf32> to vector<16xf32>
      %mul3A_95 = arith.mulf %get3A_76, %get3A_94 : vector<16xf32>
      %add3A_96 = arith.constant 1 : i32
      %add3A_97 = arith.addi %mul3A_70, %add3A_96 : i32
      %get3A_98 = arith.index_cast %add3A_97 : i32 to index
      %get3A_99 = arith.constant 0 : index
      %get3A_100 = tpu.vector_load %arg9[%get3A_98, %get3A_99] {strides = array<i32>} : memref<96x256xf32, #tpu.memory_space<vmem>>, vector<1x16xf32>,
      %get3A_101 = vector.shape_cast %get3A_100 : vector<1x16xf32> to vector<16xf32>
      %mul3A_102 = arith.mulf %get3A_83, %get3A_101 : vector<16xf32>
      %add3A_103 = arith.addf %mul3A_95, %mul3A_102 : vector<16xf32>
      %add3A_104 = arith.constant 2 : i32
      %add3A_105 = arith.addi %mul3A_70, %add3A_104 : i32
      %get3A_106 = arith.index_cast %add3A_105 : i32 to index
      %get3A_107 = arith.constant 0 : index
      %get3A_108 = tpu.vector_load %arg9[%get3A_106, %get3A_107] {strides = array<i32>} : memref<96x256xf32, #tpu.memory_space<vmem>>, vector<1x16xf32>,
      %get3A_109 = vector.shape_cast %get3A_108 : vector<1x16xf32> to vector<16xf32>
      %mul3A_110 = arith.mulf %get3A_90, %get3A_109 : vector<16xf32>
      %add3A_111 = arith.addf %add3A_103, %mul3A_110 : vector<16xf32>
      %swap3A = arith.index_cast %add3A_72 : i32 to index
      %swap3A_112 = arith.constant 0 : index
      %swap3A_113 = tpu.vector_load %arg10[%swap3A, %swap3A_112] {strides = array<i32>} : memref<128x256xf32, #tpu.memory_space<vmem>>, vector<1x16xf32>,
      %swap3A_114 = vector.shape_cast %swap3A_113 : vector<1x16xf32> to vector<16xf32>
      %swap3A_115 = vector.shape_cast %add3A_111 : vector<16xf32> to vector<1x16xf32>
      tpu.vector_store %arg10[%swap3A, %swap3A_112], %swap3A_115 {strides = array<i32>} : memref<128x256xf32, #tpu.memory_space<vmem>>, vector<1x16xf32>,
      %get3A_116 = arith.index_cast %mul3A_70 : i32 to index
      %get3A_117 = arith.constant 16 : index
      %get3A_118 = tpu.vector_load %arg9[%get3A_116, %get3A_117] {strides = array<i32>} : memref<96x256xf32, #tpu.memory_space<vmem>>, vector<1x16xf32>,
      %get3A_119 = vector.shape_cast %get3A_118 : vector<1x16xf32> to vector<16xf32>
      %mul3A_120 = arith.mulf %get3A_76, %get3A_119 : vector<16xf32>
      %add3A_121 = arith.constant 1 : i32
      %add3A_122 = arith.addi %mul3A_70, %add3A_121 : i32
      %get3A_123 = arith.index_cast %add3A_122 : i32 to index
      %get3A_124 = arith.constant 16 : index
      %get3A_125 = tpu.vector_load %arg9[%get3A_123, %get3A_124] {strides = array<i32>} : memref<96x256xf32, #tpu.memory_space<vmem>>, vector<1x16xf32>,
      %get3A_126 = vector.shape_cast %get3A_125 : vector<1x16xf32> to vector<16xf32>
      %mul3A_127 = arith.mulf %get3A_83, %get3A_126 : vector<16xf32>
      %add3A_128 = arith.addf %mul3A_120, %mul3A_127 : vector<16xf32>
      %add3A_129 = arith.constant 2 : i32
      %add3A_130 = arith.addi %mul3A_70, %add3A_129 : i32
      %get3A_131 = arith.index_cast %add3A_130 : i32 to index
      %get3A_132 = arith.constant 16 : index
      %get3A_133 = tpu.vector_load %arg9[%get3A_131, %get3A_132] {strides = array<i32>} : memref<96x256xf32, #tpu.memory_space<vmem>>, vector<1x16xf32>,
      %get3A_134 = vector.shape_cast %get3A_133 : vector<1x16xf32> to vector<16xf32>
      %mul3A_135 = arith.mulf %get3A_90, %get3A_134 : vector<16xf32>
      %add3A_136 = arith.addf %add3A_128, %mul3A_135 : vector<16xf32>
      %swap3A_137 = arith.index_cast %add3A_72 : i32 to index
      %swap3A_138 = arith.constant 16 : index
      %swap3A_139 = tpu.vector_load %arg10[%swap3A_137, %swap3A_138] {strides = array<i32>} : memref<128x256xf32, #tpu.memory_space<vmem>>, vector<1x16xf32>,
      %swap3A_140 = vector.shape_cast %swap3A_139 : vector<1x16xf32> to vector<16xf32>
      %swap3A_141 = vector.shape_cast %add3A_136 : vector<16xf32> to vector<1x16xf32>
      tpu.vector_store %arg10[%swap3A_137, %swap3A_138], %swap3A_141 {strides = array<i32>} : memref<128x256xf32, #tpu.memory_space<vmem>>, vector<1x16xf32>,
      %get3A_142 = arith.index_cast %mul3A_70 : i32 to index
      %get3A_143 = arith.constant 32 : index
      %get3A_144 = tpu.vector_load %arg9[%get3A_142, %get3A_143] {strides = array<i32>} : memref<96x256xf32, #tpu.memory_space<vmem>>, vector<1x16xf32>,
      %get3A_145 = vector.shape_cast %get3A_144 : vector<1x16xf32> to vector<16xf32>
      %mul3A_146 = arith.mulf %get3A_76, %get3A_145 : vector<16xf32>
      %add3A_147 = arith.constant 1 : i32
      %add3A_148 = arith.addi %mul3A_70, %add3A_147 : i32
      %get3A_149 = arith.index_cast %add3A_148 : i32 to index
      %get3A_150 = arith.constant 32 : index
      %get3A_151 = tpu.vector_load %arg9[%get3A_149, %get3A_150] {strides = array<i32>} : memref<96x256xf32, #tpu.memory_space<vmem>>, vector<1x16xf32>,
      %get3A_152 = vector.shape_cast %get3A_151 : vector<1x16xf32> to vector<16xf32>
      %mul3A_153 = arith.mulf %get3A_83, %get3A_152 : vector<16xf32>
      %add3A_154 = arith.addf %mul3A_146, %mul3A_153 : vector<16xf32>
      %add3A_155 = arith.constant 2 : i32
      %add3A_156 = arith.addi %mul3A_70, %add3A_155 : i32
      %get3A_157 = arith.index_cast %add3A_156 : i32 to index
      %get3A_158 = arith.constant 32 : index
      %get3A_159 = tpu.vector_load %arg9[%get3A_157, %get3A_158] {strides = array<i32>} : memref<96x256xf32, #tpu.memory_space<vmem>>, vector<1x16xf32>,
      %get3A_160 = vector.shape_cast %get3A_159 : vector<1x16xf32> to vector<16xf32>
      %mul3A_161 = arith.mulf %get3A_90, %get3A_160 : vector<16xf32>
      %add3A_162 = arith.addf %add3A_154, %mul3A_161 : vector<16xf32>
      %swap3A_163 = arith.index_cast %add3A_72 : i32 to index
      %swap3A_164 = arith.constant 32 : index
      %swap3A_165 = tpu.vector_load %arg10[%swap3A_163, %swap3A_164] {strides = array<i32>} : memref<128x256xf32, #tpu.memory_space<vmem>>, vector<1x16xf32>,
      %swap3A_166 = vector.shape_cast %swap3A_165 : vector<1x16xf32> to vector<16xf32>
      %swap3A_167 = vector.shape_cast %add3A_162 : vector<16xf32> to vector<1x16xf32>
      tpu.vector_store %arg10[%swap3A_163, %swap3A_164], %swap3A_167 {strides = array<i32>} : memref<128x256xf32, #tpu.memory_space<vmem>>, vector<1x16xf32>,
      %get3A_168 = arith.index_cast %mul3A_70 : i32 to index
      %get3A_169 = arith.constant 48 : index
      %get3A_170 = tpu.vector_load %arg9[%get3A_168, %get3A_169] {strides = array<i32>} : memref<96x256xf32, #tpu.memory_space<vmem>>, vector<1x16xf32>,
      %get3A_171 = vector.shape_cast %get3A_170 : vector<1x16xf32> to vector<16xf32>
      %mul3A_172 = arith.mulf %get3A_76, %get3A_171 : vector<16xf32>
      %add3A_173 = arith.constant 1 : i32
      %add3A_174 = arith.addi %mul3A_70, %add3A_173 : i32
      %get3A_175 = arith.index_cast %add3A_174 : i32 to index
      %get3A_176 = arith.constant 48 : index
      %get3A_177 = tpu.vector_load %arg9[%get3A_175, %get3A_176] {strides = array<i32>} : memref<96x256xf32, #tpu.memory_space<vmem>>, vector<1x16xf32>,
      %get3A_178 = vector.shape_cast %get3A_177 : vector<1x16xf32> to vector<16xf32>
      %mul3A_179 = arith.mulf %get3A_83, %get3A_178 : vector<16xf32>
      %add3A_180 = arith.addf %mul3A_172, %mul3A_179 : vector<16xf32>
      %add3A_181 = arith.constant 2 : i32
      %add3A_182 = arith.addi %mul3A_70, %add3A_181 : i32
      %get3A_183 = arith.index_cast %add3A_182 : i32 to index
      %get3A_184 = arith.constant 48 : index
      %get3A_185 = tpu.vector_load %arg9[%get3A_183, %get3A_184] {strides = array<i32>} : memref<96x256xf32, #tpu.memory_space<vmem>>, vector<1x16xf32>,
      %get3A_186 = vector.shape_cast %get3A_185 : vector<1x16xf32> to vector<16xf32>
      %mul3A_187 = arith.mulf %get3A_90, %get3A_186 : vector<16xf32>
      %add3A_188 = arith.addf %add3A_180, %mul3A_187 : vector<16xf32>
      %swap3A_189 = arith.index_cast %add3A_72 : i32 to index
      %swap3A_190 = arith.constant 48 : index
      %swap3A_191 = tpu.vector_load %arg10[%swap3A_189, %swap3A_190] {strides = array<i32>} : memref<128x256xf32, #tpu.memory_space<vmem>>, vector<1x16xf32>,
      %swap3A_192 = vector.shape_cast %swap3A_191 : vector<1x16xf32> to vector<16xf32>
      %swap3A_193 = vector.shape_cast %add3A_188 : vector<16xf32> to vector<1x16xf32>
      tpu.vector_store %arg10[%swap3A_189, %swap3A_190], %swap3A_193 {strides = array<i32>} : memref<128x256xf32, #tpu.memory_space<vmem>>, vector<1x16xf32>,
      %get3A_194 = arith.index_cast %mul3A_70 : i32 to index
      %get3A_195 = arith.constant 64 : index
      %get3A_196 = tpu.vector_load %arg9[%get3A_194, %get3A_195] {strides = array<i32>} : memref<96x256xf32, #tpu.memory_space<vmem>>, vector<1x16xf32>,
      %get3A_197 = vector.shape_cast %get3A_196 : vector<1x16xf32> to vector<16xf32>
      %mul3A_198 = arith.mulf %get3A_76, %get3A_197 : vector<16xf32>
      %add3A_199 = arith.constant 1 : i32
      %add3A_200 = arith.addi %mul3A_70, %add3A_199 : i32
      %get3A_201 = arith.index_cast %add3A_200 : i32 to index
      %get3A_202 = arith.constant 64 : index
      %get3A_203 = tpu.vector_load %arg9[%get3A_201, %get3A_202] {strides = array<i32>} : memref<96x256xf32, #tpu.memory_space<vmem>>, vector<1x16xf32>,
      %get3A_204 = vector.shape_cast %get3A_203 : vector<1x16xf32> to vector<16xf32>
      %mul3A_205 = arith.mulf %get3A_83, %get3A_204 : vector<16xf32>
      %add3A_206 = arith.addf %mul3A_198, %mul3A_205 : vector<16xf32>
      %add3A_207 = arith.constant 2 : i32
      %add3A_208 = arith.addi %mul3A_70, %add3A_207 : i32
      %get3A_209 = arith.index_cast %add3A_208 : i32 to index
      %get3A_210 = arith.constant 64 : index
      %get3A_211 = tpu.vector_load %arg9[%get3A_209, %get3A_210] {strides = array<i32>} : memref<96x256xf32, #tpu.memory_space<vmem>>, vector<1x16xf32>,
      %get3A_212 = vector.shape_cast %get3A_211 : vector<1x16xf32> to vector<16xf32>
      %mul3A_213 = arith.mulf %get3A_90, %get3A_212 : vector<16xf32>
      %add3A_214 = arith.addf %add3A_206, %mul3A_213 : vector<16xf32>
      %swap3A_215 = arith.index_cast %add3A_72 : i32 to index
      %swap3A_216 = arith.constant 64 : index
      %swap3A_217 = tpu.vector_load %arg10[%swap3A_215, %swap3A_216] {strides = array<i32>} : memref<128x256xf32, #tpu.memory_space<vmem>>, vector<1x16xf32>,
      %swap3A_218 = vector.shape_cast %swap3A_217 : vector<1x16xf32> to vector<16xf32>
      %swap3A_219 = vector.shape_cast %add3A_214 : vector<16xf32> to vector<1x16xf32>
      tpu.vector_store %arg10[%swap3A_215, %swap3A_216], %swap3A_219 {strides = array<i32>} : memref<128x256xf32, #tpu.memory_space<vmem>>, vector<1x16xf32>,
      %get3A_220 = arith.index_cast %mul3A_70 : i32 to index
      %get3A_221 = arith.constant 80 : index
      %get3A_222 = tpu.vector_load %arg9[%get3A_220, %get3A_221] {strides = array<i32>} : memref<96x256xf32, #tpu.memory_space<vmem>>, vector<1x16xf32>,
      %get3A_223 = vector.shape_cast %get3A_222 : vector<1x16xf32> to vector<16xf32>
      %mul3A_224 = arith.mulf %get3A_76, %get3A_223 : vector<16xf32>
      %add3A_225 = arith.constant 1 : i32
      %add3A_226 = arith.addi %mul3A_70, %add3A_225 : i32
      %get3A_227 = arith.index_cast %add3A_226 : i32 to index
      %get3A_228 = arith.constant 80 : index
      %get3A_229 = tpu.vector_load %arg9[%get3A_227, %get3A_228] {strides = array<i32>} : memref<96x256xf32, #tpu.memory_space<vmem>>, vector<1x16xf32>,
      %get3A_230 = vector.shape_cast %get3A_229 : vector<1x16xf32> to vector<16xf32>
      %mul3A_231 = arith.mulf %get3A_83, %get3A_230 : vector<16xf32>
      %add3A_232 = arith.addf %mul3A_224, %mul3A_231 : vector<16xf32>
      %add3A_233 = arith.constant 2 : i32
      %add3A_234 = arith.addi %mul3A_70, %add3A_233 : i32
      %get3A_235 = arith.index_cast %add3A_234 : i32 to index
      %get3A_236 = arith.constant 80 : index
      %get3A_237 = tpu.vector_load %arg9[%get3A_235, %get3A_236] {strides = array<i32>} : memref<96x256xf32, #tpu.memory_space<vmem>>, vector<1x16xf32>,
      %get3A_238 = vector.shape_cast %get3A_237 : vector<1x16xf32> to vector<16xf32>
      %mul3A_239 = arith.mulf %get3A_90, %get3A_238 : vector<16xf32>
      %add3A_240 = arith.addf %add3A_232, %mul3A_239 : vector<16xf32>
      %swap3A_241 = arith.index_cast %add3A_72 : i32 to index
      %swap3A_242 = arith.constant 80 : index
      %swap3A_243 = tpu.vector_load %arg10[%swap3A_241, %swap3A_242] {strides = array<i32>} : memref<128x256xf32, #tpu.memory_space<vmem>>, vector<1x16xf32>,
      %swap3A_244 = vector.shape_cast %swap3A_243 : vector<1x16xf32> to vector<16xf32>
      %swap3A_245 = vector.shape_cast %add3A_240 : vector<16xf32> to vector<1x16xf32>
      tpu.vector_store %arg10[%swap3A_241, %swap3A_242], %swap3A_245 {strides = array<i32>} : memref<128x256xf32, #tpu.memory_space<vmem>>, vector<1x16xf32>,
      %get3A_246 = arith.index_cast %mul3A_70 : i32 to index
      %get3A_247 = arith.constant 96 : index
      %get3A_248 = tpu.vector_load %arg9[%get3A_246, %get3A_247] {strides = array<i32>} : memref<96x256xf32, #tpu.memory_space<vmem>>, vector<1x16xf32>,
      %get3A_249 = vector.shape_cast %get3A_248 : vector<1x16xf32> to vector<16xf32>
      %mul3A_250 = arith.mulf %get3A_76, %get3A_249 : vector<16xf32>
      %add3A_251 = arith.constant 1 : i32
      %add3A_252 = arith.addi %mul3A_70, %add3A_251 : i32
      %get3A_253 = arith.index_cast %add3A_252 : i32 to index
      %get3A_254 = arith.constant 96 : index
      %get3A_255 = tpu.vector_load %arg9[%get3A_253, %get3A_254] {strides = array<i32>} : memref<96x256xf32, #tpu.memory_space<vmem>>, vector<1x16xf32>,
      %get3A_256 = vector.shape_cast %get3A_255 : vector<1x16xf32> to vector<16xf32>
      %mul3A_257 = arith.mulf %get3A_83, %get3A_256 : vector<16xf32>
      %add3A_258 = arith.addf %mul3A_250, %mul3A_257 : vector<16xf32>
      %add3A_259 = arith.constant 2 : i32
      %add3A_260 = arith.addi %mul3A_70, %add3A_259 : i32
      %get3A_261 = arith.index_cast %add3A_260 : i32 to index
      %get3A_262 = arith.constant 96 : index
      %get3A_263 = tpu.vector_load %arg9[%get3A_261, %get3A_262] {strides = array<i32>} : memref<96x256xf32, #tpu.memory_space<vmem>>, vector<1x16xf32>,
      %get3A_264 = vector.shape_cast %get3A_263 : vector<1x16xf32> to vector<16xf32>
      %mul3A_265 = arith.mulf %get3A_90, %get3A_264 : vector<16xf32>
      %add3A_266 = arith.addf %add3A_258, %mul3A_265 : vector<16xf32>
      %swap3A_267 = arith.index_cast %add3A_72 : i32 to index
      %swap3A_268 = arith.constant 96 : index
      %swap3A_269 = tpu.vector_load %arg10[%swap3A_267, %swap3A_268] {strides = array<i32>} : memref<128x256xf32, #tpu.memory_space<vmem>>, vector<1x16xf32>,
      %swap3A_270 = vector.shape_cast %swap3A_269 : vector<1x16xf32> to vector<16xf32>
      %swap3A_271 = vector.shape_cast %add3A_266 : vector<16xf32> to vector<1x16xf32>
      tpu.vector_store %arg10[%swap3A_267, %swap3A_268], %swap3A_271 {strides = array<i32>} : memref<128x256xf32, #tpu.memory_space<vmem>>, vector<1x16xf32>,
      %get3A_272 = arith.index_cast %mul3A_70 : i32 to index
      %get3A_273 = arith.constant 112 : index
      %get3A_274 = tpu.vector_load %arg9[%get3A_272, %get3A_273] {strides = array<i32>} : memref<96x256xf32, #tpu.memory_space<vmem>>, vector<1x16xf32>,
      %get3A_275 = vector.shape_cast %get3A_274 : vector<1x16xf32> to vector<16xf32>
      %mul3A_276 = arith.mulf %get3A_76, %get3A_275 : vector<16xf32>
      %add3A_277 = arith.constant 1 : i32
      %add3A_278 = arith.addi %mul3A_70, %add3A_277 : i32
      %get3A_279 = arith.index_cast %add3A_278 : i32 to index
      %get3A_280 = arith.constant 112 : index
      %get3A_281 = tpu.vector_load %arg9[%get3A_279, %get3A_280] {strides = array<i32>} : memref<96x256xf32, #tpu.memory_space<vmem>>, vector<1x16xf32>,
      %get3A_282 = vector.shape_cast %get3A_281 : vector<1x16xf32> to vector<16xf32>
      %mul3A_283 = arith.mulf %get3A_83, %get3A_282 : vector<16xf32>
      %add3A_284 = arith.addf %mul3A_276, %mul3A_283 : vector<16xf32>
      %add3A_285 = arith.constant 2 : i32
      %add3A_286 = arith.addi %mul3A_70, %add3A_285 : i32
      %get3A_287 = arith.index_cast %add3A_286 : i32 to index
      %get3A_288 = arith.constant 112 : index
      %get3A_289 = tpu.vector_load %arg9[%get3A_287, %get3A_288] {strides = array<i32>} : memref<96x256xf32, #tpu.memory_space<vmem>>, vector<1x16xf32>,
      %get3A_290 = vector.shape_cast %get3A_289 : vector<1x16xf32> to vector<16xf32>
      %mul3A_291 = arith.mulf %get3A_90, %get3A_290 : vector<16xf32>
      %add3A_292 = arith.addf %add3A_284, %mul3A_291 : vector<16xf32>
      %swap3A_293 = arith.index_cast %add3A_72 : i32 to index
      %swap3A_294 = arith.constant 112 : index
      %swap3A_295 = tpu.vector_load %arg10[%swap3A_293, %swap3A_294] {strides = array<i32>} : memref<128x256xf32, #tpu.memory_space<vmem>>, vector<1x16xf32>,
      %swap3A_296 = vector.shape_cast %swap3A_295 : vector<1x16xf32> to vector<16xf32>
      %swap3A_297 = vector.shape_cast %add3A_292 : vector<16xf32> to vector<1x16xf32>
      tpu.vector_store %arg10[%swap3A_293, %swap3A_294], %swap3A_297 {strides = array<i32>} : memref<128x256xf32, #tpu.memory_space<vmem>>, vector<1x16xf32>,
      %get3A_298 = arith.index_cast %mul3A_70 : i32 to index
      %get3A_299 = arith.constant 128 : index
      %get3A_300 = tpu.vector_load %arg9[%get3A_298, %get3A_299] {strides = array<i32>} : memref<96x256xf32, #tpu.memory_space<vmem>>, vector<1x16xf32>,
      %get3A_301 = vector.shape_cast %get3A_300 : vector<1x16xf32> to vector<16xf32>
      %mul3A_302 = arith.mulf %get3A_76, %get3A_301 : vector<16xf32>
      %add3A_303 = arith.constant 1 : i32
      %add3A_304 = arith.addi %mul3A_70, %add3A_303 : i32
      %get3A_305 = arith.index_cast %add3A_304 : i32 to index
      %get3A_306 = arith.constant 128 : index
      %get3A_307 = tpu.vector_load %arg9[%get3A_305, %get3A_306] {strides = array<i32>} : memref<96x256xf32, #tpu.memory_space<vmem>>, vector<1x16xf32>,
      %get3A_308 = vector.shape_cast %get3A_307 : vector<1x16xf32> to vector<16xf32>
      %mul3A_309 = arith.mulf %get3A_83, %get3A_308 : vector<16xf32>
      %add3A_310 = arith.addf %mul3A_302, %mul3A_309 : vector<16xf32>
      %add3A_311 = arith.constant 2 : i32
      %add3A_312 = arith.addi %mul3A_70, %add3A_311 : i32
      %get3A_313 = arith.index_cast %add3A_312 : i32 to index
      %get3A_314 = arith.constant 128 : index
      %get3A_315 = tpu.vector_load %arg9[%get3A_313, %get3A_314] {strides = array<i32>} : memref<96x256xf32, #tpu.memory_space<vmem>>, vector<1x16xf32>,
      %get3A_316 = vector.shape_cast %get3A_315 : vector<1x16xf32> to vector<16xf32>
      %mul3A_317 = arith.mulf %get3A_90, %get3A_316 : vector<16xf32>
      %add3A_318 = arith.addf %add3A_310, %mul3A_317 : vector<16xf32>
      %swap3A_319 = arith.index_cast %add3A_72 : i32 to index
      %swap3A_320 = arith.constant 128 : index
      %swap3A_321 = tpu.vector_load %arg10[%swap3A_319, %swap3A_320] {strides = array<i32>} : memref<128x256xf32, #tpu.memory_space<vmem>>, vector<1x16xf32>,
      %swap3A_322 = vector.shape_cast %swap3A_321 : vector<1x16xf32> to vector<16xf32>
      %swap3A_323 = vector.shape_cast %add3A_318 : vector<16xf32> to vector<1x16xf32>
      tpu.vector_store %arg10[%swap3A_319, %swap3A_320], %swap3A_323 {strides = array<i32>} : memref<128x256xf32, #tpu.memory_space<vmem>>, vector<1x16xf32>,
      %get3A_324 = arith.index_cast %mul3A_70 : i32 to index
      %get3A_325 = arith.constant 144 : index
      %get3A_326 = tpu.vector_load %arg9[%get3A_324, %get3A_325] {strides = array<i32>} : memref<96x256xf32, #tpu.memory_space<vmem>>, vector<1x16xf32>,
      %get3A_327 = vector.shape_cast %get3A_326 : vector<1x16xf32> to vector<16xf32>
      %mul3A_328 = arith.mulf %get3A_76, %get3A_327 : vector<16xf32>
      %add3A_329 = arith.constant 1 : i32
      %add3A_330 = arith.addi %mul3A_70, %add3A_329 : i32
      %get3A_331 = arith.index_cast %add3A_330 : i32 to index
      %get3A_332 = arith.constant 144 : index
      %get3A_333 = tpu.vector_load %arg9[%get3A_331, %get3A_332] {strides = array<i32>} : memref<96x256xf32, #tpu.memory_space<vmem>>, vector<1x16xf32>,
      %get3A_334 = vector.shape_cast %get3A_333 : vector<1x16xf32> to vector<16xf32>
      %mul3A_335 = arith.mulf %get3A_83, %get3A_334 : vector<16xf32>
      %add3A_336 = arith.addf %mul3A_328, %mul3A_335 : vector<16xf32>
      %add3A_337 = arith.constant 2 : i32
      %add3A_338 = arith.addi %mul3A_70, %add3A_337 : i32
      %get3A_339 = arith.index_cast %add3A_338 : i32 to index
      %get3A_340 = arith.constant 144 : index
      %get3A_341 = tpu.vector_load %arg9[%get3A_339, %get3A_340] {strides = array<i32>} : memref<96x256xf32, #tpu.memory_space<vmem>>, vector<1x16xf32>,
      %get3A_342 = vector.shape_cast %get3A_341 : vector<1x16xf32> to vector<16xf32>
      %mul3A_343 = arith.mulf %get3A_90, %get3A_342 : vector<16xf32>
      %add3A_344 = arith.addf %add3A_336, %mul3A_343 : vector<16xf32>
      %swap3A_345 = arith.index_cast %add3A_72 : i32 to index
      %swap3A_346 = arith.constant 144 : index
      %swap3A_347 = tpu.vector_load %arg10[%swap3A_345, %swap3A_346] {strides = array<i32>} : memref<128x256xf32, #tpu.memory_space<vmem>>, vector<1x16xf32>,
      %swap3A_348 = vector.shape_cast %swap3A_347 : vector<1x16xf32> to vector<16xf32>
      %swap3A_349 = vector.shape_cast %add3A_344 : vector<16xf32> to vector<1x16xf32>
      tpu.vector_store %arg10[%swap3A_345, %swap3A_346], %swap3A_349 {strides = array<i32>} : memref<128x256xf32, #tpu.memory_space<vmem>>, vector<1x16xf32>,
      %get3A_350 = arith.index_cast %mul3A_70 : i32 to index
      %get3A_351 = arith.constant 160 : index
      %get3A_352 = tpu.vector_load %arg9[%get3A_350, %get3A_351] {strides = array<i32>} : memref<96x256xf32, #tpu.memory_space<vmem>>, vector<1x16xf32>,
      %get3A_353 = vector.shape_cast %get3A_352 : vector<1x16xf32> to vector<16xf32>
      %mul3A_354 = arith.mulf %get3A_76, %get3A_353 : vector<16xf32>
      %add3A_355 = arith.constant 1 : i32
      %add3A_356 = arith.addi %mul3A_70, %add3A_355 : i32
      %get3A_357 = arith.index_cast %add3A_356 : i32 to index
      %get3A_358 = arith.constant 160 : index
      %get3A_359 = tpu.vector_load %arg9[%get3A_357, %get3A_358] {strides = array<i32>} : memref<96x256xf32, #tpu.memory_space<vmem>>, vector<1x16xf32>,
      %get3A_360 = vector.shape_cast %get3A_359 : vector<1x16xf32> to vector<16xf32>
      %mul3A_361 = arith.mulf %get3A_83, %get3A_360 : vector<16xf32>
      %add3A_362 = arith.addf %mul3A_354, %mul3A_361 : vector<16xf32>
      %add3A_363 = arith.constant 2 : i32
      %add3A_364 = arith.addi %mul3A_70, %add3A_363 : i32
      %get3A_365 = arith.index_cast %add3A_364 : i32 to index
      %get3A_366 = arith.constant 160 : index
      %get3A_367 = tpu.vector_load %arg9[%get3A_365, %get3A_366] {strides = array<i32>} : memref<96x256xf32, #tpu.memory_space<vmem>>, vector<1x16xf32>,
      %get3A_368 = vector.shape_cast %get3A_367 : vector<1x16xf32> to vector<16xf32>
      %mul3A_369 = arith.mulf %get3A_90, %get3A_368 : vector<16xf32>
      %add3A_370 = arith.addf %add3A_362, %mul3A_369 : vector<16xf32>
      %swap3A_371 = arith.index_cast %add3A_72 : i32 to index
      %swap3A_372 = arith.constant 160 : index
      %swap3A_373 = tpu.vector_load %arg10[%swap3A_371, %swap3A_372] {strides = array<i32>} : memref<128x256xf32, #tpu.memory_space<vmem>>, vector<1x16xf32>,
      %swap3A_374 = vector.shape_cast %swap3A_373 : vector<1x16xf32> to vector<16xf32>
      %swap3A_375 = vector.shape_cast %add3A_370 : vector<16xf32> to vector<1x16xf32>
      tpu.vector_store %arg10[%swap3A_371, %swap3A_372], %swap3A_375 {strides = array<i32>} : memref<128x256xf32, #tpu.memory_space<vmem>>, vector<1x16xf32>,
      %get3A_376 = arith.index_cast %mul3A_70 : i32 to index
      %get3A_377 = arith.constant 176 : index
      %get3A_378 = tpu.vector_load %arg9[%get3A_376, %get3A_377] {strides = array<i32>} : memref<96x256xf32, #tpu.memory_space<vmem>>, vector<1x16xf32>,
      %get3A_379 = vector.shape_cast %get3A_378 : vector<1x16xf32> to vector<16xf32>
      %mul3A_380 = arith.mulf %get3A_76, %get3A_379 : vector<16xf32>
      %add3A_381 = arith.constant 1 : i32
      %add3A_382 = arith.addi %mul3A_70, %add3A_381 : i32
      %get3A_383 = arith.index_cast %add3A_382 : i32 to index
      %get3A_384 = arith.constant 176 : index
      %get3A_385 = tpu.vector_load %arg9[%get3A_383, %get3A_384] {strides = array<i32>} : memref<96x256xf32, #tpu.memory_space<vmem>>, vector<1x16xf32>,
      %get3A_386 = vector.shape_cast %get3A_385 : vector<1x16xf32> to vector<16xf32>
      %mul3A_387 = arith.mulf %get3A_83, %get3A_386 : vector<16xf32>
      %add3A_388 = arith.addf %mul3A_380, %mul3A_387 : vector<16xf32>
      %add3A_389 = arith.constant 2 : i32
      %add3A_390 = arith.addi %mul3A_70, %add3A_389 : i32
      %get3A_391 = arith.index_cast %add3A_390 : i32 to index
      %get3A_392 = arith.constant 176 : index
      %get3A_393 = tpu.vector_load %arg9[%get3A_391, %get3A_392] {strides = array<i32>} : memref<96x256xf32, #tpu.memory_space<vmem>>, vector<1x16xf32>,
      %get3A_394 = vector.shape_cast %get3A_393 : vector<1x16xf32> to vector<16xf32>
      %mul3A_395 = arith.mulf %get3A_90, %get3A_394 : vector<16xf32>
      %add3A_396 = arith.addf %add3A_388, %mul3A_395 : vector<16xf32>
      %swap3A_397 = arith.index_cast %add3A_72 : i32 to index
      %swap3A_398 = arith.constant 176 : index
      %swap3A_399 = tpu.vector_load %arg10[%swap3A_397, %swap3A_398] {strides = array<i32>} : memref<128x256xf32, #tpu.memory_space<vmem>>, vector<1x16xf32>,
      %swap3A_400 = vector.shape_cast %swap3A_399 : vector<1x16xf32> to vector<16xf32>
      %swap3A_401 = vector.shape_cast %add3A_396 : vector<16xf32> to vector<1x16xf32>
      tpu.vector_store %arg10[%swap3A_397, %swap3A_398], %swap3A_401 {strides = array<i32>} : memref<128x256xf32, #tpu.memory_space<vmem>>, vector<1x16xf32>,
      %get3A_402 = arith.index_cast %mul3A_70 : i32 to index
      %get3A_403 = arith.constant 192 : index
      %get3A_404 = tpu.vector_load %arg9[%get3A_402, %get3A_403] {strides = array<i32>} : memref<96x256xf32, #tpu.memory_space<vmem>>, vector<1x16xf32>,
      %get3A_405 = vector.shape_cast %get3A_404 : vector<1x16xf32> to vector<16xf32>
      %mul3A_406 = arith.mulf %get3A_76, %get3A_405 : vector<16xf32>
      %add3A_407 = arith.constant 1 : i32
      %add3A_408 = arith.addi %mul3A_70, %add3A_407 : i32
      %get3A_409 = arith.index_cast %add3A_408 : i32 to index
      %get3A_410 = arith.constant 192 : index
      %get3A_411 = tpu.vector_load %arg9[%get3A_409, %get3A_410] {strides = array<i32>} : memref<96x256xf32, #tpu.memory_space<vmem>>, vector<1x16xf32>,
      %get3A_412 = vector.shape_cast %get3A_411 : vector<1x16xf32> to vector<16xf32>
      %mul3A_413 = arith.mulf %get3A_83, %get3A_412 : vector<16xf32>
      %add3A_414 = arith.addf %mul3A_406, %mul3A_413 : vector<16xf32>
      %add3A_415 = arith.constant 2 : i32
      %add3A_416 = arith.addi %mul3A_70, %add3A_415 : i32
      %get3A_417 = arith.index_cast %add3A_416 : i32 to index
      %get3A_418 = arith.constant 192 : index
      %get3A_419 = tpu.vector_load %arg9[%get3A_417, %get3A_418] {strides = array<i32>} : memref<96x256xf32, #tpu.memory_space<vmem>>, vector<1x16xf32>,
      %get3A_420 = vector.shape_cast %get3A_419 : vector<1x16xf32> to vector<16xf32>
      %mul3A_421 = arith.mulf %get3A_90, %get3A_420 : vector<16xf32>
      %add3A_422 = arith.addf %add3A_414, %mul3A_421 : vector<16xf32>
      %swap3A_423 = arith.index_cast %add3A_72 : i32 to index
      %swap3A_424 = arith.constant 192 : index
      %swap3A_425 = tpu.vector_load %arg10[%swap3A_423, %swap3A_424] {strides = array<i32>} : memref<128x256xf32, #tpu.memory_space<vmem>>, vector<1x16xf32>,
      %swap3A_426 = vector.shape_cast %swap3A_425 : vector<1x16xf32> to vector<16xf32>
      %swap3A_427 = vector.shape_cast %add3A_422 : vector<16xf32> to vector<1x16xf32>
      tpu.vector_store %arg10[%swap3A_423, %swap3A_424], %swap3A_427 {strides = array<i32>} : memref<128x256xf32, #tpu.memory_space<vmem>>, vector<1x16xf32>,
      %get3A_428 = arith.index_cast %mul3A_70 : i32 to index
      %get3A_429 = arith.constant 208 : index
      %get3A_430 = tpu.vector_load %arg9[%get3A_428, %get3A_429] {strides = array<i32>} : memref<96x256xf32, #tpu.memory_space<vmem>>, vector<1x16xf32>,
      %get3A_431 = vector.shape_cast %get3A_430 : vector<1x16xf32> to vector<16xf32>
      %mul3A_432 = arith.mulf %get3A_76, %get3A_431 : vector<16xf32>
      %add3A_433 = arith.constant 1 : i32
      %add3A_434 = arith.addi %mul3A_70, %add3A_433 : i32
      %get3A_435 = arith.index_cast %add3A_434 : i32 to index
      %get3A_436 = arith.constant 208 : index
      %get3A_437 = tpu.vector_load %arg9[%get3A_435, %get3A_436] {strides = array<i32>} : memref<96x256xf32, #tpu.memory_space<vmem>>, vector<1x16xf32>,
      %get3A_438 = vector.shape_cast %get3A_437 : vector<1x16xf32> to vector<16xf32>
      %mul3A_439 = arith.mulf %get3A_83, %get3A_438 : vector<16xf32>
      %add3A_440 = arith.addf %mul3A_432, %mul3A_439 : vector<16xf32>
      %add3A_441 = arith.constant 2 : i32
      %add3A_442 = arith.addi %mul3A_70, %add3A_441 : i32
      %get3A_443 = arith.index_cast %add3A_442 : i32 to index
      %get3A_444 = arith.constant 208 : index
      %get3A_445 = tpu.vector_load %arg9[%get3A_443, %get3A_444] {strides = array<i32>} : memref<96x256xf32, #tpu.memory_space<vmem>>, vector<1x16xf32>,
      %get3A_446 = vector.shape_cast %get3A_445 : vector<1x16xf32> to vector<16xf32>
      %mul3A_447 = arith.mulf %get3A_90, %get3A_446 : vector<16xf32>
      %add3A_448 = arith.addf %add3A_440, %mul3A_447 : vector<16xf32>
      %swap3A_449 = arith.index_cast %add3A_72 : i32 to index
      %swap3A_450 = arith.constant 208 : index
      %swap3A_451 = tpu.vector_load %arg10[%swap3A_449, %swap3A_450] {strides = array<i32>} : memref<128x256xf32, #tpu.memory_space<vmem>>, vector<1x16xf32>,
      %swap3A_452 = vector.shape_cast %swap3A_451 : vector<1x16xf32> to vector<16xf32>
      %swap3A_453 = vector.shape_cast %add3A_448 : vector<16xf32> to vector<1x16xf32>
      tpu.vector_store %arg10[%swap3A_449, %swap3A_450], %swap3A_453 {strides = array<i32>} : memref<128x256xf32, #tpu.memory_space<vmem>>, vector<1x16xf32>,
      %get3A_454 = arith.index_cast %mul3A_70 : i32 to index
      %get3A_455 = arith.constant 224 : index
      %get3A_456 = tpu.vector_load %arg9[%get3A_454, %get3A_455] {strides = array<i32>} : memref<96x256xf32, #tpu.memory_space<vmem>>, vector<1x16xf32>,
      %get3A_457 = vector.shape_cast %get3A_456 : vector<1x16xf32> to vector<16xf32>
      %mul3A_458 = arith.mulf %get3A_76, %get3A_457 : vector<16xf32>
      %add3A_459 = arith.constant 1 : i32
      %add3A_460 = arith.addi %mul3A_70, %add3A_459 : i32
      %get3A_461 = arith.index_cast %add3A_460 : i32 to index
      %get3A_462 = arith.constant 224 : index
      %get3A_463 = tpu.vector_load %arg9[%get3A_461, %get3A_462] {strides = array<i32>} : memref<96x256xf32, #tpu.memory_space<vmem>>, vector<1x16xf32>,
      %get3A_464 = vector.shape_cast %get3A_463 : vector<1x16xf32> to vector<16xf32>
      %mul3A_465 = arith.mulf %get3A_83, %get3A_464 : vector<16xf32>
      %add3A_466 = arith.addf %mul3A_458, %mul3A_465 : vector<16xf32>
      %add3A_467 = arith.constant 2 : i32
      %add3A_468 = arith.addi %mul3A_70, %add3A_467 : i32
      %get3A_469 = arith.index_cast %add3A_468 : i32 to index
      %get3A_470 = arith.constant 224 : index
      %get3A_471 = tpu.vector_load %arg9[%get3A_469, %get3A_470] {strides = array<i32>} : memref<96x256xf32, #tpu.memory_space<vmem>>, vector<1x16xf32>,
      %get3A_472 = vector.shape_cast %get3A_471 : vector<1x16xf32> to vector<16xf32>
      %mul3A_473 = arith.mulf %get3A_90, %get3A_472 : vector<16xf32>
      %add3A_474 = arith.addf %add3A_466, %mul3A_473 : vector<16xf32>
      %swap3A_475 = arith.index_cast %add3A_72 : i32 to index
      %swap3A_476 = arith.constant 224 : index
      %swap3A_477 = tpu.vector_load %arg10[%swap3A_475, %swap3A_476] {strides = array<i32>} : memref<128x256xf32, #tpu.memory_space<vmem>>, vector<1x16xf32>,
      %swap3A_478 = vector.shape_cast %swap3A_477 : vector<1x16xf32> to vector<16xf32>
      %swap3A_479 = vector.shape_cast %add3A_474 : vector<16xf32> to vector<1x16xf32>
      tpu.vector_store %arg10[%swap3A_475, %swap3A_476], %swap3A_479 {strides = array<i32>} : memref<128x256xf32, #tpu.memory_space<vmem>>, vector<1x16xf32>,
      %get3A_480 = arith.index_cast %mul3A_70 : i32 to index
      %get3A_481 = arith.constant 240 : index
      %get3A_482 = tpu.vector_load %arg9[%get3A_480, %get3A_481] {strides = array<i32>} : memref<96x256xf32, #tpu.memory_space<vmem>>, vector<1x16xf32>,
      %get3A_483 = vector.shape_cast %get3A_482 : vector<1x16xf32> to vector<16xf32>
      %mul3A_484 = arith.mulf %get3A_76, %get3A_483 : vector<16xf32>
      %add3A_485 = arith.constant 1 : i32
      %add3A_486 = arith.addi %mul3A_70, %add3A_485 : i32
      %get3A_487 = arith.index_cast %add3A_486 : i32 to index
      %get3A_488 = arith.constant 240 : index
      %get3A_489 = tpu.vector_load %arg9[%get3A_487, %get3A_488] {strides = array<i32>} : memref<96x256xf32, #tpu.memory_space<vmem>>, vector<1x16xf32>,
      %get3A_490 = vector.shape_cast %get3A_489 : vector<1x16xf32> to vector<16xf32>
      %mul3A_491 = arith.mulf %get3A_83, %get3A_490 : vector<16xf32>
      %add3A_492 = arith.addf %mul3A_484, %mul3A_491 : vector<16xf32>
      %add3A_493 = arith.constant 2 : i32
      %add3A_494 = arith.addi %mul3A_70, %add3A_493 : i32
      %get3A_495 = arith.index_cast %add3A_494 : i32 to index
      %get3A_496 = arith.constant 240 : index
      %get3A_497 = tpu.vector_load %arg9[%get3A_495, %get3A_496] {strides = array<i32>} : memref<96x256xf32, #tpu.memory_space<vmem>>, vector<1x16xf32>,
      %get3A_498 = vector.shape_cast %get3A_497 : vector<1x16xf32> to vector<16xf32>
      %mul3A_499 = arith.mulf %get3A_90, %get3A_498 : vector<16xf32>
      %add3A_500 = arith.addf %add3A_492, %mul3A_499 : vector<16xf32>
      %swap3A_501 = arith.index_cast %add3A_72 : i32 to index
      %swap3A_502 = arith.constant 240 : index
      %swap3A_503 = tpu.vector_load %arg10[%swap3A_501, %swap3A_502] {strides = array<i32>} : memref<128x256xf32, #tpu.memory_space<vmem>>, vector<1x16xf32>,
      %swap3A_504 = vector.shape_cast %swap3A_503 : vector<1x16xf32> to vector<16xf32>
      %swap3A_505 = vector.shape_cast %add3A_500 : vector<16xf32> to vector<1x16xf32>
      tpu.vector_store %arg10[%swap3A_501, %swap3A_502], %swap3A_505 {strides = array<i32>} : memref<128x256xf32, #tpu.memory_space<vmem>>, vector<1x16xf32>,
    }
    %scan3A_67 = arith.constant 32 : i32
    "tpu.region"() ({
      %run_scoped3A = tpu.sem_alloc : memref<!tpu.dma_semaphore, #tpu.memory_space<semaphore_mem>>
      %dma_start3A_68 = arith.constant 0 : i32
      %dma_start3A_69 = tpu.memref_slice %arg5[%mul3A_2, %dma_start3A_68] : memref<4096x256xf32, #tpu.memory_space<hbm>> -> memref<128x256xf32, #tpu.memory_space<hbm>>
      %dma_start3A_70 = arith.constant 0 : i32
      %dma_start3A_71 = tpu.memref_slice %arg5[%mul3A_2, %dma_start3A_70] : memref<4096x256xf32, #tpu.memory_space<hbm>> -> memref<128x256xf32, #tpu.memory_space<hbm>>
      tpu.enqueue_dma source(%arg10 : memref<128x256xf32, #tpu.memory_space<vmem>>) target(%dma_start3A_71 : memref<128x256xf32, #tpu.memory_space<hbm>>) target_semaphore(%run_scoped3A : memref<!tpu.dma_semaphore, #tpu.memory_space<semaphore_mem>>)
      %dma_wait3A_72 = arith.constant 0 : i32
      %dma_wait3A_73 = tpu.memref_slice %arg5[%mul3A_2, %dma_wait3A_72] : memref<4096x256xf32, #tpu.memory_space<hbm>> -> memref<128x256xf32, #tpu.memory_space<hbm>>
      %dma_wait3A_74 = arith.constant 0 : i32
      %dma_wait3A_75 = tpu.memref_slice %arg5[%mul3A_2, %dma_wait3A_74] : memref<4096x256xf32, #tpu.memory_space<hbm>> -> memref<128x256xf32, #tpu.memory_space<hbm>>
      tpu.wait_dma2 semaphore(%run_scoped3A : memref<!tpu.dma_semaphore, #tpu.memory_space<semaphore_mem>>) src(%arg10 : memref<128x256xf32, #tpu.memory_space<vmem>>) dst(%dma_wait3A_75 : memref<128x256xf32, #tpu.memory_space<hbm>>)
      tpu.yield
    }) : () -> ()
    return
  }
}

module attributes {stable_mosaic.version = 14 : i64} {
  func.func @_top3_body(%arg0: i32, %arg1: memref<8xi32, #tpu.memory_space<smem>>, %arg2: memref<1024x3xf32, #tpu.memory_space<vmem>>, %arg3: memref<10240x8xf32, #tpu.memory_space<vmem>>, %arg4: memref<64x1280xf32, #tpu.memory_space<vmem>>, %arg5: memref<64x1280xf32, #tpu.memory_space<vmem>>, %arg6: memref<1024x3xi32, #tpu.memory_space<vmem>>, %arg7: memref<1024x48xf32, #tpu.memory_space<vmem>>) attributes {dimension_semantics = [#tpu.dimension_semantics<arbitrary>], iteration_bounds = array<i64: 4>, scalar_prefetch = 1 : i64, scratch_operands = 0 : i64, tpu.core_type = #tpu.core_type<tc>, window_params = [{transform_indices = @transform_0, window_bounds = array<i64: 1024, 3>}, {pipeline_mode = #tpu.pipeline_mode<synchronous>, transform_indices = @transform_1, window_bounds = array<i64: 10240, 8>}, {transform_indices = @transform_2, window_bounds = array<i64: 64, 1280>}, {pipeline_mode = #tpu.pipeline_mode<synchronous>, transform_indices = @transform_3, window_bounds = array<i64: 64, 1280>}, {transform_indices = @transform_4, window_bounds = array<i64: 1024, 3>}, {transform_indices = @transform_5, window_bounds = array<i64: 1024, 48>}]} {
    %jit3A = arith.constant 1 : i32
    %div3A = arith.divsi %arg0, %jit3A : i32
    %sign3A = arith.constant 0 : i32
    %sign3A_0 = arith.cmpi sgt, %arg0, %sign3A : i32
    %sign3A_1 = arith.extui %sign3A_0 : i1 to i32
    %sign3A_2 = arith.constant 0 : i32
    %sign3A_3 = arith.cmpi slt, %arg0, %sign3A_2 : i32
    %sign3A_4 = arith.extui %sign3A_3 : i1 to i32
    %sign3A_5 = arith.subi %sign3A_1, %sign3A_4 : i32
    %sign3A_6 = arith.constant 0 : i32
    %sign3A_7 = arith.cmpi sgt, %jit3A, %sign3A_6 : i32
    %sign3A_8 = arith.extui %sign3A_7 : i1 to i32
    %sign3A_9 = arith.constant 0 : i32
    %sign3A_10 = arith.cmpi slt, %jit3A, %sign3A_9 : i32
    %sign3A_11 = arith.extui %sign3A_10 : i1 to i32
    %sign3A_12 = arith.subi %sign3A_8, %sign3A_11 : i32
    %ne3A = arith.cmpi ne, %sign3A_5, %sign3A_12 : i32
    %rem3A = arith.remsi %arg0, %jit3A : i32
    %ne3A_13 = arith.constant 0 : i32
    %ne3A_14 = arith.cmpi ne, %rem3A, %ne3A_13 : i32
    %and3A = arith.andi %ne3A, %ne3A_14 : i1
    %sub3A = arith.constant 1 : i32
    %sub3A_15 = arith.subi %div3A, %sub3A : i32
    %select_n3A = arith.select %and3A, %sub3A_15, %div3A : i32
    %mul3A = arith.constant 2 : i32
    %mul3A_16 = arith.muli %mul3A, %select_n3A : i32
    %get3A = arith.index_cast %mul3A_16 : i32 to index
    %get3A_17 = memref.load %arg1[%get3A] : memref<8xi32, #tpu.memory_space<smem>>
    %mul3A_18 = arith.constant 2 : i32
    %mul3A_19 = arith.muli %mul3A_18, %select_n3A : i32
    %add3A = arith.constant 1 : i32
    %add3A_20 = arith.addi %mul3A_19, %add3A : i32
    %get3A_21 = arith.index_cast %add3A_20 : i32 to index
    %get3A_22 = memref.load %arg1[%get3A_21] : memref<8xi32, #tpu.memory_space<smem>>
    %get3A_23 = arith.constant 0 : index
    %get3A_24 = arith.constant 0 : index
    %get3A_25 = vector.load %arg2[%get3A_23, %get3A_24] : memref<1024x3xf32, #tpu.memory_space<vmem>>, vector<1024x3xf32>
    %convert_element_type3A = arith.truncf %get3A_25 : vector<1024x3xf32> to vector<1024x3xbf16>
    %slice3A = vector.extract_strided_slice %get3A_25 {offsets = [0, 0], sizes = [1024, 1], strides = [1, 1]} : vector<1024x3xf32> to vector<1024x1xf32>
    %slice3A_26 = vector.extract_strided_slice %get3A_25 {offsets = [0, 0], sizes = [1024, 1], strides = [1, 1]} : vector<1024x3xf32> to vector<1024x1xf32>
    %mul3A_27 = arith.mulf %slice3A, %slice3A_26 : vector<1024x1xf32>
    %slice3A_28 = vector.extract_strided_slice %get3A_25 {offsets = [0, 2], sizes = [1024, 1], strides = [1, 1]} : vector<1024x3xf32> to vector<1024x1xf32>
    %slice3A_29 = vector.extract_strided_slice %get3A_25 {offsets = [0, 2], sizes = [1024, 1], strides = [1, 1]} : vector<1024x3xf32> to vector<1024x1xf32>
    %mul3A_30 = arith.mulf %slice3A_28, %slice3A_29 : vector<1024x1xf32>
    %add3A_31 = arith.addf %mul3A_27, %mul3A_30 : vector<1024x1xf32>
    %slice3A_32 = vector.extract_strided_slice %get3A_25 {offsets = [0, 1], sizes = [1024, 1], strides = [1, 1]} : vector<1024x3xf32> to vector<1024x1xf32>
    %slice3A_33 = vector.extract_strided_slice %get3A_25 {offsets = [0, 1], sizes = [1024, 1], strides = [1, 1]} : vector<1024x3xf32> to vector<1024x1xf32>
    %mul3A_34 = arith.mulf %slice3A_32, %slice3A_33 : vector<1024x1xf32>
    %add3A_35 = arith.addf %add3A_31, %mul3A_34 : vector<1024x1xf32>
    %broadcast_in_dim3A = arith.constant 3.000000e+38 : f32
    %broadcast_in_dim3A_36 = vector.broadcast %broadcast_in_dim3A : f32 to vector<1024x1xf32>
    %broadcast_in_dim3A_37 = arith.constant 0.000000e+00 : f32
    %broadcast_in_dim3A_38 = vector.broadcast %broadcast_in_dim3A_37 : f32 to vector<1024x1xf32>
    %add3A_39 = arith.addi %get3A_17, %get3A_22 : i32
    %while3A = arith.subi %add3A_39, %get3A_17 : i32
    %while3A_40 = arith.addi %get3A_17, %while3A : i32
    %while3A_41 = arith.constant 1 : i32
    %while3A_42 = arith.divsi %while3A, %while3A_41 : i32
    %while3A_43 = arith.muli %while3A_42, %while3A_41 : i32
    %while3A_44 = arith.addi %get3A_17, %while3A_43 : i32
    %while3A_45 = arith.constant 1 : i32
    %while3A_46:6 = scf.for %while3A_136 = %get3A_17 to %while3A_44 step %while3A_45 iter_args(%while3A_137 = %broadcast_in_dim3A_36, %while3A_138 = %broadcast_in_dim3A_36, %while3A_139 = %broadcast_in_dim3A_36, %while3A_140 = %broadcast_in_dim3A_38, %while3A_141 = %broadcast_in_dim3A_38, %while3A_142 = %broadcast_in_dim3A_38) -> (vector<1024x1xf32>, vector<1024x1xf32>, vector<1024x1xf32>, vector<1024x1xf32>, vector<1024x1xf32>, vector<1024x1xf32>)  : i32 {
      %mul3A_143 = arith.constant 1280 : i32
      %mul3A_144 = arith.muli %while3A_136, %mul3A_143 : i32
      %get3A_145 = arith.index_cast %mul3A_144 : i32 to index
      %get3A_146 = arith.constant 0 : index
      %get3A_147 = vector.load %arg3[%get3A_145, %get3A_146] : memref<10240x8xf32, #tpu.memory_space<vmem>>, vector<1280x8xf32>
      %slice3A_148 = vector.extract_strided_slice %get3A_147 {offsets = [0, 0], sizes = [1280, 3], strides = [1, 1]} : vector<1280x8xf32> to vector<1280x3xf32>
      %convert_element_type3A_149 = arith.truncf %slice3A_148 : vector<1280x3xf32> to vector<1280x3xbf16>
      %dot_general3A = arith.constant dense<0.000000e+00> : vector<1024x1280xf32>
      %dot_general3A_150 = tpu.matmul %convert_element_type3A, %convert_element_type3A_149, %dot_general3A {dimension_numbers = #tpu.dot_dimension_numbers<[1], [1], [0], [0], [0, 0, 1, 0], [], []>, transpose_lhs_hint = false} : vector<1024x3xbf16>, vector<1280x3xbf16>, vector<1024x1280xf32> -> vector<1024x1280xf32>
      %mul3A_151 = arith.constant 8 : i32
      %mul3A_152 = arith.muli %while3A_136, %mul3A_151 : i32
      %get3A_153 = arith.index_cast %mul3A_152 : i32 to index
      %get3A_154 = arith.constant 0 : index
      %get3A_155 = vector.load %arg4[%get3A_153, %get3A_154] : memref<64x1280xf32, #tpu.memory_space<vmem>>, vector<8x1280xf32>
      %slice3A_156 = vector.extract_strided_slice %get3A_155 {offsets = [0, 0], sizes = [1, 1280], strides = [1, 1]} : vector<8x1280xf32> to vector<1x1280xf32>
      %add3A_157 = vector.broadcast %add3A_35 : vector<1024x1xf32> to vector<1024x1280xf32>
      %add3A_158 = vector.broadcast %slice3A_156 : vector<1x1280xf32> to vector<1024x1280xf32>
      %add3A_159 = arith.addf %add3A_157, %add3A_158 : vector<1024x1280xf32>
      %mul3A_160 = arith.constant 2.000000e+00 : f32
      %mul3A_161 = vector.broadcast %mul3A_160 : f32 to vector<1024x1280xf32>
      %mul3A_162 = arith.mulf %mul3A_161, %dot_general3A_150 : vector<1024x1280xf32>
      %sub3A_163 = arith.subf %add3A_159, %mul3A_162 : vector<1024x1280xf32>
      %mul3A_164 = arith.constant 8 : i32
      %mul3A_165 = arith.muli %while3A_136, %mul3A_164 : i32
      %get3A_166 = arith.index_cast %mul3A_165 : i32 to index
      %get3A_167 = arith.constant 0 : index
      %get3A_168 = vector.load %arg5[%get3A_166, %get3A_167] : memref<64x1280xf32, #tpu.memory_space<vmem>>, vector<8x1280xf32>
      %slice3A_169 = vector.extract_strided_slice %get3A_168 {offsets = [0, 0], sizes = [1, 1280], strides = [1, 1]} : vector<8x1280xf32> to vector<1x1280xf32>
      %reduce_min3A = arith.constant dense<0x7F800000> : vector<1024xf32>
      %reduce_min3A_170 = vector.multi_reduction <minimumf>, %sub3A_163, %reduce_min3A [1] : vector<1024x1280xf32> to vector<1024xf32>
      %broadcast_in_dim3A_171 = vector.shape_cast %reduce_min3A_170 : vector<1024xf32> to vector<1024x1xf32>
      %eq3A_172 = vector.broadcast %broadcast_in_dim3A_171 : vector<1024x1xf32> to vector<1024x1280xf32>
      %eq3A_173 = arith.cmpf oeq, %sub3A_163, %eq3A_172 : vector<1024x1280xf32>
      %jit3A_174 = arith.constant 3.000000e+38 : f32
      %broadcast_in_dim3A_175 = vector.shape_cast %slice3A_169 : vector<1x1280xf32> to vector<1x1280xf32>
      %broadcast_in_dim3A_176 = vector.broadcast %broadcast_in_dim3A_175 : vector<1x1280xf32> to vector<1024x1280xf32>
      %broadcast_in_dim3A_177 = vector.broadcast %jit3A_174 : f32 to vector<1024x1280xf32>
      %select_n3A_178 = arith.select %eq3A_173, %broadcast_in_dim3A_176, %broadcast_in_dim3A_177 : vector<1024x1280xi1>, vector<1024x1280xf32>
      %reduce_min3A_179 = arith.constant dense<0x7F800000> : vector<1024xf32>
      %reduce_min3A_180 = vector.multi_reduction <minimumf>, %select_n3A_178, %reduce_min3A_179 [1] : vector<1024x1280xf32> to vector<1024xf32>
      %broadcast_in_dim3A_181 = vector.shape_cast %reduce_min3A_180 : vector<1024xf32> to vector<1024x1xf32>
      %eq3A_182 = vector.broadcast %slice3A_169 : vector<1x1280xf32> to vector<1024x1280xf32>
      %eq3A_183 = vector.broadcast %broadcast_in_dim3A_181 : vector<1024x1xf32> to vector<1024x1280xf32>
      %eq3A_184 = arith.cmpf oeq, %eq3A_182, %eq3A_183 : vector<1024x1280xf32>
      %jit3A_185 = arith.constant 3.000000e+38 : f32
      %broadcast_in_dim3A_186 = vector.broadcast %jit3A_185 : f32 to vector<1024x1280xf32>
      %select_n3A_187 = arith.select %eq3A_184, %broadcast_in_dim3A_186, %sub3A_163 : vector<1024x1280xi1>, vector<1024x1280xf32>
      %reduce_min3A_188 = arith.constant dense<0x7F800000> : vector<1024xf32>
      %reduce_min3A_189 = vector.multi_reduction <minimumf>, %select_n3A_187, %reduce_min3A_188 [1] : vector<1024x1280xf32> to vector<1024xf32>
      %broadcast_in_dim3A_190 = vector.shape_cast %reduce_min3A_189 : vector<1024xf32> to vector<1024x1xf32>
      %eq3A_191 = vector.broadcast %broadcast_in_dim3A_190 : vector<1024x1xf32> to vector<1024x1280xf32>
      %eq3A_192 = arith.cmpf oeq, %select_n3A_187, %eq3A_191 : vector<1024x1280xf32>
      %jit3A_193 = arith.constant 3.000000e+38 : f32
      %broadcast_in_dim3A_194 = vector.shape_cast %slice3A_169 : vector<1x1280xf32> to vector<1x1280xf32>
      %broadcast_in_dim3A_195 = vector.broadcast %broadcast_in_dim3A_194 : vector<1x1280xf32> to vector<1024x1280xf32>
      %broadcast_in_dim3A_196 = vector.broadcast %jit3A_193 : f32 to vector<1024x1280xf32>
      %select_n3A_197 = arith.select %eq3A_192, %broadcast_in_dim3A_195, %broadcast_in_dim3A_196 : vector<1024x1280xi1>, vector<1024x1280xf32>
      %reduce_min3A_198 = arith.constant dense<0x7F800000> : vector<1024xf32>
      %reduce_min3A_199 = vector.multi_reduction <minimumf>, %select_n3A_197, %reduce_min3A_198 [1] : vector<1024x1280xf32> to vector<1024xf32>
      %broadcast_in_dim3A_200 = vector.shape_cast %reduce_min3A_199 : vector<1024xf32> to vector<1024x1xf32>
      %eq3A_201 = vector.broadcast %slice3A_169 : vector<1x1280xf32> to vector<1024x1280xf32>
      %eq3A_202 = vector.broadcast %broadcast_in_dim3A_200 : vector<1024x1xf32> to vector<1024x1280xf32>
      %eq3A_203 = arith.cmpf oeq, %eq3A_201, %eq3A_202 : vector<1024x1280xf32>
      %jit3A_204 = arith.constant 3.000000e+38 : f32
      %broadcast_in_dim3A_205 = vector.broadcast %jit3A_204 : f32 to vector<1024x1280xf32>
      %select_n3A_206 = arith.select %eq3A_203, %broadcast_in_dim3A_205, %select_n3A_187 : vector<1024x1280xi1>, vector<1024x1280xf32>
      %reduce_min3A_207 = arith.constant dense<0x7F800000> : vector<1024xf32>
      %reduce_min3A_208 = vector.multi_reduction <minimumf>, %select_n3A_206, %reduce_min3A_207 [1] : vector<1024x1280xf32> to vector<1024xf32>
      %broadcast_in_dim3A_209 = vector.shape_cast %reduce_min3A_208 : vector<1024xf32> to vector<1024x1xf32>
      %eq3A_210 = vector.broadcast %broadcast_in_dim3A_209 : vector<1024x1xf32> to vector<1024x1280xf32>
      %eq3A_211 = arith.cmpf oeq, %select_n3A_206, %eq3A_210 : vector<1024x1280xf32>
      %jit3A_212 = arith.constant 3.000000e+38 : f32
      %broadcast_in_dim3A_213 = vector.shape_cast %slice3A_169 : vector<1x1280xf32> to vector<1x1280xf32>
      %broadcast_in_dim3A_214 = vector.broadcast %broadcast_in_dim3A_213 : vector<1x1280xf32> to vector<1024x1280xf32>
      %broadcast_in_dim3A_215 = vector.broadcast %jit3A_212 : f32 to vector<1024x1280xf32>
      %select_n3A_216 = arith.select %eq3A_211, %broadcast_in_dim3A_214, %broadcast_in_dim3A_215 : vector<1024x1280xi1>, vector<1024x1280xf32>
      %reduce_min3A_217 = arith.constant dense<0x7F800000> : vector<1024xf32>
      %reduce_min3A_218 = vector.multi_reduction <minimumf>, %select_n3A_216, %reduce_min3A_217 [1] : vector<1024x1280xf32> to vector<1024xf32>
      %broadcast_in_dim3A_219 = vector.shape_cast %reduce_min3A_218 : vector<1024xf32> to vector<1024x1xf32>
      %lt3A = arith.cmpf olt, %broadcast_in_dim3A_171, %while3A_137 : vector<1024x1xf32>
      %select_n3A_220 = arith.select %lt3A, %broadcast_in_dim3A_171, %while3A_137 : vector<1024x1xi1>, vector<1024x1xf32>
      %select_n3A_221 = arith.select %lt3A, %broadcast_in_dim3A_181, %while3A_140 : vector<1024x1xi1>, vector<1024x1xf32>
      %lt3A_222 = arith.cmpf olt, %broadcast_in_dim3A_190, %while3A_137 : vector<1024x1xf32>
      %lt3A_223 = arith.cmpf olt, %broadcast_in_dim3A_171, %while3A_138 : vector<1024x1xf32>
      %select_n3A_224 = arith.select %lt3A_222, %broadcast_in_dim3A_190, %while3A_137 : vector<1024x1xi1>, vector<1024x1xf32>
      %select_n3A_225 = arith.select %lt3A_223, %broadcast_in_dim3A_171, %while3A_138 : vector<1024x1xi1>, vector<1024x1xf32>
      %select_n3A_226 = arith.select %lt3A, %select_n3A_224, %select_n3A_225 : vector<1024x1xi1>, vector<1024x1xf32>
      %select_n3A_227 = arith.select %lt3A_222, %broadcast_in_dim3A_200, %while3A_140 : vector<1024x1xi1>, vector<1024x1xf32>
      %select_n3A_228 = arith.select %lt3A_223, %broadcast_in_dim3A_181, %while3A_141 : vector<1024x1xi1>, vector<1024x1xf32>
      %select_n3A_229 = arith.select %lt3A, %select_n3A_227, %select_n3A_228 : vector<1024x1xi1>, vector<1024x1xf32>
      %lt3A_230 = arith.cmpf olt, %broadcast_in_dim3A_209, %while3A_137 : vector<1024x1xf32>
      %lt3A_231 = arith.cmpf olt, %broadcast_in_dim3A_190, %while3A_138 : vector<1024x1xf32>
      %lt3A_232 = arith.cmpf olt, %broadcast_in_dim3A_171, %while3A_139 : vector<1024x1xf32>
      %select_n3A_233 = arith.select %lt3A_231, %broadcast_in_dim3A_190, %while3A_138 : vector<1024x1xi1>, vector<1024x1xf32>
      %select_n3A_234 = arith.select %lt3A_231, %broadcast_in_dim3A_200, %while3A_141 : vector<1024x1xi1>, vector<1024x1xf32>
      %select_n3A_235 = arith.select %lt3A_230, %broadcast_in_dim3A_209, %while3A_137 : vector<1024x1xi1>, vector<1024x1xf32>
      %select_n3A_236 = arith.select %lt3A_222, %select_n3A_235, %select_n3A_233 : vector<1024x1xi1>, vector<1024x1xf32>
      %select_n3A_237 = arith.select %lt3A_232, %broadcast_in_dim3A_171, %while3A_139 : vector<1024x1xi1>, vector<1024x1xf32>
      %select_n3A_238 = arith.select %lt3A_223, %select_n3A_233, %select_n3A_237 : vector<1024x1xi1>, vector<1024x1xf32>
      %select_n3A_239 = arith.select %lt3A, %select_n3A_236, %select_n3A_238 : vector<1024x1xi1>, vector<1024x1xf32>
      %select_n3A_240 = arith.select %lt3A_230, %broadcast_in_dim3A_219, %while3A_140 : vector<1024x1xi1>, vector<1024x1xf32>
      %select_n3A_241 = arith.select %lt3A_222, %select_n3A_240, %select_n3A_234 : vector<1024x1xi1>, vector<1024x1xf32>
      %select_n3A_242 = arith.select %lt3A_232, %broadcast_in_dim3A_181, %while3A_142 : vector<1024x1xi1>, vector<1024x1xf32>
      %select_n3A_243 = arith.select %lt3A_223, %select_n3A_234, %select_n3A_242 : vector<1024x1xi1>, vector<1024x1xf32>
      %select_n3A_244 = arith.select %lt3A, %select_n3A_241, %select_n3A_243 : vector<1024x1xi1>, vector<1024x1xf32>
      scf.yield %select_n3A_220, %select_n3A_226, %select_n3A_239, %select_n3A_221, %select_n3A_229, %select_n3A_244 : vector<1024x1xf32>, vector<1024x1xf32>, vector<1024x1xf32>, vector<1024x1xf32>, vector<1024x1xf32>, vector<1024x1xf32>
    }
    %while3A_47 = arith.constant 1 : i32
    %while3A_48:6 = scf.for %while3A_136 = %while3A_44 to %while3A_40 step %while3A_47 iter_args(%while3A_137 = %while3A_46#0, %while3A_138 = %while3A_46#1, %while3A_139 = %while3A_46#2, %while3A_140 = %while3A_46#3, %while3A_141 = %while3A_46#4, %while3A_142 = %while3A_46#5) -> (vector<1024x1xf32>, vector<1024x1xf32>, vector<1024x1xf32>, vector<1024x1xf32>, vector<1024x1xf32>, vector<1024x1xf32>)  : i32 {
      %mul3A_143 = arith.constant 1280 : i32
      %mul3A_144 = arith.muli %while3A_136, %mul3A_143 : i32
      %get3A_145 = arith.index_cast %mul3A_144 : i32 to index
      %get3A_146 = arith.constant 0 : index
      %get3A_147 = vector.load %arg3[%get3A_145, %get3A_146] : memref<10240x8xf32, #tpu.memory_space<vmem>>, vector<1280x8xf32>
      %slice3A_148 = vector.extract_strided_slice %get3A_147 {offsets = [0, 0], sizes = [1280, 3], strides = [1, 1]} : vector<1280x8xf32> to vector<1280x3xf32>
      %convert_element_type3A_149 = arith.truncf %slice3A_148 : vector<1280x3xf32> to vector<1280x3xbf16>
      %dot_general3A = arith.constant dense<0.000000e+00> : vector<1024x1280xf32>
      %dot_general3A_150 = tpu.matmul %convert_element_type3A, %convert_element_type3A_149, %dot_general3A {dimension_numbers = #tpu.dot_dimension_numbers<[1], [1], [0], [0], [0, 0, 1, 0], [], []>, transpose_lhs_hint = false} : vector<1024x3xbf16>, vector<1280x3xbf16>, vector<1024x1280xf32> -> vector<1024x1280xf32>
      %mul3A_151 = arith.constant 8 : i32
      %mul3A_152 = arith.muli %while3A_136, %mul3A_151 : i32
      %get3A_153 = arith.index_cast %mul3A_152 : i32 to index
      %get3A_154 = arith.constant 0 : index
      %get3A_155 = vector.load %arg4[%get3A_153, %get3A_154] : memref<64x1280xf32, #tpu.memory_space<vmem>>, vector<8x1280xf32>
      %slice3A_156 = vector.extract_strided_slice %get3A_155 {offsets = [0, 0], sizes = [1, 1280], strides = [1, 1]} : vector<8x1280xf32> to vector<1x1280xf32>
      %add3A_157 = vector.broadcast %add3A_35 : vector<1024x1xf32> to vector<1024x1280xf32>
      %add3A_158 = vector.broadcast %slice3A_156 : vector<1x1280xf32> to vector<1024x1280xf32>
      %add3A_159 = arith.addf %add3A_157, %add3A_158 : vector<1024x1280xf32>
      %mul3A_160 = arith.constant 2.000000e+00 : f32
      %mul3A_161 = vector.broadcast %mul3A_160 : f32 to vector<1024x1280xf32>
      %mul3A_162 = arith.mulf %mul3A_161, %dot_general3A_150 : vector<1024x1280xf32>
      %sub3A_163 = arith.subf %add3A_159, %mul3A_162 : vector<1024x1280xf32>
      %mul3A_164 = arith.constant 8 : i32
      %mul3A_165 = arith.muli %while3A_136, %mul3A_164 : i32
      %get3A_166 = arith.index_cast %mul3A_165 : i32 to index
      %get3A_167 = arith.constant 0 : index
      %get3A_168 = vector.load %arg5[%get3A_166, %get3A_167] : memref<64x1280xf32, #tpu.memory_space<vmem>>, vector<8x1280xf32>
      %slice3A_169 = vector.extract_strided_slice %get3A_168 {offsets = [0, 0], sizes = [1, 1280], strides = [1, 1]} : vector<8x1280xf32> to vector<1x1280xf32>
      %reduce_min3A = arith.constant dense<0x7F800000> : vector<1024xf32>
      %reduce_min3A_170 = vector.multi_reduction <minimumf>, %sub3A_163, %reduce_min3A [1] : vector<1024x1280xf32> to vector<1024xf32>
      %broadcast_in_dim3A_171 = vector.shape_cast %reduce_min3A_170 : vector<1024xf32> to vector<1024x1xf32>
      %eq3A_172 = vector.broadcast %broadcast_in_dim3A_171 : vector<1024x1xf32> to vector<1024x1280xf32>
      %eq3A_173 = arith.cmpf oeq, %sub3A_163, %eq3A_172 : vector<1024x1280xf32>
      %jit3A_174 = arith.constant 3.000000e+38 : f32
      %broadcast_in_dim3A_175 = vector.shape_cast %slice3A_169 : vector<1x1280xf32> to vector<1x1280xf32>
      %broadcast_in_dim3A_176 = vector.broadcast %broadcast_in_dim3A_175 : vector<1x1280xf32> to vector<1024x1280xf32>
      %broadcast_in_dim3A_177 = vector.broadcast %jit3A_174 : f32 to vector<1024x1280xf32>
      %select_n3A_178 = arith.select %eq3A_173, %broadcast_in_dim3A_176, %broadcast_in_dim3A_177 : vector<1024x1280xi1>, vector<1024x1280xf32>
      %reduce_min3A_179 = arith.constant dense<0x7F800000> : vector<1024xf32>
      %reduce_min3A_180 = vector.multi_reduction <minimumf>, %select_n3A_178, %reduce_min3A_179 [1] : vector<1024x1280xf32> to vector<1024xf32>
      %broadcast_in_dim3A_181 = vector.shape_cast %reduce_min3A_180 : vector<1024xf32> to vector<1024x1xf32>
      %eq3A_182 = vector.broadcast %slice3A_169 : vector<1x1280xf32> to vector<1024x1280xf32>
      %eq3A_183 = vector.broadcast %broadcast_in_dim3A_181 : vector<1024x1xf32> to vector<1024x1280xf32>
      %eq3A_184 = arith.cmpf oeq, %eq3A_182, %eq3A_183 : vector<1024x1280xf32>
      %jit3A_185 = arith.constant 3.000000e+38 : f32
      %broadcast_in_dim3A_186 = vector.broadcast %jit3A_185 : f32 to vector<1024x1280xf32>
      %select_n3A_187 = arith.select %eq3A_184, %broadcast_in_dim3A_186, %sub3A_163 : vector<1024x1280xi1>, vector<1024x1280xf32>
      %reduce_min3A_188 = arith.constant dense<0x7F800000> : vector<1024xf32>
      %reduce_min3A_189 = vector.multi_reduction <minimumf>, %select_n3A_187, %reduce_min3A_188 [1] : vector<1024x1280xf32> to vector<1024xf32>
      %broadcast_in_dim3A_190 = vector.shape_cast %reduce_min3A_189 : vector<1024xf32> to vector<1024x1xf32>
      %eq3A_191 = vector.broadcast %broadcast_in_dim3A_190 : vector<1024x1xf32> to vector<1024x1280xf32>
      %eq3A_192 = arith.cmpf oeq, %select_n3A_187, %eq3A_191 : vector<1024x1280xf32>
      %jit3A_193 = arith.constant 3.000000e+38 : f32
      %broadcast_in_dim3A_194 = vector.shape_cast %slice3A_169 : vector<1x1280xf32> to vector<1x1280xf32>
      %broadcast_in_dim3A_195 = vector.broadcast %broadcast_in_dim3A_194 : vector<1x1280xf32> to vector<1024x1280xf32>
      %broadcast_in_dim3A_196 = vector.broadcast %jit3A_193 : f32 to vector<1024x1280xf32>
      %select_n3A_197 = arith.select %eq3A_192, %broadcast_in_dim3A_195, %broadcast_in_dim3A_196 : vector<1024x1280xi1>, vector<1024x1280xf32>
      %reduce_min3A_198 = arith.constant dense<0x7F800000> : vector<1024xf32>
      %reduce_min3A_199 = vector.multi_reduction <minimumf>, %select_n3A_197, %reduce_min3A_198 [1] : vector<1024x1280xf32> to vector<1024xf32>
      %broadcast_in_dim3A_200 = vector.shape_cast %reduce_min3A_199 : vector<1024xf32> to vector<1024x1xf32>
      %eq3A_201 = vector.broadcast %slice3A_169 : vector<1x1280xf32> to vector<1024x1280xf32>
      %eq3A_202 = vector.broadcast %broadcast_in_dim3A_200 : vector<1024x1xf32> to vector<1024x1280xf32>
      %eq3A_203 = arith.cmpf oeq, %eq3A_201, %eq3A_202 : vector<1024x1280xf32>
      %jit3A_204 = arith.constant 3.000000e+38 : f32
      %broadcast_in_dim3A_205 = vector.broadcast %jit3A_204 : f32 to vector<1024x1280xf32>
      %select_n3A_206 = arith.select %eq3A_203, %broadcast_in_dim3A_205, %select_n3A_187 : vector<1024x1280xi1>, vector<1024x1280xf32>
      %reduce_min3A_207 = arith.constant dense<0x7F800000> : vector<1024xf32>
      %reduce_min3A_208 = vector.multi_reduction <minimumf>, %select_n3A_206, %reduce_min3A_207 [1] : vector<1024x1280xf32> to vector<1024xf32>
      %broadcast_in_dim3A_209 = vector.shape_cast %reduce_min3A_208 : vector<1024xf32> to vector<1024x1xf32>
      %eq3A_210 = vector.broadcast %broadcast_in_dim3A_209 : vector<1024x1xf32> to vector<1024x1280xf32>
      %eq3A_211 = arith.cmpf oeq, %select_n3A_206, %eq3A_210 : vector<1024x1280xf32>
      %jit3A_212 = arith.constant 3.000000e+38 : f32
      %broadcast_in_dim3A_213 = vector.shape_cast %slice3A_169 : vector<1x1280xf32> to vector<1x1280xf32>
      %broadcast_in_dim3A_214 = vector.broadcast %broadcast_in_dim3A_213 : vector<1x1280xf32> to vector<1024x1280xf32>
      %broadcast_in_dim3A_215 = vector.broadcast %jit3A_212 : f32 to vector<1024x1280xf32>
      %select_n3A_216 = arith.select %eq3A_211, %broadcast_in_dim3A_214, %broadcast_in_dim3A_215 : vector<1024x1280xi1>, vector<1024x1280xf32>
      %reduce_min3A_217 = arith.constant dense<0x7F800000> : vector<1024xf32>
      %reduce_min3A_218 = vector.multi_reduction <minimumf>, %select_n3A_216, %reduce_min3A_217 [1] : vector<1024x1280xf32> to vector<1024xf32>
      %broadcast_in_dim3A_219 = vector.shape_cast %reduce_min3A_218 : vector<1024xf32> to vector<1024x1xf32>
      %lt3A = arith.cmpf olt, %broadcast_in_dim3A_171, %while3A_137 : vector<1024x1xf32>
      %select_n3A_220 = arith.select %lt3A, %broadcast_in_dim3A_171, %while3A_137 : vector<1024x1xi1>, vector<1024x1xf32>
      %select_n3A_221 = arith.select %lt3A, %broadcast_in_dim3A_181, %while3A_140 : vector<1024x1xi1>, vector<1024x1xf32>
      %lt3A_222 = arith.cmpf olt, %broadcast_in_dim3A_190, %while3A_137 : vector<1024x1xf32>
      %lt3A_223 = arith.cmpf olt, %broadcast_in_dim3A_171, %while3A_138 : vector<1024x1xf32>
      %select_n3A_224 = arith.select %lt3A_222, %broadcast_in_dim3A_190, %while3A_137 : vector<1024x1xi1>, vector<1024x1xf32>
      %select_n3A_225 = arith.select %lt3A_223, %broadcast_in_dim3A_171, %while3A_138 : vector<1024x1xi1>, vector<1024x1xf32>
      %select_n3A_226 = arith.select %lt3A, %select_n3A_224, %select_n3A_225 : vector<1024x1xi1>, vector<1024x1xf32>
      %select_n3A_227 = arith.select %lt3A_222, %broadcast_in_dim3A_200, %while3A_140 : vector<1024x1xi1>, vector<1024x1xf32>
      %select_n3A_228 = arith.select %lt3A_223, %broadcast_in_dim3A_181, %while3A_141 : vector<1024x1xi1>, vector<1024x1xf32>
      %select_n3A_229 = arith.select %lt3A, %select_n3A_227, %select_n3A_228 : vector<1024x1xi1>, vector<1024x1xf32>
      %lt3A_230 = arith.cmpf olt, %broadcast_in_dim3A_209, %while3A_137 : vector<1024x1xf32>
      %lt3A_231 = arith.cmpf olt, %broadcast_in_dim3A_190, %while3A_138 : vector<1024x1xf32>
      %lt3A_232 = arith.cmpf olt, %broadcast_in_dim3A_171, %while3A_139 : vector<1024x1xf32>
      %select_n3A_233 = arith.select %lt3A_231, %broadcast_in_dim3A_190, %while3A_138 : vector<1024x1xi1>, vector<1024x1xf32>
      %select_n3A_234 = arith.select %lt3A_231, %broadcast_in_dim3A_200, %while3A_141 : vector<1024x1xi1>, vector<1024x1xf32>
      %select_n3A_235 = arith.select %lt3A_230, %broadcast_in_dim3A_209, %while3A_137 : vector<1024x1xi1>, vector<1024x1xf32>
      %select_n3A_236 = arith.select %lt3A_222, %select_n3A_235, %select_n3A_233 : vector<1024x1xi1>, vector<1024x1xf32>
      %select_n3A_237 = arith.select %lt3A_232, %broadcast_in_dim3A_171, %while3A_139 : vector<1024x1xi1>, vector<1024x1xf32>
      %select_n3A_238 = arith.select %lt3A_223, %select_n3A_233, %select_n3A_237 : vector<1024x1xi1>, vector<1024x1xf32>
      %select_n3A_239 = arith.select %lt3A, %select_n3A_236, %select_n3A_238 : vector<1024x1xi1>, vector<1024x1xf32>
      %select_n3A_240 = arith.select %lt3A_230, %broadcast_in_dim3A_219, %while3A_140 : vector<1024x1xi1>, vector<1024x1xf32>
      %select_n3A_241 = arith.select %lt3A_222, %select_n3A_240, %select_n3A_234 : vector<1024x1xi1>, vector<1024x1xf32>
      %select_n3A_242 = arith.select %lt3A_232, %broadcast_in_dim3A_181, %while3A_142 : vector<1024x1xi1>, vector<1024x1xf32>
      %select_n3A_243 = arith.select %lt3A_223, %select_n3A_234, %select_n3A_242 : vector<1024x1xi1>, vector<1024x1xf32>
      %select_n3A_244 = arith.select %lt3A, %select_n3A_241, %select_n3A_243 : vector<1024x1xi1>, vector<1024x1xf32>
      scf.yield %select_n3A_220, %select_n3A_226, %select_n3A_239, %select_n3A_221, %select_n3A_229, %select_n3A_244 : vector<1024x1xf32>, vector<1024x1xf32>, vector<1024x1xf32>, vector<1024x1xf32>, vector<1024x1xf32>, vector<1024x1xf32>
    }
    %max3A = arith.constant 1.000000e-16 : f32
    %max3A_49 = vector.broadcast %max3A : f32 to vector<1024x1xf32>
    %max3A_50 = arith.maximumf %while3A_48#0, %max3A_49 : vector<1024x1xf32>
    %div3A_51 = arith.constant 1.000000e+00 : f32
    %div3A_52 = vector.broadcast %div3A_51 : f32 to vector<1024x1xf32>
    %div3A_53 = arith.divf %div3A_52, %max3A_50 : vector<1024x1xf32>
    %max3A_54 = arith.constant 1.000000e-16 : f32
    %max3A_55 = vector.broadcast %max3A_54 : f32 to vector<1024x1xf32>
    %max3A_56 = arith.maximumf %while3A_48#1, %max3A_55 : vector<1024x1xf32>
    %div3A_57 = arith.constant 1.000000e+00 : f32
    %div3A_58 = vector.broadcast %div3A_57 : f32 to vector<1024x1xf32>
    %div3A_59 = arith.divf %div3A_58, %max3A_56 : vector<1024x1xf32>
    %max3A_60 = arith.constant 1.000000e-16 : f32
    %max3A_61 = vector.broadcast %max3A_60 : f32 to vector<1024x1xf32>
    %max3A_62 = arith.maximumf %while3A_48#2, %max3A_61 : vector<1024x1xf32>
    %div3A_63 = arith.constant 1.000000e+00 : f32
    %div3A_64 = vector.broadcast %div3A_63 : f32 to vector<1024x1xf32>
    %div3A_65 = arith.divf %div3A_64, %max3A_62 : vector<1024x1xf32>
    %add3A_66 = arith.addf %div3A_53, %div3A_59 : vector<1024x1xf32>
    %add3A_67 = arith.addf %add3A_66, %div3A_65 : vector<1024x1xf32>
    %div3A_68 = arith.divf %div3A_53, %add3A_67 : vector<1024x1xf32>
    %div3A_69 = arith.divf %div3A_59, %add3A_67 : vector<1024x1xf32>
    %div3A_70 = arith.divf %div3A_65, %add3A_67 : vector<1024x1xf32>
    %iota3A = tpu.iota {dimensions = array<i32: 1>} : vector<1024x3xi32>
    %eq3A = arith.constant 0 : i32
    %eq3A_71 = vector.broadcast %eq3A : i32 to vector<1024x3xi32>
    %eq3A_72 = arith.cmpi eq, %iota3A, %eq3A_71 : vector<1024x3xi32>
    %eq3A_73 = arith.constant 1 : i32
    %eq3A_74 = vector.broadcast %eq3A_73 : i32 to vector<1024x3xi32>
    %eq3A_75 = arith.cmpi eq, %iota3A, %eq3A_74 : vector<1024x3xi32>
    %broadcast_in_dim3A_76 = vector.shape_cast %while3A_48#4 : vector<1024x1xf32> to vector<1024x1xf32>
    %broadcast_in_dim3A_77 = vector.broadcast %broadcast_in_dim3A_76 : vector<1024x1xf32> to vector<1024x3xf32>
    %broadcast_in_dim3A_78 = vector.shape_cast %while3A_48#5 : vector<1024x1xf32> to vector<1024x1xf32>
    %broadcast_in_dim3A_79 = vector.broadcast %broadcast_in_dim3A_78 : vector<1024x1xf32> to vector<1024x3xf32>
    %select_n3A_80 = arith.select %eq3A_75, %broadcast_in_dim3A_77, %broadcast_in_dim3A_79 : vector<1024x3xi1>, vector<1024x3xf32>
    %broadcast_in_dim3A_81 = vector.shape_cast %while3A_48#3 : vector<1024x1xf32> to vector<1024x1xf32>
    %broadcast_in_dim3A_82 = vector.broadcast %broadcast_in_dim3A_81 : vector<1024x1xf32> to vector<1024x3xf32>
    %select_n3A_83 = arith.select %eq3A_72, %broadcast_in_dim3A_82, %select_n3A_80 : vector<1024x3xi1>, vector<1024x3xf32>
    %convert_element_type3A_84 = arith.fptosi %select_n3A_83 : vector<1024x3xf32> to vector<1024x3xi32>
    %swap3A = arith.constant 0 : index
    %swap3A_85 = arith.constant 0 : index
    %swap3A_86 = vector.load %arg6[%swap3A, %swap3A_85] : memref<1024x3xi32, #tpu.memory_space<vmem>>, vector<1024x3xi32>
    tpu.vector_store %arg6[%swap3A, %swap3A_85], %convert_element_type3A_84 {strides = array<i32>} : memref<1024x3xi32, #tpu.memory_space<vmem>>, vector<1024x3xi32>,
    %iota3A_87 = tpu.iota {dimensions = array<i32: 1>} : vector<1024x48xi32>
    %jit3A_88 = arith.constant 16 : i32
    %div3A_89 = vector.broadcast %jit3A_88 : i32 to vector<1024x48xi32>
    %div3A_90 = arith.divsi %iota3A_87, %div3A_89 : vector<1024x48xi32>
    %sign3A_91 = arith.constant 0 : i32
    %sign3A_92 = vector.broadcast %sign3A_91 : i32 to vector<1024x48xi32>
    %sign3A_93 = arith.cmpi sgt, %iota3A_87, %sign3A_92 : vector<1024x48xi32>
    %sign3A_94 = arith.extui %sign3A_93 : vector<1024x48xi1> to vector<1024x48xi32>
    %sign3A_95 = arith.constant 0 : i32
    %sign3A_96 = vector.broadcast %sign3A_95 : i32 to vector<1024x48xi32>
    %sign3A_97 = arith.cmpi slt, %iota3A_87, %sign3A_96 : vector<1024x48xi32>
    %sign3A_98 = arith.extui %sign3A_97 : vector<1024x48xi1> to vector<1024x48xi32>
    %sign3A_99 = arith.subi %sign3A_94, %sign3A_98 : vector<1024x48xi32>
    %sign3A_100 = arith.constant 0 : i32
    %sign3A_101 = arith.cmpi sgt, %jit3A_88, %sign3A_100 : i32
    %sign3A_102 = arith.extui %sign3A_101 : i1 to i32
    %sign3A_103 = arith.constant 0 : i32
    %sign3A_104 = arith.cmpi slt, %jit3A_88, %sign3A_103 : i32
    %sign3A_105 = arith.extui %sign3A_104 : i1 to i32
    %sign3A_106 = arith.subi %sign3A_102, %sign3A_105 : i32
    %ne3A_107 = vector.broadcast %sign3A_106 : i32 to vector<1024x48xi32>
    %ne3A_108 = arith.cmpi ne, %sign3A_99, %ne3A_107 : vector<1024x48xi32>
    %rem3A_109 = vector.broadcast %jit3A_88 : i32 to vector<1024x48xi32>
    %rem3A_110 = arith.remsi %iota3A_87, %rem3A_109 : vector<1024x48xi32>
    %ne3A_111 = arith.constant 0 : i32
    %ne3A_112 = vector.broadcast %ne3A_111 : i32 to vector<1024x48xi32>
    %ne3A_113 = arith.cmpi ne, %rem3A_110, %ne3A_112 : vector<1024x48xi32>
    %and3A_114 = arith.andi %ne3A_108, %ne3A_113 : vector<1024x48xi1>
    %sub3A_115 = arith.constant 1 : i32
    %sub3A_116 = vector.broadcast %sub3A_115 : i32 to vector<1024x48xi32>
    %sub3A_117 = arith.subi %div3A_90, %sub3A_116 : vector<1024x48xi32>
    %select_n3A_118 = arith.select %and3A_114, %sub3A_117, %div3A_90 : vector<1024x48xi1>, vector<1024x48xi32>
    %eq3A_119 = arith.constant 0 : i32
    %eq3A_120 = vector.broadcast %eq3A_119 : i32 to vector<1024x48xi32>
    %eq3A_121 = arith.cmpi eq, %select_n3A_118, %eq3A_120 : vector<1024x48xi32>
    %eq3A_122 = arith.constant 1 : i32
    %eq3A_123 = vector.broadcast %eq3A_122 : i32 to vector<1024x48xi32>
    %eq3A_124 = arith.cmpi eq, %select_n3A_118, %eq3A_123 : vector<1024x48xi32>
    %broadcast_in_dim3A_125 = vector.shape_cast %div3A_69 : vector<1024x1xf32> to vector<1024x1xf32>
    %broadcast_in_dim3A_126 = vector.broadcast %broadcast_in_dim3A_125 : vector<1024x1xf32> to vector<1024x48xf32>
    %broadcast_in_dim3A_127 = vector.shape_cast %div3A_70 : vector<1024x1xf32> to vector<1024x1xf32>
    %broadcast_in_dim3A_128 = vector.broadcast %broadcast_in_dim3A_127 : vector<1024x1xf32> to vector<1024x48xf32>
    %select_n3A_129 = arith.select %eq3A_124, %broadcast_in_dim3A_126, %broadcast_in_dim3A_128 : vector<1024x48xi1>, vector<1024x48xf32>
    %broadcast_in_dim3A_130 = vector.shape_cast %div3A_68 : vector<1024x1xf32> to vector<1024x1xf32>
    %broadcast_in_dim3A_131 = vector.broadcast %broadcast_in_dim3A_130 : vector<1024x1xf32> to vector<1024x48xf32>
    %select_n3A_132 = arith.select %eq3A_121, %broadcast_in_dim3A_131, %select_n3A_129 : vector<1024x48xi1>, vector<1024x48xf32>
    %swap3A_133 = arith.constant 0 : index
    %swap3A_134 = arith.constant 0 : index
    %swap3A_135 = vector.load %arg7[%swap3A_133, %swap3A_134] : memref<1024x48xf32, #tpu.memory_space<vmem>>, vector<1024x48xf32>
    tpu.vector_store %arg7[%swap3A_133, %swap3A_134], %select_n3A_132 {strides = array<i32>} : memref<1024x48xf32, #tpu.memory_space<vmem>>, vector<1024x48xf32>,
    return
  }
  func.func @transform_0(%arg0: i32, %arg1: memref<8xi32, #tpu.memory_space<smem>>) -> (i32, i32) {
    %c0_i32 = arith.constant 0 : i32
    %c0_i32_0 = arith.constant 0 : i32
    return %arg0, %c0_i32 : i32, i32
  }
  func.func @transform_1(%arg0: i32, %arg1: memref<8xi32, #tpu.memory_space<smem>>) -> (i32, i32) {
    %c0_i32 = arith.constant 0 : i32
    %c0_i32_0 = arith.constant 0 : i32
    %c0_i32_1 = arith.constant 0 : i32
    return %c0_i32, %c0_i32_0 : i32, i32
  }
  func.func @transform_2(%arg0: i32, %arg1: memref<8xi32, #tpu.memory_space<smem>>) -> (i32, i32) {
    %jit3A = arith.constant 1 : i32
    %div3A = arith.divsi %arg0, %jit3A : i32
    %sign3A = arith.constant 0 : i32
    %sign3A_0 = arith.cmpi sgt, %arg0, %sign3A : i32
    %sign3A_1 = arith.extui %sign3A_0 : i1 to i32
    %sign3A_2 = arith.constant 0 : i32
    %sign3A_3 = arith.cmpi slt, %arg0, %sign3A_2 : i32
    %sign3A_4 = arith.extui %sign3A_3 : i1 to i32
    %sign3A_5 = arith.subi %sign3A_1, %sign3A_4 : i32
    %sign3A_6 = arith.constant 0 : i32
    %sign3A_7 = arith.cmpi sgt, %jit3A, %sign3A_6 : i32
    %sign3A_8 = arith.extui %sign3A_7 : i1 to i32
    %sign3A_9 = arith.constant 0 : i32
    %sign3A_10 = arith.cmpi slt, %jit3A, %sign3A_9 : i32
    %sign3A_11 = arith.extui %sign3A_10 : i1 to i32
    %sign3A_12 = arith.subi %sign3A_8, %sign3A_11 : i32
    %ne3A = arith.cmpi ne, %sign3A_5, %sign3A_12 : i32
    %rem3A = arith.remsi %arg0, %jit3A : i32
    %ne3A_13 = arith.constant 0 : i32
    %ne3A_14 = arith.cmpi ne, %rem3A, %ne3A_13 : i32
    %and3A = arith.andi %ne3A, %ne3A_14 : i1
    %sub3A = arith.constant 1 : i32
    %sub3A_15 = arith.subi %div3A, %sub3A : i32
    %select_n3A = arith.select %and3A, %sub3A_15, %div3A : i32
    %c0_i32 = arith.constant 0 : i32
    %c0_i32_16 = arith.constant 0 : i32
    return %select_n3A, %c0_i32 : i32, i32
  }
  func.func @transform_3(%arg0: i32, %arg1: memref<8xi32, #tpu.memory_space<smem>>) -> (i32, i32) {
    %c0_i32 = arith.constant 0 : i32
    %c0_i32_0 = arith.constant 0 : i32
    %c0_i32_1 = arith.constant 0 : i32
    return %c0_i32, %c0_i32_0 : i32, i32
  }
  func.func @transform_4(%arg0: i32, %arg1: memref<8xi32, #tpu.memory_space<smem>>) -> (i32, i32) {
    %c0_i32 = arith.constant 0 : i32
    %c0_i32_0 = arith.constant 0 : i32
    return %arg0, %c0_i32 : i32, i32
  }
  func.func @transform_5(%arg0: i32, %arg1: memref<8xi32, #tpu.memory_space<smem>>) -> (i32, i32) {
    %c0_i32 = arith.constant 0 : i32
    %c0_i32_0 = arith.constant 0 : i32
    return %arg0, %c0_i32 : i32, i32
  }
}

</mosaic_0001>

<sc_bundles>
// kernel: kernel.4.cloned.1.call-start
scs
__scs_entry_jumppad:
0x0: {  	(pc) =	sbr.rel $0x88, $3  }
0x1: {  	(tag) =	ssettag $0x0;
	lr =	simm.s32 $0x1  }
0x2: {  	[smem:$0x3F9D] =	sst lr;
	_ =	strace $0xD0000000  }
0x3: {  	_ = 	snop  }
0x4: {  	_ = 	snop  }
0x5: {  	_ = 	snop  }
0x6: {  	_ = 	snop  }
0x7: {  	_ = 	snop  }
__scs_overlays_trampoline_lowered:
0x8: {  	[smem:$0x3FAC] =	sst s0  }
0x9: {  	[smem:$0x3FAD] =	sst s1  }
0xa: {  	[smem:$0x3FAE] =	sst s2  }
0xb: {  	[smem:$0x3FAF] =	sst s3  }
0xc: {  	[smem:$0x3FB0] =	sst s4  }
0xd: {  	[smem:$0x3FB1] =	sst s5  }
0xe: {  	[smem:$0x3FB2] =	sst s6  }
0xf: {  	[smem:$0x3FB3] =	sst s7  }
0x10: {  	[smem:$0x3FB4] =	sst s8  }
0x11: {  	[smem:$0x3FB5] =	sst s9;
	s0 =	simm.s32 @!p0 $0x0  }
0x12: {  	s1 =	sld [smem:$0x3F9B];
	s0 =	simm.s32 @p0 $0x1  }
0x13: {  	[smem:$0x3FB6] =	sst s0;
	s0 =	simm.s32 @!p1 $0x0  }
0x14: {  	s2 =	sld [smem:$0x3F9A];
	s0 =	simm.s32 @p1 $0x1  }
0x15: {  	[smem:$0x3FB7] =	sst s0;
	s0 =	simm.s32 @!p2 $0x0  }
0x16: {  	s3 =	sld [smem:$0x3FDB];
	s0 =	simm.s32 @p2 $0x1  }
0x17: {  	s4 =	simm.s32 $0x1BF5;
	[smem:$0x3FB9] =	sst s0  }
0x18: {  	s0 =	sld [smem:$0x3F9C];
	_ =	swait.ge [sflag:s4], $0x0  }
0x19: {  	s7 =	sld [smem:$0x3F9D]  }
0x1a: {  	s8 =	sadd.s32 $0xFFFFE003, lr  }
0x1b: {  	s9 =	sadd.s32 $0xFFFFFEF7, lr;
	s5 =	simm.s32 $0xFFFFFFFF;
	p2 =	slt.u32 s8, $0xFFFFF086  }
0x1c: {  	p1 =	slt.u32 s9, $0xF7A;
	s5 =	simm.s32 @!p2 $0x0  }
0x1d: {  	s5 =	simm.s32 @p1 $0x1;
	p0 =	seq.s32 s7, s2  }
0x1e: {  	s7 =	smul.u32 @!p0 $0xF7A, s2;
	p2 =	seq.s32 @!p0 s5, $0x0  }
0x1f: {  	s9 =	smul.u32 $0xF7A, s1;
	s8 =	simm.s32 @!p0 $0x1BF5;
	p2 =	por !p2, p0  }
0x20: {  	[sflag:s8] =	ssyncset.s32 @!p0 $0xFFFFF086;
	s6 =	sadd.s32 @!p0 s3, s7;
	s7 =	simm.s32 @!p0 $0x108  }
0x21: {  	s3 =	sadd.s32 s3, s9;
	s6 =	sadd.s32 @!p0 $0x88, s6;
	s7 =	simm.s32 @p2 $0x1082  }
0x22: {  	[simem:s7], [sflag:s8] =	dma.local @!p0 [hbm:s6], $0xF7A  }
0x23: {  	s9 =	sor.u32 $0xD0000000, s2;
	s6 =	simm.s32 $0x108;
	_ =	swait.ge @!p0 [sflag:s8], $0x0  }
0x24: {  	s3 =	sadd.s32 $0x88, s3;
	s6 =	simm.s32 @!p1 $0x1082;
	[sflag:s4] =	ssyncset.s32 $0xFFFFF086  }
0x25: {  	[simem:s6], [sflag:s4] =	dma.local [hbm:s3], $0xF7A  }
0x26: {  	[smem:$0x3F9D] =	sst s1;
	(tag) =	ssettag s2;
	_ =	strace s9  }
0x27: {  	s1 =	sld [smem:$0x3FAD]  }
0x28: {  	s2 =	sld [smem:$0x3FAE]  }
0x29: {  	s4 =	sld [smem:$0x3FB0]  }
0x2a: {  	p0 =	seq.s32 s5, $0x0;
	s5 =	sld [smem:$0x3FB1]  }
0x2b: {  	s6 =	sld [smem:$0x3FB2]  }
0x2c: {  	s7 =	sld [smem:$0x3FB3]  }
0x2d: {  	s3 =	simm.s32 $0x108;
	s8 =	sld [smem:$0x3FB4]  }
0x2e: {  	s3 =	simm.s32 @!p0 $0x1082;
	s9 =	sld [smem:$0x3FB5]  }
0x2f: {  	lr =	sadd.s32 s0, s3;
	s0 =	sld [smem:$0x3FAC]  }
0x30: {  	s3 =	sld [smem:$0x3FAF]  }
0x31: {  	[smem:$0x3FB8] =	sst s10  }
0x32: {  	s10 =	sld [smem:$0x3FB6];
	_ =	sdelay $0x3  }
0x33: {  	p0 =	seq.s32 s10, $0x1;
	s10 =	sld [smem:$0x3FB8];
	_ =	sdelay $0x3  }
0x34: {  	[smem:$0x3FB8] =	sst s10  }
0x35: {  	s10 =	sld [smem:$0x3FB7];
	_ =	sdelay $0x3  }
0x36: {  	p1 =	seq.s32 s10, $0x1;
	s10 =	sld [smem:$0x3FB8];
	_ =	sdelay $0x3  }
0x37: {  	[smem:$0x3FB8] =	sst s10  }
0x38: {  	s10 =	sld [smem:$0x3FB9]  }
0x39: {  	_ = 	snop;
	(pc) =	sbr.ind lr, $3  }
0x3a: {  	_ = 	snop  }
0x3b: {  	_ = 	snop  }
0x3c: {  	p2 =	seq.s32 s10, $0x1;
	s10 =	sld [smem:$0x3FB8]  }
0x3d: {  	_ =	shalt  }
0x3e: {  	_ =	shalt  }
0x3f: {  	_ =	shalt  }
0x40: {  	_ =	shalt  }
0x41: {  	_ =	shalt  }
0x42: {  	_ =	shalt  }
0x43: {  	_ =	shalt  }
0x44: {  	_ =	shalt  }
0x45: {  	_ =	shalt  }
0x46: {  	_ =	shalt  }
0x47: {  	_ =	shalt  }
0x48: {  	_ =	shalt  }
0x49: {  	_ =	shalt  }
0x4a: {  	_ =	shalt  }
0x4b: {  	_ =	shalt  }
0x4c: {  	_ =	shalt  }
0x4d: {  	_ =	shalt  }
0x4e: {  	_ =	shalt  }
0x4f: {  	_ =	shalt  }
0x50: {  	_ =	shalt  }
0x51: {  	_ =	shalt  }
0x52: {  	_ =	shalt  }
0x53: {  	_ =	shalt  }
0x54: {  	_ =	shalt  }
0x55: {  	_ =	shalt  }
0x56: {  	_ =	shalt  }
0x57: {  	_ =	shalt  }
0x58: {  	_ =	shalt  }
0x59: {  	_ =	shalt  }
0x5a: {  	_ =	shalt  }
0x5b: {  	_ =	shalt  }
0x5c: {  	_ =	shalt  }
0x5d: {  	_ =	shalt  }
0x5e: {  	_ =	shalt  }
0x5f: {  	_ =	shalt  }
0x60: {  	_ =	shalt  }
0x61: {  	_ =	shalt  }
0x62: {  	_ =	shalt  }
0x63: {  	_ =	shalt  }
0x64: {  	_ =	shalt  }
0x65: {  	_ =	shalt  }
0x66: {  	_ =	shalt  }
0x67: {  	_ =	shalt  }
0x68: {  	_ =	shalt  }
0x69: {  	_ =	shalt  }
0x6a: {  	_ =	shalt  }
0x6b: {  	_ =	shalt  }
0x6c: {  	_ =	shalt  }
0x6d: {  	_ =	shalt  }
0x6e: {  	_ =	shalt  }
0x6f: {  	_ =	shalt  }
0x70: {  	_ =	shalt  }
0x71: {  	_ =	shalt  }
0x72: {  	_ =	shalt  }
0x73: {  	_ =	shalt  }
0x74: {  	_ =	shalt  }
0x75: {  	_ =	shalt  }
0x76: {  	_ =	shalt  }
0x77: {  	_ =	shalt  }
0x78: {  	_ =	shalt  }
0x79: {  	_ =	shalt  }
0x7a: {  	_ =	shalt  }
0x7b: {  	_ =	shalt  }
0x7c: {  	_ =	shalt  }
0x7d: {  	_ =	shalt  }
0x7e: {  	_ =	shalt  }
0x7f: {  	_ =	shalt  }
0x80: {  	_ =	shalt  }
0x81: {  	_ =	shalt  }
0x82: {  	_ =	shalt  }
0x83: {  	_ =	shalt  }
0x84: {  	_ =	shalt  }
0x85: {  	_ =	shalt  }
0x86: {  	_ =	shalt  }
0x87: {  	_ =	shalt  }
.Lfunc_end0:
.L_simem_size_0:
called_computation_lowered:
.L_overlay_start_0:
0x88: {  	s2 =	sld [smem:$0x3FD9]  }
0x89: {  	s3 =	sld [smem:$0x3FFE];
	_ =	sdelay $0x1  }
0x8a: {  	s1 =	srdreg.scid  }
0x8b: {  	s0 =	sand.u32 $0x1, s1  }
0x8c: {  	s17 =	sshll.u32 s0, $0xA;
	s2 =	sadd.s32 s3, s2  }
0x8d: {  	s2 =	sadd.s32 s2, s17  }
0x8e: {  	[smem:$0x3FC4] =	sst s2  }
0x8f: {  	_ = 	snop  }
0x90: {  	s2 =	sld [smem:$0x3FC9]  }
0x91: {  	s18 =	sld [smem:$0x3FD0];
	(tm) =	ssettm $0x1  }
0x92: {  	s4 =	sld [smem:$0x3FFB];
	_ =	sdelay $0x3  }
0x93: {  	_ =	strace s4  }
0x94: {  	s4 =	sld [smem:$0x3FFC];
	_ =	sdelay $0x3  }
0x95: {  	_ =	strace s4  }
0x96: {  	s4 =	sld [smem:$0x3FFD];
	_ =	sdelay $0x3  }
0x97: {  	_ =	strace s4  }
0x98: {  	_ =	strace $0x8FFFFFFF  }
0x99: {  	s19 =	sld [smem:$0x3FDB];
	_ =	sdelay $0x1  }
0x9a: {  	s5 =	simm.s32 $_scs_section_size  }
0x9b: {  	s6 =	simm.s32 $_size__tile_overlayer_lowered;
	s7 =	simm.s32 $_tile_overlayer_lowered  }
0x9c: {  	s22 =	simm.s32 $0x1BFF;
	s21 =	sshll.u32 s7, $0x1;
	s4 =	sadd.s32 s5, s19  }
0x9d: {  	s8 =	simm.s32 $0x0;
	s20 =	sshll.u32 s6, $0x1;
	s6 =	sadd.s32 s21, s4  }
0x9e: {  	[timem:s8], [sflag:s22] =	dma.local [hbm:s6], s20  }
0x9f: {  	_ =	swait.ge [sflag:s22], s20  }
0xa0: {  	s5 =	ssub.s32 $0x0, s20;
	[sflag:s22] =	ssyncset.done $0x0  }
0xa1: {  	[sflag:s22] =	ssyncadd.s32 s5;
	_ =	sdelay $0x1  }
0xa2: {  	s23 =	simm.s32 $0x1B8B  }
0xa3: {  	_ =	swait.ge [sflag:s23], $0x1  }
0xa4: {  	[sflag:s23] =	ssyncset.done $0x0  }
0xa5: {  	s25 =	simm.s32 $0x1B8E;
	s24 =	sld [smem:$0x3FFE];
	[sflag:s23] =	ssyncadd.s32 $0xFFFFFFFF  }
0xa6: {  	s26 =	simm.s32 $execute0_lowered;
	[smem:$0x3FD2] =	sst s25  }
0xa7: {  	s6 =	sshll.u32 s26, $0x1;
	_ =	strace $0x80000046;
	[dreg:$0x1] =	wrdreg $0xFFFFFFFF  }
0xa8: {  	s28 =	simm.s32 $_size_execute0_lowered;
	s4 =	sadd.s32 s4, s6;
	[dreg:$0x0] =	wrdreg $0x0  }
0xa9: {  	s6 =	sshll.u32 s28, $0x1;
	[dreg:$0x2] =	wrdreg s4  }
0xaa: {  	[dreg:$0x3] =	wrdreg s6  }
0xab: {  	[dreg:$0x4] =	wrdreg $0xC0  }
0xac: {  	_ =	task [dreg:s8], $0x5FFFF  }
0xad: {  	[dreg:$0x1] =	wrdreg $0xFFFFFFFF  }
0xae: {  	[dreg:$0x0] =	wrdreg $0x60  }
0xaf: {  	[dreg:$0x2] =	wrdreg s2  }
0xb0: {  	[dreg:$0x3] =	wrdreg s24  }
0xb1: {  	[dreg:$0x4] =	wrdreg s18  }
0xb2: {  	[dreg:$0x5] =	wrdreg $0x9  }
0xb3: {  	_ =	task.clear_ibuf [dreg:s8], $0x6FFFF;
	_ =	strace $0x90000046  }
0xb4: {  	s29 =	simm.s32 $0x9;
	_ =	strace $0x80000048  }
0xb5: {  	_ =	swait.ge [sflag:s29], $0x1  }
0xb6: {  	[sflag:s29] =	ssyncadd.s32 $0xFFFFFFFF  }
0xb7: {  	_ =	strace $0x90000048  }
0xb8: {  	_ =	sfence  }
0xb9: {  	s30 =	sld [smem:$0x0];
	_ =	sdelay $0x2  }
0xba: {  	s31 =	sshll.u32 s1, $0xD;
	s1 =	sshrl.u32 s1, $0x2  }
0xbb: {  	s3 =	sand.u32 $0x4000, s31;
	s1 =	sadd.s32 s1, s30  }
0xbc: {  	s0 =	sor.u32 s3, s0;
	s1 =	sshll.u32 s1, $0x11  }
0xbd: {  	s0 =	sor.u32 s1, s0  }
0xbe: {  	s0 =	sadd.s32 $0x8F2B, s0  }
0xbf: {  	[sflag:s0] =	ssyncadd.remote.s32 $0x1  }
0xc0: {  	_ =	sfence.sel $0xFFFF  }
0xc1: {  	[dreg:$0x0] =	wrdreg $0xFFFFFFFF;
	(pc) =	sbr.abs _section_cstart, $3  }
0xc2: {  	[dreg:$0x1] =	wrdreg $0xFFFFFFFF  }
0xc3: {  	_ =	task.clear_ibuf [dreg:s8], $0x2FFFF;
	_ =	strace $0x9FFFFFFF  }
0xc4: {  	(tm) =	ssettm $0x7FFFFFFF  }
0xc5: {  	_ =	shalt  }
tec
execute0_lowered:
.L_overlay_start_1:
0x0: {  	(tag) =	ssettag $0x1  }
0x1: {  	s1 =	rddreg [dreg:$0x0]  }
0x2: {  	s0 =	rddreg [dreg:$0x1];
	s2 =	srdreg.scid  }
0x3: {  	s3 =	stileid.u32;
	s6 =	rddreg [dreg:$0x2];
	s28 =	simm.s32 $0xA180  }
0x4: {  	s29 =	simm.s32 $0xA980;
	s30 =	simm.s32 $0xB180;
	s31 =	simm.s32 $0xB980  }
0x5: {  	s9 =	simm.s32 $0xD180;
	s10 =	simm.s32 $0x1;
	s11 =	simm.s32 $0x2  }
0x6: {  	s2 =	sand.u32 $0x1, s2;
	s4 =	sshll.u32 s3, $0x1;
	s3 =	simm.s32 $0x0  }
0x7: {  	s12 =	simm.s32 $0x0;
	s5 =	sor.u32 s2, s4;
	[smem:$0x7FF] =	sst s3  }
0x8: {  	s2 =	ssub.s32 $0x2, s2;
	s4 =	smul.u32 $0x30, s5;
	_ =	strace $0x80000047  }
0x9: {  	s7 =	sshrl.u32 s2, $0x1;
	s8 =	smul.u32 $0x300, s5;
	s26 =	sshll.u32 s5, $0xC  }
0xa: {  	v2 =	vlaneseq.u32;
	s2 =	ssub.s32 s2, s7;
	s6 =	sadd.s32 s6, s26;
	s4 =	sadd.s32 s4, s0  }
0xb: {  	vm0 =	vmmov $0xffff;
	v1 =	vshrl.u32 v2, $0x3;
	s5 =	sadd.s32 s0, s8;
	s7 =	smax.u32 s2, $0x1;
	s8 =	simm.s32 $0x3  }
0xc: {  	v0 =	vand.u32 $0x7, v2;
	v2 =	vor.u32 $0x8, v2;
	v1 =	vmul.u32 $0x8, v1;
	s2 =	simm.s32 $0xC180;
	s0 =	simm.s32 $0xC980;
	s4 =	sadd.s32 $0x6000, s4  }
.LBB2_1:
0xd: {  	[tilespmem:s3], [sflag:$0x3] =	stream.linear.gather [hbm4b:s4+s3], $0x180, $0x38;
	[tilespmem:$0x15980] =	vst v63  }
0xe: {  	_ =	swait.ge [sflag:s8], $0x180  }
0xf: {  	[sflag:s8] =	ssyncset.done $0x0  }
0x10: {  	s13 =	simm.s32 $0x180;
	[sflag:s8] =	ssyncadd.s32 $0xFFFFFE80  }
0x11: {  	[tilespmem:s13], [sflag:$0x3] =	stream.linear.gather [hbm4b:s5+s3], $0x1800, $0x38;
	[tilespmem:$0x15980] =	vst v63  }
0x12: {  	_ =	swait.ge [sflag:s8], $0x1800  }
0x13: {  	[sflag:s8] =	ssyncset.done $0x0  }
0x14: {  	[sflag:s8] =	ssyncadd.s32 $0xFFFFE800  }
0x15: {  	v3 =	vld [tilespmem:$0x0];
	_ =	sdelay $0x4  }
0x16: {  	v4 =	vshll.u32 v3, $0x1  }
0x17: {  	v3 =	vand.u32 $0x7, v3;
	v4 =	vand.u32 $0xFFFFFFF0, v4  }
0x18: {  	v3 =	vor.u32 v3, v4  }
0x19: {  	v4 =	vperm.xlane v3, v0;
	_ =	sdelay $0x1  }
0x1a: {  	v3 =	vperm.xlane v3, v2;
	v4 =	vadd.s32 v1, v4;
	_ =	sdelay $0x1  }
0x1b: {  	v3 =	vadd.s32 v1, v3;
	_ =	sdelay $0x1  }
0x1c: {  	s18 =	simm.s32 $0x1980  }
0x1d: {  	[tilespmem:s18], [sflag:$0x1] =	stream.indirect_vreg.gather [hbm4b:s1+s3], $0x80, v4, vm0, $0xb8;
	[tilespmem:$0x15980] =	vst v63  }
0x1e: {  	s19 =	simm.s32 $0x2180  }
0x1f: {  	[tilespmem:s19], [sflag:$0x1] =	stream.indirect_vreg.gather [hbm4b:s1+s3], $0x80, v3, vm0, $0xb8;
	[tilespmem:$0x15980] =	vst v63  }
0x20: {  	v3 =	vld [tilespmem:$0x10];
	_ =	sdelay $0x4  }
0x21: {  	v4 =	vshll.u32 v3, $0x1  }
0x22: {  	v3 =	vand.u32 $0x7, v3;
	v4 =	vand.u32 $0xFFFFFFF0, v4  }
0x23: {  	v3 =	vor.u32 v3, v4  }
0x24: {  	v4 =	vperm.xlane v3, v0;
	_ =	sdelay $0x1  }
0x25: {  	v3 =	vperm.xlane v3, v2;
	v4 =	vadd.s32 v1, v4;
	_ =	sdelay $0x1  }
0x26: {  	v3 =	vadd.s32 v1, v3;
	_ =	sdelay $0x1  }
0x27: {  	s20 =	simm.s32 $0x2980  }
0x28: {  	[tilespmem:s20], [sflag:$0x1] =	stream.indirect_vreg.gather [hbm4b:s1+s3], $0x80, v4, vm0, $0xb8;
	[tilespmem:$0x15980] =	vst v63  }
0x29: {  	s21 =	simm.s32 $0x3180  }
0x2a: {  	[tilespmem:s21], [sflag:$0x1] =	stream.indirect_vreg.gather [hbm4b:s1+s3], $0x80, v3, vm0, $0xb8;
	[tilespmem:$0x15980] =	vst v63  }
0x2b: {  	v3 =	vld [tilespmem:$0x20];
	_ =	sdelay $0x4  }
0x2c: {  	v4 =	vshll.u32 v3, $0x1  }
0x2d: {  	v3 =	vand.u32 $0x7, v3;
	v4 =	vand.u32 $0xFFFFFFF0, v4  }
0x2e: {  	v3 =	vor.u32 v3, v4  }
0x2f: {  	v4 =	vperm.xlane v3, v0;
	_ =	sdelay $0x1  }
0x30: {  	v3 =	vperm.xlane v3, v2;
	v4 =	vadd.s32 v1, v4;
	_ =	sdelay $0x1  }
0x31: {  	v3 =	vadd.s32 v1, v3;
	_ =	sdelay $0x1  }
0x32: {  	s22 =	simm.s32 $0x3980  }
0x33: {  	[tilespmem:s22], [sflag:$0x1] =	stream.indirect_vreg.gather [hbm4b:s1+s3], $0x80, v4, vm0, $0xb8;
	[tilespmem:$0x15980] =	vst v63  }
0x34: {  	s23 =	simm.s32 $0x4180  }
0x35: {  	[tilespmem:s23], [sflag:$0x1] =	stream.indirect_vreg.gather [hbm4b:s1+s3], $0x80, v3, vm0, $0xb8;
	[tilespmem:$0x15980] =	vst v63  }
0x36: {  	v3 =	vld [tilespmem:$0x30];
	_ =	sdelay $0x4  }
0x37: {  	v4 =	vshll.u32 v3, $0x1  }
0x38: {  	v3 =	vand.u32 $0x7, v3;
	v4 =	vand.u32 $0xFFFFFFF0, v4  }
0x39: {  	v3 =	vor.u32 v3, v4  }
0x3a: {  	v4 =	vperm.xlane v3, v0;
	_ =	sdelay $0x1  }
0x3b: {  	v3 =	vperm.xlane v3, v2;
	v4 =	vadd.s32 v1, v4;
	_ =	sdelay $0x1  }
0x3c: {  	v3 =	vadd.s32 v1, v3;
	_ =	sdelay $0x1  }
0x3d: {  	s24 =	simm.s32 $0x4980  }
0x3e: {  	[tilespmem:s24], [sflag:$0x1] =	stream.indirect_vreg.gather [hbm4b:s1+s3], $0x80, v4, vm0, $0xb8;
	[tilespmem:$0x15980] =	vst v63  }
0x3f: {  	s25 =	simm.s32 $0x5180  }
0x40: {  	[tilespmem:s25], [sflag:$0x1] =	stream.indirect_vreg.gather [hbm4b:s1+s3], $0x80, v3, vm0, $0xb8;
	[tilespmem:$0x15980] =	vst v63  }
0x41: {  	v3 =	vld [tilespmem:$0x40];
	_ =	sdelay $0x4  }
0x42: {  	v4 =	vshll.u32 v3, $0x1  }
0x43: {  	v3 =	vand.u32 $0x7, v3;
	v4 =	vand.u32 $0xFFFFFFF0, v4  }
0x44: {  	v3 =	vor.u32 v3, v4  }
0x45: {  	v4 =	vperm.xlane v3, v0;
	_ =	sdelay $0x1  }
0x46: {  	v3 =	vperm.xlane v3, v2;
	v4 =	vadd.s32 v1, v4;
	_ =	sdelay $0x1  }
0x47: {  	v3 =	vadd.s32 v1, v3;
	_ =	sdelay $0x1  }
0x48: {  	s26 =	simm.s32 $0x5980  }
0x49: {  	[tilespmem:s26], [sflag:$0x1] =	stream.indirect_vreg.gather [hbm4b:s1+s3], $0x80, v4, vm0, $0xb8;
	[tilespmem:$0x15980] =	vst v63  }
0x4a: {  	s14 =	simm.s32 $0x6180  }
0x4b: {  	[tilespmem:s14], [sflag:$0x1] =	stream.indirect_vreg.gather [hbm4b:s1+s3], $0x80, v3, vm0, $0xb8;
	[tilespmem:$0x15980] =	vst v63  }
0x4c: {  	v3 =	vld [tilespmem:$0x50];
	_ =	sdelay $0x4  }
0x4d: {  	v4 =	vshll.u32 v3, $0x1  }
0x4e: {  	v3 =	vand.u32 $0x7, v3;
	v4 =	vand.u32 $0xFFFFFFF0, v4  }
0x4f: {  	v3 =	vor.u32 v3, v4  }
0x50: {  	v4 =	vperm.xlane v3, v0;
	_ =	sdelay $0x1  }
0x51: {  	v3 =	vperm.xlane v3, v2;
	v4 =	vadd.s32 v1, v4;
	_ =	sdelay $0x1  }
0x52: {  	v3 =	vadd.s32 v1, v3;
	_ =	sdelay $0x1  }
0x53: {  	s15 =	simm.s32 $0x6980  }
0x54: {  	[tilespmem:s15], [sflag:$0x1] =	stream.indirect_vreg.gather [hbm4b:s1+s3], $0x80, v4, vm0, $0xb8;
	[tilespmem:$0x15980] =	vst v63  }
0x55: {  	s16 =	simm.s32 $0x7180  }
0x56: {  	[tilespmem:s16], [sflag:$0x1] =	stream.indirect_vreg.gather [hbm4b:s1+s3], $0x80, v3, vm0, $0xb8;
	[tilespmem:$0x15980] =	vst v63  }
0x57: {  	v3 =	vld [tilespmem:$0x60];
	_ =	sdelay $0x4  }
0x58: {  	v4 =	vshll.u32 v3, $0x1  }
0x59: {  	v3 =	vand.u32 $0x7, v3;
	v4 =	vand.u32 $0xFFFFFFF0, v4  }
0x5a: {  	v3 =	vor.u32 v3, v4  }
0x5b: {  	v4 =	vperm.xlane v3, v0;
	_ =	sdelay $0x1  }
0x5c: {  	v3 =	vperm.xlane v3, v2;
	v4 =	vadd.s32 v1, v4;
	_ =	sdelay $0x1  }
0x5d: {  	v3 =	vadd.s32 v1, v3;
	_ =	sdelay $0x1  }
0x5e: {  	s17 =	simm.s32 $0x7980  }
0x5f: {  	[tilespmem:s17], [sflag:$0x2] =	stream.indirect_vreg.gather [hbm4b:s1+s3], $0x80, v4, vm0, $0xb8;
	[tilespmem:$0x15980] =	vst v63  }
0x60: {  	s18 =	simm.s32 $0x8180  }
0x61: {  	[tilespmem:s18], [sflag:$0x2] =	stream.indirect_vreg.gather [hbm4b:s1+s3], $0x80, v3, vm0, $0xb8;
	[tilespmem:$0x15980] =	vst v63  }
0x62: {  	v3 =	vld [tilespmem:$0x70];
	_ =	sdelay $0x4  }
0x63: {  	v4 =	vshll.u32 v3, $0x1  }
0x64: {  	v3 =	vand.u32 $0x7, v3;
	v4 =	vand.u32 $0xFFFFFFF0, v4  }
0x65: {  	v3 =	vor.u32 v3, v4  }
0x66: {  	v4 =	vperm.xlane v3, v0;
	_ =	sdelay $0x1  }
0x67: {  	v3 =	vperm.xlane v3, v2;
	v4 =	vadd.s32 v1, v4;
	_ =	sdelay $0x1  }
0x68: {  	v3 =	vadd.s32 v1, v3;
	_ =	sdelay $0x1  }
0x69: {  	s19 =	simm.s32 $0x8980  }
0x6a: {  	[tilespmem:s19], [sflag:$0x2] =	stream.indirect_vreg.gather [hbm4b:s1+s3], $0x80, v4, vm0, $0xb8;
	[tilespmem:$0x15980] =	vst v63  }
0x6b: {  	s20 =	simm.s32 $0x9180  }
0x6c: {  	[tilespmem:s20], [sflag:$0x2] =	stream.indirect_vreg.gather [hbm4b:s1+s3], $0x80, v3, vm0, $0xb8;
	[tilespmem:$0x15980] =	vst v63  }
0x6d: {  	v3 =	vld [tilespmem:$0x80];
	_ =	sdelay $0x4  }
0x6e: {  	v4 =	vshll.u32 v3, $0x1  }
0x6f: {  	v3 =	vand.u32 $0x7, v3;
	v4 =	vand.u32 $0xFFFFFFF0, v4  }
0x70: {  	v3 =	vor.u32 v3, v4  }
0x71: {  	v4 =	vperm.xlane v3, v0;
	_ =	sdelay $0x1  }
0x72: {  	v3 =	vperm.xlane v3, v2;
	v4 =	vadd.s32 v1, v4;
	_ =	sdelay $0x1  }
0x73: {  	v3 =	vadd.s32 v1, v3;
	_ =	sdelay $0x1  }
0x74: {  	s21 =	simm.s32 $0x9980  }
0x75: {  	[tilespmem:s21], [sflag:$0x2] =	stream.indirect_vreg.gather [hbm4b:s1+s3], $0x80, v4, vm0, $0xb8;
	[tilespmem:$0x15980] =	vst v63  }
0x76: {  	_ = 	snop  }
0x77: {  	[tilespmem:s28], [sflag:$0x2] =	stream.indirect_vreg.gather [hbm4b:s1+s3], $0x80, v3, vm0, $0xb8;
	[tilespmem:$0x15980] =	vst v63  }
0x78: {  	v3 =	vld [tilespmem:$0x90];
	_ =	sdelay $0x4  }
0x79: {  	v4 =	vshll.u32 v3, $0x1  }
0x7a: {  	v3 =	vand.u32 $0x7, v3;
	v4 =	vand.u32 $0xFFFFFFF0, v4  }
0x7b: {  	v3 =	vor.u32 v3, v4  }
0x7c: {  	v4 =	vperm.xlane v3, v0;
	_ =	sdelay $0x1  }
0x7d: {  	v3 =	vperm.xlane v3, v2;
	v4 =	vadd.s32 v1, v4;
	_ =	sdelay $0x1  }
0x7e: {  	v3 =	vadd.s32 v1, v3;
	_ =	sdelay $0x2  }
0x7f: {  	[tilespmem:s29], [sflag:$0x2] =	stream.indirect_vreg.gather [hbm4b:s1+s3], $0x80, v4, vm0, $0xb8;
	[tilespmem:$0x15980] =	vst v63  }
0x80: {  	_ = 	snop  }
0x81: {  	[tilespmem:s30], [sflag:$0x2] =	stream.indirect_vreg.gather [hbm4b:s1+s3], $0x80, v3, vm0, $0xb8;
	[tilespmem:$0x15980] =	vst v63  }
0x82: {  	v3 =	vld [tilespmem:$0xA0];
	_ =	sdelay $0x4  }
0x83: {  	v4 =	vshll.u32 v3, $0x1  }
0x84: {  	v3 =	vand.u32 $0x7, v3;
	v4 =	vand.u32 $0xFFFFFFF0, v4  }
0x85: {  	v3 =	vor.u32 v3, v4  }
0x86: {  	v4 =	vperm.xlane v3, v0;
	_ =	sdelay $0x1  }
0x87: {  	v3 =	vperm.xlane v3, v2;
	v4 =	vadd.s32 v1, v4;
	_ =	sdelay $0x1  }
0x88: {  	v3 =	vadd.s32 v1, v3;
	_ =	sdelay $0x2  }
0x89: {  	[tilespmem:s31], [sflag:$0x2] =	stream.indirect_vreg.gather [hbm4b:s1+s3], $0x80, v4, vm0, $0xb8;
	[tilespmem:$0x15980] =	vst v63  }
0x8a: {  	_ = 	snop  }
0x8b: {  	[tilespmem:s2], [sflag:$0x2] =	stream.indirect_vreg.gather [hbm4b:s1+s3], $0x80, v3, vm0, $0xb8;
	[tilespmem:$0x15980] =	vst v63  }
0x8c: {  	v3 =	vld [tilespmem:$0xB0];
	_ =	sdelay $0x4  }
0x8d: {  	v4 =	vshll.u32 v3, $0x1  }
0x8e: {  	v3 =	vand.u32 $0x7, v3;
	v4 =	vand.u32 $0xFFFFFFF0, v4  }
0x8f: {  	v3 =	vor.u32 v3, v4  }
0x90: {  	v4 =	vperm.xlane v3, v0;
	_ =	sdelay $0x1  }
0x91: {  	v3 =	vperm.xlane v3, v2;
	v4 =	vadd.s32 v1, v4;
	_ =	sdelay $0x1  }
0x92: {  	v3 =	vadd.s32 v1, v3;
	_ =	sdelay $0x2  }
0x93: {  	[tilespmem:s0], [sflag:$0x2] =	stream.indirect_vreg.gather [hbm4b:s1+s3], $0x80, v4, vm0, $0xb8;
	[tilespmem:$0x15980] =	vst v63  }
0x94: {  	_ = 	snop  }
0x95: {  	[tilespmem:s9], [sflag:$0x2] =	stream.indirect_vreg.gather [hbm4b:s1+s3], $0x80, v3, vm0, $0xb8;
	[tilespmem:$0x15980] =	vst v63  }
0x96: {  	s22 =	sand.u32 $0x7800, s3;
	_ =	swait.ge [sflag:s10], $0x6000  }
0x97: {  	s23 =	simm.s32 $0x100;
	s14 =	sand.u32 $0x380, s3;
	[sflag:s10] =	ssyncset.done $0x0  }
0x98: {  	s13 =	sor.u32 s14, s22;
	s15 =	simm.s32 $0x80;
	[sflag:s10] =	ssyncadd.s32 $0xFFFFA000  }
0x99: {  	s14 =	sand.u32 $0xF800, s23;
	s15 =	sand.u32 $0x380, s15;
	s16 =	simm.s32 $0x190;
	v6 =	vld [tilespmem:s13+$0x1980]  }
0x9a: {  	s14 =	sor.u32 s15, s14;
	v3 =	vld [tilespmem:s16+$0xFFFFFFF0]  }
0x9b: {  	s24 =	simm.s32 $0x100;
	s17 =	simm.s32 $0x200;
	v7 =	vld [tilespmem:s14+$0x1980]  }
0x9c: {  	s15 =	sand.u32 $0x380, s24;
	s17 =	sand.u32 $0xF800, s17;
	v5 =	vld [tilespmem:s16+$0x0]  }
0x9d: {  	s15 =	sor.u32 s15, s17;
	v4 =	vld [tilespmem:s16+$0x10]  }
0x9e: {  	v8 =	vld [tilespmem:s15+$0x1980];
	_ =	sdelay $0x2  }
0x9f: {  	v6 =	vmul.f32 v6, v3;
	v7 =	vmul.f32 v7, v5;
	_ =	sdelay $0x1  }
0xa0: {  	v6 =	vadd.f32 v7, v6;
	v7 =	vmul.f32 v8, v4;
	_ =	sdelay $0x1  }
0xa1: {  	s25 =	sand.u32 $0x1800, s3;
	s26 =	sand.u32 $0x380, s3;
	v6 =	vadd.f32 v7, v6  }
0xa2: {  	s16 =	sor.u32 s26, s25  }
0xa3: {  	[tilespmem:s16+$0xD980] =	vst v6  }
0xa4: {  	v6 =	vld [tilespmem:s13+$0x1990]  }
0xa5: {  	v7 =	vld [tilespmem:s14+$0x1990];
	_ =	sdelay $0x1  }
0xa6: {  	v8 =	vld [tilespmem:s15+$0x1990];
	_ =	sdelay $0x2  }
0xa7: {  	v6 =	vmul.f32 v6, v3;
	v7 =	vmul.f32 v7, v5;
	_ =	sdelay $0x1  }
0xa8: {  	v6 =	vadd.f32 v7, v6;
	v7 =	vmul.f32 v8, v4;
	_ =	sdelay $0x1  }
0xa9: {  	v6 =	vadd.f32 v7, v6;
	_ =	sdelay $0x1  }
0xaa: {  	[tilespmem:s16+$0xD990] =	vst v6  }
0xab: {  	v6 =	vld [tilespmem:s13+$0x19A0]  }
0xac: {  	v7 =	vld [tilespmem:s14+$0x19A0];
	_ =	sdelay $0x1  }
0xad: {  	v8 =	vld [tilespmem:s15+$0x19A0];
	_ =	sdelay $0x2  }
0xae: {  	v6 =	vmul.f32 v6, v3;
	v7 =	vmul.f32 v7, v5;
	_ =	sdelay $0x1  }
0xaf: {  	v6 =	vadd.f32 v7, v6;
	v7 =	vmul.f32 v8, v4;
	_ =	sdelay $0x1  }
0xb0: {  	v6 =	vadd.f32 v7, v6;
	_ =	sdelay $0x1  }
0xb1: {  	[tilespmem:s16+$0xD9A0] =	vst v6  }
0xb2: {  	v6 =	vld [tilespmem:s13+$0x19B0]  }
0xb3: {  	v7 =	vld [tilespmem:s14+$0x19B0];
	_ =	sdelay $0x1  }
0xb4: {  	v8 =	vld [tilespmem:s15+$0x19B0];
	_ =	sdelay $0x2  }
0xb5: {  	v6 =	vmul.f32 v6, v3;
	v7 =	vmul.f32 v7, v5;
	_ =	sdelay $0x1  }
0xb6: {  	v6 =	vadd.f32 v7, v6;
	v7 =	vmul.f32 v8, v4;
	_ =	sdelay $0x1  }
0xb7: {  	v6 =	vadd.f32 v7, v6;
	_ =	sdelay $0x1  }
0xb8: {  	[tilespmem:s16+$0xD9B0] =	vst v6  }
0xb9: {  	v6 =	vld [tilespmem:s13+$0x19C0]  }
0xba: {  	v7 =	vld [tilespmem:s14+$0x19C0];
	_ =	sdelay $0x1  }
0xbb: {  	v8 =	vld [tilespmem:s15+$0x19C0];
	_ =	sdelay $0x2  }
0xbc: {  	v6 =	vmul.f32 v6, v3;
	v7 =	vmul.f32 v7, v5;
	_ =	sdelay $0x1  }
0xbd: {  	v6 =	vadd.f32 v7, v6;
	v7 =	vmul.f32 v8, v4;
	_ =	sdelay $0x1  }
0xbe: {  	v6 =	vadd.f32 v7, v6;
	_ =	sdelay $0x1  }
0xbf: {  	[tilespmem:s16+$0xD9C0] =	vst v6  }
0xc0: {  	v6 =	vld [tilespmem:s13+$0x19D0]  }
0xc1: {  	v7 =	vld [tilespmem:s14+$0x19D0];
	_ =	sdelay $0x1  }
0xc2: {  	v8 =	vld [tilespmem:s15+$0x19D0];
	_ =	sdelay $0x2  }
0xc3: {  	v6 =	vmul.f32 v6, v3;
	v7 =	vmul.f32 v7, v5;
	_ =	sdelay $0x1  }
0xc4: {  	v6 =	vadd.f32 v7, v6;
	v7 =	vmul.f32 v8, v4;
	_ =	sdelay $0x1  }
0xc5: {  	v6 =	vadd.f32 v7, v6;
	_ =	sdelay $0x1  }
0xc6: {  	[tilespmem:s16+$0xD9D0] =	vst v6  }
0xc7: {  	v6 =	vld [tilespmem:s13+$0x19E0]  }
0xc8: {  	v7 =	vld [tilespmem:s14+$0x19E0];
	_ =	sdelay $0x1  }
0xc9: {  	v8 =	vld [tilespmem:s15+$0x19E0];
	_ =	sdelay $0x2  }
0xca: {  	v6 =	vmul.f32 v6, v3;
	v7 =	vmul.f32 v7, v5;
	_ =	sdelay $0x1  }
0xcb: {  	v6 =	vadd.f32 v7, v6;
	v7 =	vmul.f32 v8, v4;
	_ =	sdelay $0x1  }
0xcc: {  	v6 =	vadd.f32 v7, v6;
	_ =	sdelay $0x1  }
0xcd: {  	[tilespmem:s16+$0xD9E0] =	vst v6  }
0xce: {  	v6 =	vld [tilespmem:s13+$0x19F0]  }
0xcf: {  	v7 =	vld [tilespmem:s14+$0x19F0];
	_ =	sdelay $0x1  }
0xd0: {  	v8 =	vld [tilespmem:s15+$0x19F0];
	_ =	sdelay $0x2  }
0xd1: {  	v6 =	vmul.f32 v6, v3;
	v7 =	vmul.f32 v7, v5;
	_ =	sdelay $0x1  }
0xd2: {  	v6 =	vadd.f32 v7, v6;
	v7 =	vmul.f32 v8, v4;
	_ =	sdelay $0x1  }
0xd3: {  	v6 =	vadd.f32 v7, v6;
	_ =	sdelay $0x1  }
0xd4: {  	[tilespmem:s16+$0xD9F0] =	vst v6  }
0xd5: {  	v6 =	vld [tilespmem:s13+$0x1D80]  }
0xd6: {  	v7 =	vld [tilespmem:s14+$0x1D80];
	_ =	sdelay $0x1  }
0xd7: {  	v8 =	vld [tilespmem:s15+$0x1D80];
	_ =	sdelay $0x2  }
0xd8: {  	v6 =	vmul.f32 v6, v3;
	v7 =	vmul.f32 v7, v5;
	_ =	sdelay $0x1  }
0xd9: {  	v6 =	vadd.f32 v7, v6;
	v7 =	vmul.f32 v8, v4;
	_ =	sdelay $0x1  }
0xda: {  	v6 =	vadd.f32 v7, v6;
	_ =	sdelay $0x1  }
0xdb: {  	[tilespmem:s16+$0xDD80] =	vst v6  }
0xdc: {  	v6 =	vld [tilespmem:s13+$0x1D90]  }
0xdd: {  	v7 =	vld [tilespmem:s14+$0x1D90];
	_ =	sdelay $0x1  }
0xde: {  	v8 =	vld [tilespmem:s15+$0x1D90];
	_ =	sdelay $0x2  }
0xdf: {  	v6 =	vmul.f32 v6, v3;
	v7 =	vmul.f32 v7, v5;
	_ =	sdelay $0x1  }
0xe0: {  	v6 =	vadd.f32 v7, v6;
	v7 =	vmul.f32 v8, v4;
	_ =	sdelay $0x1  }
0xe1: {  	v6 =	vadd.f32 v7, v6;
	_ =	sdelay $0x1  }
0xe2: {  	[tilespmem:s16+$0xDD90] =	vst v6  }
0xe3: {  	v6 =	vld [tilespmem:s13+$0x1DA0]  }
0xe4: {  	v7 =	vld [tilespmem:s14+$0x1DA0];
	_ =	sdelay $0x1  }
0xe5: {  	v8 =	vld [tilespmem:s15+$0x1DA0];
	_ =	sdelay $0x2  }
0xe6: {  	v6 =	vmul.f32 v6, v3;
	v7 =	vmul.f32 v7, v5;
	_ =	sdelay $0x1  }
0xe7: {  	v6 =	vadd.f32 v7, v6;
	v7 =	vmul.f32 v8, v4;
	_ =	sdelay $0x1  }
0xe8: {  	v6 =	vadd.f32 v7, v6;
	_ =	sdelay $0x1  }
0xe9: {  	[tilespmem:s16+$0xDDA0] =	vst v6  }
0xea: {  	v6 =	vld [tilespmem:s13+$0x1DB0]  }
0xeb: {  	v7 =	vld [tilespmem:s14+$0x1DB0];
	_ =	sdelay $0x1  }
0xec: {  	v8 =	vld [tilespmem:s15+$0x1DB0];
	_ =	sdelay $0x2  }
0xed: {  	v6 =	vmul.f32 v6, v3;
	v7 =	vmul.f32 v7, v5;
	_ =	sdelay $0x1  }
0xee: {  	v6 =	vadd.f32 v7, v6;
	v7 =	vmul.f32 v8, v4;
	_ =	sdelay $0x1  }
0xef: {  	v6 =	vadd.f32 v7, v6;
	_ =	sdelay $0x1  }
0xf0: {  	[tilespmem:s16+$0xDDB0] =	vst v6  }
0xf1: {  	v7 =	vld [tilespmem:s13+$0x1DC0]  }
0xf2: {  	v8 =	vld [tilespmem:s14+$0x1DC0];
	_ =	sdelay $0x1  }
0xf3: {  	s17 =	simm.s32 $0x180;
	s18 =	simm.s32 $0x1C0;
	v6 =	vld [tilespmem:s15+$0x1DC0]  }
0xf4: {  	s19 =	simm.s32 $0x0;
	s20 =	simm.s32 $0x0;
	s21 =	simm.s32 $0x0  }
.LBB2_2:
0xf5: {  	s19 =	sadd.s32 $0x80, s19;
	s20 =	sadd.s32 $0x100, s20;
	s21 =	sadd.s32 $0x300, s21  }
0xf6: {  	p0 =	sne.s32 s17, $0x2E80;
	v7 =	vmul.f32 v7, v3;
	s22 =	smov.u32 s17;
	s17 =	sadd.s32 $0x180, s17;
	v8 =	vmul.f32 v8, v5  }
0xf7: {  	_ = 	snop  }
0xf8: {  	v6 =	vmul.f32 v6, v4;
	v7 =	vadd.f32 v8, v7;
	_ =	sdelay $0x1  }
0xf9: {  	v6 =	vadd.f32 v6, v7;
	_ =	sdelay $0x1  }
0xfa: {  	[tilespmem:s16+$0xDDC0] =	vst v6  }
0xfb: {  	v6 =	vld [tilespmem:s13+$0x1DD0]  }
0xfc: {  	v7 =	vld [tilespmem:s14+$0x1DD0]  }
0xfd: {  	v8 =	vld [tilespmem:s15+$0x1DD0];
	_ =	sdelay $0x2  }
0xfe: {  	v6 =	vmul.f32 v6, v3  }
0xff: {  	v7 =	vmul.f32 v7, v5  }
0x100: {  	s23 =	sand.u32 $0x7800, s21;
	s24 =	sand.u32 $0x380, s22;
	s25 =	sadd.s32 $0x100, s22  }
0x101: {  	s22 =	sadd.s32 $0x80, s22;
	s23 =	sor.u32 s24, s23;
	s24 =	sadd.s32 $0x100, s21;
	v6 =	vadd.f32 v7, v6;
	v7 =	vmul.f32 v8, v4  }
0x102: {  	s26 =	sadd.s32 $0x200, s21;
	s22 =	sand.u32 $0x380, s22;
	s24 =	sand.u32 $0xF800, s24  }
0x103: {  	s25 =	sand.u32 $0x380, s25;
	s22 =	sor.u32 s22, s24;
	s24 =	sand.u32 $0xF800, s26;
	v6 =	vadd.f32 v7, v6  }
0x104: {  	s24 =	sor.u32 s25, s24  }
0x105: {  	[tilespmem:s16+$0xDDD0] =	vst v6  }
0x106: {  	v6 =	vld [tilespmem:s13+$0x1DE0]  }
0x107: {  	v7 =	vld [tilespmem:s14+$0x1DE0]  }
0x108: {  	v8 =	vld [tilespmem:s15+$0x1DE0];
	_ =	sdelay $0x2  }
0x109: {  	v6 =	vmul.f32 v6, v3  }
0x10a: {  	v7 =	vmul.f32 v7, v5;
	_ =	sdelay $0x1  }
0x10b: {  	v6 =	vadd.f32 v7, v6;
	v7 =	vmul.f32 v8, v4;
	_ =	sdelay $0x1  }
0x10c: {  	v6 =	vadd.f32 v7, v6;
	_ =	sdelay $0x1  }
0x10d: {  	[tilespmem:s16+$0xDDE0] =	vst v6  }
0x10e: {  	v6 =	vld [tilespmem:s13+$0x1DF0];
	s13 =	smov.u32 s23  }
0x10f: {  	v7 =	vld [tilespmem:s14+$0x1DF0];
	s14 =	smov.u32 s22  }
0x110: {  	v8 =	vld [tilespmem:s15+$0x1DF0];
	s15 =	smov.u32 s24;
	_ =	sdelay $0x2  }
0x111: {  	v3 =	vmul.f32 v6, v3  }
0x112: {  	v5 =	vmul.f32 v7, v5;
	_ =	sdelay $0x1  }
0x113: {  	v4 =	vmul.f32 v8, v4;
	v3 =	vadd.f32 v5, v3;
	_ =	sdelay $0x1  }
0x114: {  	v3 =	vadd.f32 v4, v3;
	_ =	sdelay $0x1  }
0x115: {  	[tilespmem:s16+$0xDDF0] =	vst v3  }
0x116: {  	v6 =	vld [tilespmem:s13+$0x1980]  }
0x117: {  	v3 =	vld [tilespmem:s18+$0xFFFFFFF0]  }
0x118: {  	v7 =	vld [tilespmem:s14+$0x1980]  }
0x119: {  	v5 =	vld [tilespmem:s18+$0x0]  }
0x11a: {  	v4 =	vld [tilespmem:s18+$0x10]  }
0x11b: {  	v8 =	vld [tilespmem:s15+$0x1980];
	_ =	sdelay $0x1  }
0x11c: {  	v6 =	vmul.f32 v6, v3  }
0x11d: {  	v7 =	vmul.f32 v7, v5;
	_ =	sdelay $0x1  }
0x11e: {  	v6 =	vadd.f32 v7, v6;
	v7 =	vmul.f32 v8, v4;
	_ =	sdelay $0x1  }
0x11f: {  	s22 =	sand.u32 $0x380, s19;
	s16 =	sand.u32 $0x1800, s20;
	v6 =	vadd.f32 v7, v6  }
0x120: {  	s16 =	sor.u32 s22, s16  }
0x121: {  	[tilespmem:s16+$0xD980] =	vst v6  }
0x122: {  	v6 =	vld [tilespmem:s13+$0x1990]  }
0x123: {  	v7 =	vld [tilespmem:s14+$0x1990];
	_ =	sdelay $0x1  }
0x124: {  	v8 =	vld [tilespmem:s15+$0x1990];
	_ =	sdelay $0x1  }
0x125: {  	v6 =	vmul.f32 v6, v3  }
0x126: {  	v7 =	vmul.f32 v7, v5;
	_ =	sdelay $0x1  }
0x127: {  	v6 =	vadd.f32 v7, v6;
	v7 =	vmul.f32 v8, v4;
	_ =	sdelay $0x1  }
0x128: {  	v6 =	vadd.f32 v7, v6;
	_ =	sdelay $0x1  }
0x129: {  	[tilespmem:s16+$0xD990] =	vst v6  }
0x12a: {  	v6 =	vld [tilespmem:s13+$0x19A0]  }
0x12b: {  	v7 =	vld [tilespmem:s14+$0x19A0];
	_ =	sdelay $0x1  }
0x12c: {  	v8 =	vld [tilespmem:s15+$0x19A0];
	_ =	sdelay $0x1  }
0x12d: {  	v6 =	vmul.f32 v6, v3  }
0x12e: {  	v7 =	vmul.f32 v7, v5;
	_ =	sdelay $0x1  }
0x12f: {  	v6 =	vadd.f32 v7, v6;
	v7 =	vmul.f32 v8, v4;
	_ =	sdelay $0x1  }
0x130: {  	v6 =	vadd.f32 v7, v6;
	_ =	sdelay $0x1  }
0x131: {  	[tilespmem:s16+$0xD9A0] =	vst v6  }
0x132: {  	v6 =	vld [tilespmem:s13+$0x19B0]  }
0x133: {  	v7 =	vld [tilespmem:s14+$0x19B0]  }
0x134: {  	v8 =	vld [tilespmem:s15+$0x19B0];
	_ =	sdelay $0x2  }
0x135: {  	v6 =	vmul.f32 v6, v3  }
0x136: {  	v7 =	vmul.f32 v7, v5;
	_ =	sdelay $0x1  }
0x137: {  	v6 =	vadd.f32 v7, v6;
	v7 =	vmul.f32 v8, v4;
	_ =	sdelay $0x1  }
0x138: {  	v6 =	vadd.f32 v7, v6;
	_ =	sdelay $0x1  }
0x139: {  	[tilespmem:s16+$0xD9B0] =	vst v6  }
0x13a: {  	v6 =	vld [tilespmem:s13+$0x19C0]  }
0x13b: {  	v7 =	vld [tilespmem:s14+$0x19C0]  }
0x13c: {  	v8 =	vld [tilespmem:s15+$0x19C0];
	_ =	sdelay $0x2  }
0x13d: {  	v6 =	vmul.f32 v6, v3  }
0x13e: {  	v7 =	vmul.f32 v7, v5;
	_ =	sdelay $0x1  }
0x13f: {  	v6 =	vadd.f32 v7, v6;
	v7 =	vmul.f32 v8, v4;
	_ =	sdelay $0x1  }
0x140: {  	v6 =	vadd.f32 v7, v6;
	_ =	sdelay $0x1  }
0x141: {  	[tilespmem:s16+$0xD9C0] =	vst v6  }
0x142: {  	v6 =	vld [tilespmem:s13+$0x19D0]  }
0x143: {  	v7 =	vld [tilespmem:s14+$0x19D0]  }
0x144: {  	v8 =	vld [tilespmem:s15+$0x19D0];
	_ =	sdelay $0x2  }
0x145: {  	v6 =	vmul.f32 v6, v3  }
0x146: {  	v7 =	vmul.f32 v7, v5;
	_ =	sdelay $0x1  }
0x147: {  	v6 =	vadd.f32 v7, v6;
	v7 =	vmul.f32 v8, v4;
	_ =	sdelay $0x1  }
0x148: {  	v6 =	vadd.f32 v7, v6;
	_ =	sdelay $0x1  }
0x149: {  	[tilespmem:s16+$0xD9D0] =	vst v6  }
0x14a: {  	v6 =	vld [tilespmem:s13+$0x19E0]  }
0x14b: {  	v7 =	vld [tilespmem:s14+$0x19E0]  }
0x14c: {  	v8 =	vld [tilespmem:s15+$0x19E0];
	_ =	sdelay $0x2  }
0x14d: {  	v6 =	vmul.f32 v6, v3  }
0x14e: {  	v7 =	vmul.f32 v7, v5;
	_ =	sdelay $0x1  }
0x14f: {  	v6 =	vadd.f32 v7, v6;
	v7 =	vmul.f32 v8, v4;
	_ =	sdelay $0x1  }
0x150: {  	v6 =	vadd.f32 v7, v6;
	_ =	sdelay $0x1  }
0x151: {  	[tilespmem:s16+$0xD9E0] =	vst v6  }
0x152: {  	v6 =	vld [tilespmem:s13+$0x19F0]  }
0x153: {  	v7 =	vld [tilespmem:s14+$0x19F0]  }
0x154: {  	v8 =	vld [tilespmem:s15+$0x19F0];
	_ =	sdelay $0x2  }
0x155: {  	v6 =	vmul.f32 v6, v3  }
0x156: {  	v7 =	vmul.f32 v7, v5;
	_ =	sdelay $0x1  }
0x157: {  	v6 =	vadd.f32 v7, v6;
	v7 =	vmul.f32 v8, v4;
	_ =	sdelay $0x1  }
0x158: {  	v6 =	vadd.f32 v7, v6;
	_ =	sdelay $0x1  }
0x159: {  	[tilespmem:s16+$0xD9F0] =	vst v6  }
0x15a: {  	v6 =	vld [tilespmem:s13+$0x1D80]  }
0x15b: {  	v7 =	vld [tilespmem:s14+$0x1D80]  }
0x15c: {  	v8 =	vld [tilespmem:s15+$0x1D80];
	_ =	sdelay $0x2  }
0x15d: {  	v6 =	vmul.f32 v6, v3  }
0x15e: {  	v7 =	vmul.f32 v7, v5;
	_ =	sdelay $0x1  }
0x15f: {  	v6 =	vadd.f32 v7, v6;
	v7 =	vmul.f32 v8, v4;
	_ =	sdelay $0x1  }
0x160: {  	v6 =	vadd.f32 v7, v6;
	_ =	sdelay $0x1  }
0x161: {  	[tilespmem:s16+$0xDD80] =	vst v6  }
0x162: {  	v6 =	vld [tilespmem:s13+$0x1D90]  }
0x163: {  	v7 =	vld [tilespmem:s14+$0x1D90]  }
0x164: {  	v8 =	vld [tilespmem:s15+$0x1D90];
	_ =	sdelay $0x2  }
0x165: {  	v6 =	vmul.f32 v6, v3  }
0x166: {  	v7 =	vmul.f32 v7, v5;
	_ =	sdelay $0x1  }
0x167: {  	v6 =	vadd.f32 v7, v6;
	v7 =	vmul.f32 v8, v4;
	_ =	sdelay $0x1  }
0x168: {  	v6 =	vadd.f32 v7, v6;
	_ =	sdelay $0x1  }
0x169: {  	[tilespmem:s16+$0xDD90] =	vst v6  }
0x16a: {  	v6 =	vld [tilespmem:s13+$0x1DA0]  }
0x16b: {  	v7 =	vld [tilespmem:s14+$0x1DA0]  }
0x16c: {  	v8 =	vld [tilespmem:s15+$0x1DA0];
	_ =	sdelay $0x2  }
0x16d: {  	v6 =	vmul.f32 v6, v3  }
0x16e: {  	v7 =	vmul.f32 v7, v5;
	_ =	sdelay $0x1  }
0x16f: {  	v6 =	vadd.f32 v7, v6;
	v7 =	vmul.f32 v8, v4;
	_ =	sdelay $0x1  }
0x170: {  	v6 =	vadd.f32 v7, v6;
	_ =	sdelay $0x1  }
0x171: {  	[tilespmem:s16+$0xDDA0] =	vst v6  }
0x172: {  	v6 =	vld [tilespmem:s13+$0x1DB0]  }
0x173: {  	v7 =	vld [tilespmem:s14+$0x1DB0]  }
0x174: {  	v8 =	vld [tilespmem:s15+$0x1DB0];
	_ =	sdelay $0x2  }
0x175: {  	v6 =	vmul.f32 v6, v3  }
0x176: {  	v7 =	vmul.f32 v7, v5;
	_ =	sdelay $0x1  }
0x177: {  	v6 =	vadd.f32 v7, v6;
	v7 =	vmul.f32 v8, v4;
	_ =	sdelay $0x1  }
0x178: {  	v6 =	vadd.f32 v7, v6;
	_ =	sdelay $0x1  }
0x179: {  	[tilespmem:s16+$0xDDB0] =	vst v6  }
.Ltmp0:
0x17a: {  	v7 =	vld [tilespmem:s13+$0x1DC0];
	(pc) =	sbr.rel @p0 .LBB2_2-.Ltmp0, $3  }
0x17b: {  	v8 =	vld [tilespmem:s14+$0x1DC0]  }
0x17c: {  	v6 =	vld [tilespmem:s15+$0x1DC0];
	_ =	sdelay $0x1  }
0x17d: {  	s18 =	sadd.s32 $0x30, s18  }
0x17e: {  	_ = 	snop  }
0x17f: {  	v7 =	vmul.f32 v7, v3;
	v8 =	vmul.f32 v8, v5;
	_ =	sdelay $0x1  }
0x180: {  	v6 =	vmul.f32 v6, v4;
	v7 =	vadd.f32 v8, v7;
	_ =	sdelay $0x1  }
0x181: {  	v6 =	vadd.f32 v6, v7;
	_ =	sdelay $0x1  }
0x182: {  	[tilespmem:s16+$0xDDC0] =	vst v6  }
0x183: {  	v6 =	vld [tilespmem:s13+$0x1DD0]  }
0x184: {  	v7 =	vld [tilespmem:s14+$0x1DD0];
	_ =	sdelay $0x1  }
0x185: {  	v8 =	vld [tilespmem:s15+$0x1DD0];
	_ =	sdelay $0x2  }
0x186: {  	v6 =	vmul.f32 v6, v3;
	v7 =	vmul.f32 v7, v5;
	_ =	sdelay $0x1  }
0x187: {  	v6 =	vadd.f32 v7, v6;
	v7 =	vmul.f32 v8, v4;
	_ =	sdelay $0x1  }
0x188: {  	v6 =	vadd.f32 v7, v6;
	_ =	sdelay $0x1  }
0x189: {  	[tilespmem:s16+$0xDDD0] =	vst v6  }
0x18a: {  	v6 =	vld [tilespmem:s13+$0x1DE0]  }
0x18b: {  	v7 =	vld [tilespmem:s14+$0x1DE0];
	_ =	sdelay $0x1  }
0x18c: {  	v8 =	vld [tilespmem:s15+$0x1DE0];
	_ =	sdelay $0x2  }
0x18d: {  	v6 =	vmul.f32 v6, v3;
	v7 =	vmul.f32 v7, v5;
	_ =	sdelay $0x1  }
0x18e: {  	v6 =	vadd.f32 v7, v6;
	v7 =	vmul.f32 v8, v4;
	_ =	sdelay $0x1  }
0x18f: {  	v6 =	vadd.f32 v7, v6;
	_ =	sdelay $0x1  }
0x190: {  	[tilespmem:s16+$0xDDE0] =	vst v6  }
0x191: {  	v6 =	vld [tilespmem:s13+$0x1DF0]  }
0x192: {  	v7 =	vld [tilespmem:s14+$0x1DF0];
	_ =	sdelay $0x1  }
0x193: {  	v8 =	vld [tilespmem:s15+$0x1DF0];
	_ =	sdelay $0x2  }
0x194: {  	v3 =	vmul.f32 v6, v3;
	v5 =	vmul.f32 v7, v5;
	_ =	sdelay $0x1  }
0x195: {  	v4 =	vmul.f32 v8, v4;
	v3 =	vadd.f32 v5, v3;
	_ =	sdelay $0x1  }
0x196: {  	v3 =	vadd.f32 v4, v3;
	_ =	sdelay $0x1  }
0x197: {  	[tilespmem:s16+$0xDDF0] =	vst v3  }
0x198: {  	v3 =	vld [tilespmem:$0xC0];
	_ =	sdelay $0x4  }
0x199: {  	v4 =	vshll.u32 v3, $0x1  }
0x19a: {  	v3 =	vand.u32 $0x7, v3;
	v4 =	vand.u32 $0xFFFFFFF0, v4  }
0x19b: {  	v3 =	vor.u32 v3, v4  }
0x19c: {  	v4 =	vperm.xlane v3, v0;
	_ =	sdelay $0x1  }
0x19d: {  	v3 =	vperm.xlane v3, v2;
	v4 =	vadd.s32 v1, v4;
	_ =	sdelay $0x1  }
0x19e: {  	v3 =	vadd.s32 v1, v3;
	_ =	sdelay $0x1  }
0x19f: {  	s21 =	simm.s32 $0x1980;
	s13 =	simm.s32 $0x0  }
0x1a0: {  	[tilespmem:s21], [sflag:$0x1] =	stream.indirect_vreg.gather [hbm4b:s1+s13], $0x80, v4, vm0, $0xb8;
	[tilespmem:$0x15980] =	vst v63  }
0x1a1: {  	s22 =	simm.s32 $0x2180  }
0x1a2: {  	[tilespmem:s22], [sflag:$0x1] =	stream.indirect_vreg.gather [hbm4b:s1+s13], $0x80, v3, vm0, $0xb8;
	[tilespmem:$0x15980] =	vst v63  }
0x1a3: {  	v3 =	vld [tilespmem:$0xD0];
	_ =	sdelay $0x4  }
0x1a4: {  	v4 =	vshll.u32 v3, $0x1  }
0x1a5: {  	v3 =	vand.u32 $0x7, v3;
	v4 =	vand.u32 $0xFFFFFFF0, v4  }
0x1a6: {  	v3 =	vor.u32 v3, v4  }
0x1a7: {  	v4 =	vperm.xlane v3, v0;
	_ =	sdelay $0x1  }
0x1a8: {  	v3 =	vperm.xlane v3, v2;
	v4 =	vadd.s32 v1, v4;
	_ =	sdelay $0x1  }
0x1a9: {  	v3 =	vadd.s32 v1, v3;
	_ =	sdelay $0x1  }
0x1aa: {  	s23 =	simm.s32 $0x2980  }
0x1ab: {  	[tilespmem:s23], [sflag:$0x1] =	stream.indirect_vreg.gather [hbm4b:s1+s13], $0x80, v4, vm0, $0xb8;
	[tilespmem:$0x15980] =	vst v63  }
0x1ac: {  	s24 =	simm.s32 $0x3180  }
0x1ad: {  	[tilespmem:s24], [sflag:$0x1] =	stream.indirect_vreg.gather [hbm4b:s1+s13], $0x80, v3, vm0, $0xb8;
	[tilespmem:$0x15980] =	vst v63  }
0x1ae: {  	v3 =	vld [tilespmem:$0xE0];
	_ =	sdelay $0x4  }
0x1af: {  	v4 =	vshll.u32 v3, $0x1  }
0x1b0: {  	v3 =	vand.u32 $0x7, v3;
	v4 =	vand.u32 $0xFFFFFFF0, v4  }
0x1b1: {  	v3 =	vor.u32 v3, v4  }
0x1b2: {  	v4 =	vperm.xlane v3, v0;
	_ =	sdelay $0x1  }
0x1b3: {  	v3 =	vperm.xlane v3, v2;
	v4 =	vadd.s32 v1, v4;
	_ =	sdelay $0x1  }
0x1b4: {  	v3 =	vadd.s32 v1, v3;
	_ =	sdelay $0x1  }
0x1b5: {  	s25 =	simm.s32 $0x3980  }
0x1b6: {  	[tilespmem:s25], [sflag:$0x1] =	stream.indirect_vreg.gather [hbm4b:s1+s13], $0x80, v4, vm0, $0xb8;
	[tilespmem:$0x15980] =	vst v63  }
0x1b7: {  	s26 =	simm.s32 $0x4180  }
0x1b8: {  	[tilespmem:s26], [sflag:$0x1] =	stream.indirect_vreg.gather [hbm4b:s1+s13], $0x80, v3, vm0, $0xb8;
	[tilespmem:$0x15980] =	vst v63  }
0x1b9: {  	v3 =	vld [tilespmem:$0xF0];
	_ =	sdelay $0x4  }
0x1ba: {  	v4 =	vshll.u32 v3, $0x1  }
0x1bb: {  	v3 =	vand.u32 $0x7, v3;
	v4 =	vand.u32 $0xFFFFFFF0, v4  }
0x1bc: {  	v3 =	vor.u32 v3, v4  }
0x1bd: {  	v4 =	vperm.xlane v3, v0;
	_ =	sdelay $0x1  }
0x1be: {  	v3 =	vperm.xlane v3, v2;
	v4 =	vadd.s32 v1, v4;
	_ =	sdelay $0x1  }
0x1bf: {  	v3 =	vadd.s32 v1, v3;
	_ =	sdelay $0x1  }
0x1c0: {  	s15 =	simm.s32 $0x4980  }
0x1c1: {  	[tilespmem:s15], [sflag:$0x1] =	stream.indirect_vreg.gather [hbm4b:s1+s13], $0x80, v4, vm0, $0xb8;
	[tilespmem:$0x15980] =	vst v63  }
0x1c2: {  	s16 =	simm.s32 $0x5180  }
0x1c3: {  	[tilespmem:s16], [sflag:$0x1] =	stream.indirect_vreg.gather [hbm4b:s1+s13], $0x80, v3, vm0, $0xb8;
	[tilespmem:$0x15980] =	vst v63  }
0x1c4: {  	v3 =	vld [tilespmem:$0x100];
	_ =	sdelay $0x4  }
0x1c5: {  	v4 =	vshll.u32 v3, $0x1  }
0x1c6: {  	v3 =	vand.u32 $0x7, v3;
	v4 =	vand.u32 $0xFFFFFFF0, v4  }
0x1c7: {  	v3 =	vor.u32 v3, v4  }
0x1c8: {  	v4 =	vperm.xlane v3, v0;
	_ =	sdelay $0x1  }
0x1c9: {  	v3 =	vperm.xlane v3, v2;
	v4 =	vadd.s32 v1, v4;
	_ =	sdelay $0x1  }
0x1ca: {  	v3 =	vadd.s32 v1, v3;
	_ =	sdelay $0x1  }
0x1cb: {  	s17 =	simm.s32 $0x5980  }
0x1cc: {  	[tilespmem:s17], [sflag:$0x1] =	stream.indirect_vreg.gather [hbm4b:s1+s13], $0x80, v4, vm0, $0xb8;
	[tilespmem:$0x15980] =	vst v63  }
0x1cd: {  	s18 =	simm.s32 $0x6180  }
0x1ce: {  	[tilespmem:s18], [sflag:$0x1] =	stream.indirect_vreg.gather [hbm4b:s1+s13], $0x80, v3, vm0, $0xb8;
	[tilespmem:$0x15980] =	vst v63  }
0x1cf: {  	v3 =	vld [tilespmem:$0x110];
	_ =	sdelay $0x4  }
0x1d0: {  	v4 =	vshll.u32 v3, $0x1  }
0x1d1: {  	v3 =	vand.u32 $0x7, v3;
	v4 =	vand.u32 $0xFFFFFFF0, v4  }
0x1d2: {  	v3 =	vor.u32 v3, v4  }
0x1d3: {  	v4 =	vperm.xlane v3, v0;
	_ =	sdelay $0x1  }
0x1d4: {  	v3 =	vperm.xlane v3, v2;
	v4 =	vadd.s32 v1, v4;
	_ =	sdelay $0x1  }
0x1d5: {  	v3 =	vadd.s32 v1, v3;
	_ =	sdelay $0x1  }
0x1d6: {  	s19 =	simm.s32 $0x6980  }
0x1d7: {  	[tilespmem:s19], [sflag:$0x1] =	stream.indirect_vreg.gather [hbm4b:s1+s13], $0x80, v4, vm0, $0xb8;
	[tilespmem:$0x15980] =	vst v63  }
0x1d8: {  	s20 =	simm.s32 $0x7180  }
0x1d9: {  	[tilespmem:s20], [sflag:$0x1] =	stream.indirect_vreg.gather [hbm4b:s1+s13], $0x80, v3, vm0, $0xb8;
	[tilespmem:$0x15980] =	vst v63  }
0x1da: {  	s21 =	sand.u32 $0x7800, s13;
	s22 =	sand.u32 $0x380, s13;
	_ =	swait.ge [sflag:s11], $0x6000  }
0x1db: {  	s14 =	sor.u32 s22, s21;
	[sflag:s11] =	ssyncset.done $0x0  }
0x1dc: {  	s23 =	simm.s32 $0x100;
	s24 =	simm.s32 $0x80;
	[sflag:s11] =	ssyncadd.s32 $0xFFFFA000  }
0x1dd: {  	s15 =	sand.u32 $0xF800, s23;
	s16 =	sand.u32 $0x380, s24;
	s17 =	simm.s32 $0x7A0;
	v6 =	vld [tilespmem:s14+$0x7980]  }
0x1de: {  	s15 =	sor.u32 s16, s15;
	v3 =	vld [tilespmem:s17+$0xFFFFFFE0]  }
0x1df: {  	s25 =	simm.s32 $0x100;
	s18 =	simm.s32 $0x200;
	v7 =	vld [tilespmem:s15+$0x7980]  }
0x1e0: {  	s16 =	sand.u32 $0x380, s25;
	s18 =	sand.u32 $0xF800, s18;
	v5 =	vld [tilespmem:s17+$0xFFFFFFF0]  }
0x1e1: {  	s16 =	sor.u32 s16, s18;
	v4 =	vld [tilespmem:s17+$0x0]  }
0x1e2: {  	v8 =	vld [tilespmem:s16+$0x7980];
	_ =	sdelay $0x2  }
0x1e3: {  	v6 =	vmul.f32 v6, v3;
	v7 =	vmul.f32 v7, v5;
	_ =	sdelay $0x1  }
0x1e4: {  	v6 =	vadd.f32 v7, v6;
	v7 =	vmul.f32 v8, v4  }
0x1e5: {  	s18 =	simm.s32 $0x2000  }
0x1e6: {  	s26 =	sand.u32 $0x3800, s18;
	s19 =	sand.u32 $0x380, s13;
	v6 =	vadd.f32 v7, v6  }
0x1e7: {  	s17 =	sor.u32 s19, s26  }
0x1e8: {  	[tilespmem:s17+$0xD980] =	vst v6  }
0x1e9: {  	v6 =	vld [tilespmem:s14+$0x7990]  }
0x1ea: {  	v7 =	vld [tilespmem:s15+$0x7990];
	_ =	sdelay $0x1  }
0x1eb: {  	v8 =	vld [tilespmem:s16+$0x7990];
	_ =	sdelay $0x2  }
0x1ec: {  	v6 =	vmul.f32 v6, v3;
	v7 =	vmul.f32 v7, v5;
	_ =	sdelay $0x1  }
0x1ed: {  	v6 =	vadd.f32 v7, v6;
	v7 =	vmul.f32 v8, v4;
	_ =	sdelay $0x1  }
0x1ee: {  	v6 =	vadd.f32 v7, v6;
	_ =	sdelay $0x1  }
0x1ef: {  	[tilespmem:s17+$0xD990] =	vst v6  }
0x1f0: {  	v6 =	vld [tilespmem:s14+$0x79A0]  }
0x1f1: {  	v7 =	vld [tilespmem:s15+$0x79A0];
	_ =	sdelay $0x1  }
0x1f2: {  	v8 =	vld [tilespmem:s16+$0x79A0];
	_ =	sdelay $0x2  }
0x1f3: {  	v6 =	vmul.f32 v6, v3;
	v7 =	vmul.f32 v7, v5;
	_ =	sdelay $0x1  }
0x1f4: {  	v6 =	vadd.f32 v7, v6;
	v7 =	vmul.f32 v8, v4;
	_ =	sdelay $0x1  }
0x1f5: {  	v6 =	vadd.f32 v7, v6;
	_ =	sdelay $0x1  }
0x1f6: {  	[tilespmem:s17+$0xD9A0] =	vst v6  }
0x1f7: {  	v6 =	vld [tilespmem:s14+$0x79B0]  }
0x1f8: {  	v7 =	vld [tilespmem:s15+$0x79B0];
	_ =	sdelay $0x1  }
0x1f9: {  	v8 =	vld [tilespmem:s16+$0x79B0];
	_ =	sdelay $0x2  }
0x1fa: {  	v6 =	vmul.f32 v6, v3;
	v7 =	vmul.f32 v7, v5;
	_ =	sdelay $0x1  }
0x1fb: {  	v6 =	vadd.f32 v7, v6;
	v7 =	vmul.f32 v8, v4;
	_ =	sdelay $0x1  }
0x1fc: {  	v6 =	vadd.f32 v7, v6;
	_ =	sdelay $0x1  }
0x1fd: {  	[tilespmem:s17+$0xD9B0] =	vst v6  }
0x1fe: {  	v6 =	vld [tilespmem:s14+$0x79C0]  }
0x1ff: {  	v7 =	vld [tilespmem:s15+$0x79C0];
	_ =	sdelay $0x1  }
0x200: {  	v8 =	vld [tilespmem:s16+$0x79C0];
	_ =	sdelay $0x2  }
0x201: {  	v6 =	vmul.f32 v6, v3;
	v7 =	vmul.f32 v7, v5;
	_ =	sdelay $0x1  }
0x202: {  	v6 =	vadd.f32 v7, v6;
	v7 =	vmul.f32 v8, v4;
	_ =	sdelay $0x1  }
0x203: {  	v6 =	vadd.f32 v7, v6;
	_ =	sdelay $0x1  }
0x204: {  	[tilespmem:s17+$0xD9C0] =	vst v6  }
0x205: {  	v6 =	vld [tilespmem:s14+$0x79D0]  }
0x206: {  	v7 =	vld [tilespmem:s15+$0x79D0];
	_ =	sdelay $0x1  }
0x207: {  	v8 =	vld [tilespmem:s16+$0x79D0];
	_ =	sdelay $0x2  }
0x208: {  	v6 =	vmul.f32 v6, v3;
	v7 =	vmul.f32 v7, v5;
	_ =	sdelay $0x1  }
0x209: {  	v6 =	vadd.f32 v7, v6;
	v7 =	vmul.f32 v8, v4;
	_ =	sdelay $0x1  }
0x20a: {  	v6 =	vadd.f32 v7, v6;
	_ =	sdelay $0x1  }
0x20b: {  	[tilespmem:s17+$0xD9D0] =	vst v6  }
0x20c: {  	v6 =	vld [tilespmem:s14+$0x79E0]  }
0x20d: {  	v7 =	vld [tilespmem:s15+$0x79E0];
	_ =	sdelay $0x1  }
0x20e: {  	v8 =	vld [tilespmem:s16+$0x79E0];
	_ =	sdelay $0x2  }
0x20f: {  	v6 =	vmul.f32 v6, v3;
	v7 =	vmul.f32 v7, v5;
	_ =	sdelay $0x1  }
0x210: {  	v6 =	vadd.f32 v7, v6;
	v7 =	vmul.f32 v8, v4;
	_ =	sdelay $0x1  }
0x211: {  	v6 =	vadd.f32 v7, v6;
	_ =	sdelay $0x1  }
0x212: {  	[tilespmem:s17+$0xD9E0] =	vst v6  }
0x213: {  	v6 =	vld [tilespmem:s14+$0x79F0]  }
0x214: {  	v7 =	vld [tilespmem:s15+$0x79F0];
	_ =	sdelay $0x1  }
0x215: {  	v8 =	vld [tilespmem:s16+$0x79F0];
	_ =	sdelay $0x2  }
0x216: {  	v6 =	vmul.f32 v6, v3;
	v7 =	vmul.f32 v7, v5;
	_ =	sdelay $0x1  }
0x217: {  	v6 =	vadd.f32 v7, v6;
	v7 =	vmul.f32 v8, v4;
	_ =	sdelay $0x1  }
0x218: {  	v6 =	vadd.f32 v7, v6;
	_ =	sdelay $0x1  }
0x219: {  	[tilespmem:s17+$0xD9F0] =	vst v6  }
0x21a: {  	v6 =	vld [tilespmem:s14+$0x7D80]  }
0x21b: {  	v7 =	vld [tilespmem:s15+$0x7D80];
	_ =	sdelay $0x1  }
0x21c: {  	v8 =	vld [tilespmem:s16+$0x7D80];
	_ =	sdelay $0x2  }
0x21d: {  	v6 =	vmul.f32 v6, v3;
	v7 =	vmul.f32 v7, v5;
	_ =	sdelay $0x1  }
0x21e: {  	v6 =	vadd.f32 v7, v6;
	v7 =	vmul.f32 v8, v4;
	_ =	sdelay $0x1  }
0x21f: {  	v6 =	vadd.f32 v7, v6;
	_ =	sdelay $0x1  }
0x220: {  	[tilespmem:s17+$0xDD80] =	vst v6  }
0x221: {  	v6 =	vld [tilespmem:s14+$0x7D90]  }
0x222: {  	v7 =	vld [tilespmem:s15+$0x7D90];
	_ =	sdelay $0x1  }
0x223: {  	v8 =	vld [tilespmem:s16+$0x7D90];
	_ =	sdelay $0x2  }
0x224: {  	v6 =	vmul.f32 v6, v3;
	v7 =	vmul.f32 v7, v5;
	_ =	sdelay $0x1  }
0x225: {  	v6 =	vadd.f32 v7, v6;
	v7 =	vmul.f32 v8, v4;
	_ =	sdelay $0x1  }
0x226: {  	v6 =	vadd.f32 v7, v6;
	_ =	sdelay $0x1  }
0x227: {  	[tilespmem:s17+$0xDD90] =	vst v6  }
0x228: {  	v6 =	vld [tilespmem:s14+$0x7DA0]  }
0x229: {  	v7 =	vld [tilespmem:s15+$0x7DA0];
	_ =	sdelay $0x1  }
0x22a: {  	v8 =	vld [tilespmem:s16+$0x7DA0];
	_ =	sdelay $0x2  }
0x22b: {  	v6 =	vmul.f32 v6, v3;
	v7 =	vmul.f32 v7, v5;
	_ =	sdelay $0x1  }
0x22c: {  	v6 =	vadd.f32 v7, v6;
	v7 =	vmul.f32 v8, v4;
	_ =	sdelay $0x1  }
0x22d: {  	v6 =	vadd.f32 v7, v6;
	_ =	sdelay $0x1  }
0x22e: {  	[tilespmem:s17+$0xDDA0] =	vst v6  }
0x22f: {  	v6 =	vld [tilespmem:s14+$0x7DB0]  }
0x230: {  	v7 =	vld [tilespmem:s15+$0x7DB0];
	_ =	sdelay $0x1  }
0x231: {  	v8 =	vld [tilespmem:s16+$0x7DB0];
	_ =	sdelay $0x2  }
0x232: {  	v6 =	vmul.f32 v6, v3;
	v7 =	vmul.f32 v7, v5;
	_ =	sdelay $0x1  }
0x233: {  	v6 =	vadd.f32 v7, v6;
	v7 =	vmul.f32 v8, v4;
	_ =	sdelay $0x1  }
0x234: {  	v6 =	vadd.f32 v7, v6;
	_ =	sdelay $0x1  }
0x235: {  	[tilespmem:s17+$0xDDB0] =	vst v6  }
0x236: {  	v7 =	vld [tilespmem:s14+$0x7DC0]  }
0x237: {  	v8 =	vld [tilespmem:s15+$0x7DC0];
	_ =	sdelay $0x1  }
0x238: {  	v6 =	vld [tilespmem:s16+$0x7DC0]  }
0x239: {  	s21 =	simm.s32 $0x0;
	s20 =	simm.s32 $0x7D0;
	s19 =	simm.s32 $0x180  }
.LBB2_4:
0x23a: {  	s13 =	sadd.s32 $0x80, s13;
	s21 =	sadd.s32 $0x300, s21;
	s18 =	sadd.s32 $0x100, s18  }
0x23b: {  	p0 =	sne.s32 s19, $0x2E80;
	v7 =	vmul.f32 v7, v3;
	s22 =	smov.u32 s19;
	s19 =	sadd.s32 $0x180, s19;
	v8 =	vmul.f32 v8, v5  }
0x23c: {  	_ = 	snop  }
0x23d: {  	v6 =	vmul.f32 v6, v4;
	v7 =	vadd.f32 v8, v7;
	_ =	sdelay $0x1  }
0x23e: {  	v6 =	vadd.f32 v6, v7;
	_ =	sdelay $0x1  }
0x23f: {  	[tilespmem:s17+$0xDDC0] =	vst v6  }
0x240: {  	v6 =	vld [tilespmem:s14+$0x7DD0]  }
0x241: {  	v7 =	vld [tilespmem:s15+$0x7DD0]  }
0x242: {  	v8 =	vld [tilespmem:s16+$0x7DD0];
	_ =	sdelay $0x2  }
0x243: {  	v6 =	vmul.f32 v6, v3  }
0x244: {  	v7 =	vmul.f32 v7, v5  }
0x245: {  	s23 =	sand.u32 $0x7800, s21;
	s24 =	sand.u32 $0x380, s22;
	s25 =	sadd.s32 $0x100, s22  }
0x246: {  	s22 =	sadd.s32 $0x80, s22;
	s23 =	sor.u32 s24, s23;
	s24 =	sadd.s32 $0x100, s21;
	v6 =	vadd.f32 v7, v6;
	v7 =	vmul.f32 v8, v4  }
0x247: {  	s26 =	sadd.s32 $0x200, s21;
	s22 =	sand.u32 $0x380, s22;
	s24 =	sand.u32 $0xF800, s24  }
0x248: {  	s25 =	sand.u32 $0x380, s25;
	s22 =	sor.u32 s22, s24;
	s24 =	sand.u32 $0xF800, s26;
	v6 =	vadd.f32 v7, v6  }
0x249: {  	s24 =	sor.u32 s25, s24  }
0x24a: {  	[tilespmem:s17+$0xDDD0] =	vst v6  }
0x24b: {  	v6 =	vld [tilespmem:s14+$0x7DE0]  }
0x24c: {  	v7 =	vld [tilespmem:s15+$0x7DE0]  }
0x24d: {  	v8 =	vld [tilespmem:s16+$0x7DE0];
	_ =	sdelay $0x2  }
0x24e: {  	v6 =	vmul.f32 v6, v3  }
0x24f: {  	v7 =	vmul.f32 v7, v5;
	_ =	sdelay $0x1  }
0x250: {  	v6 =	vadd.f32 v7, v6;
	v7 =	vmul.f32 v8, v4;
	_ =	sdelay $0x1  }
0x251: {  	v6 =	vadd.f32 v7, v6;
	_ =	sdelay $0x1  }
0x252: {  	[tilespmem:s17+$0xDDE0] =	vst v6  }
0x253: {  	v6 =	vld [tilespmem:s14+$0x7DF0];
	s14 =	smov.u32 s23  }
0x254: {  	v7 =	vld [tilespmem:s15+$0x7DF0];
	s15 =	smov.u32 s22  }
0x255: {  	v8 =	vld [tilespmem:s16+$0x7DF0];
	s16 =	smov.u32 s24;
	_ =	sdelay $0x2  }
0x256: {  	v3 =	vmul.f32 v6, v3  }
0x257: {  	v5 =	vmul.f32 v7, v5;
	_ =	sdelay $0x1  }
0x258: {  	v4 =	vmul.f32 v8, v4;
	v3 =	vadd.f32 v5, v3;
	_ =	sdelay $0x1  }
0x259: {  	v3 =	vadd.f32 v4, v3;
	_ =	sdelay $0x1  }
0x25a: {  	[tilespmem:s17+$0xDDF0] =	vst v3  }
0x25b: {  	v6 =	vld [tilespmem:s14+$0x7980]  }
0x25c: {  	v3 =	vld [tilespmem:s20+$0xFFFFFFE0]  }
0x25d: {  	v7 =	vld [tilespmem:s15+$0x7980]  }
0x25e: {  	v5 =	vld [tilespmem:s20+$0xFFFFFFF0]  }
0x25f: {  	v4 =	vld [tilespmem:s20+$0x0]  }
0x260: {  	v8 =	vld [tilespmem:s16+$0x7980];
	_ =	sdelay $0x1  }
0x261: {  	v6 =	vmul.f32 v6, v3  }
0x262: {  	v7 =	vmul.f32 v7, v5;
	_ =	sdelay $0x1  }
0x263: {  	v6 =	vadd.f32 v7, v6;
	v7 =	vmul.f32 v8, v4;
	_ =	sdelay $0x1  }
0x264: {  	s22 =	sand.u32 $0x380, s13;
	s17 =	sand.u32 $0x3800, s18;
	v6 =	vadd.f32 v7, v6  }
0x265: {  	s17 =	sor.u32 s22, s17  }
0x266: {  	[tilespmem:s17+$0xD980] =	vst v6  }
0x267: {  	v6 =	vld [tilespmem:s14+$0x7990]  }
0x268: {  	v7 =	vld [tilespmem:s15+$0x7990];
	_ =	sdelay $0x1  }
0x269: {  	v8 =	vld [tilespmem:s16+$0x7990];
	_ =	sdelay $0x1  }
0x26a: {  	v6 =	vmul.f32 v6, v3  }
0x26b: {  	v7 =	vmul.f32 v7, v5;
	_ =	sdelay $0x1  }
0x26c: {  	v6 =	vadd.f32 v7, v6;
	v7 =	vmul.f32 v8, v4;
	_ =	sdelay $0x1  }
0x26d: {  	v6 =	vadd.f32 v7, v6;
	_ =	sdelay $0x1  }
0x26e: {  	[tilespmem:s17+$0xD990] =	vst v6  }
0x26f: {  	v6 =	vld [tilespmem:s14+$0x79A0]  }
0x270: {  	v7 =	vld [tilespmem:s15+$0x79A0];
	_ =	sdelay $0x1  }
0x271: {  	v8 =	vld [tilespmem:s16+$0x79A0];
	_ =	sdelay $0x1  }
0x272: {  	v6 =	vmul.f32 v6, v3  }
0x273: {  	v7 =	vmul.f32 v7, v5;
	_ =	sdelay $0x1  }
0x274: {  	v6 =	vadd.f32 v7, v6;
	v7 =	vmul.f32 v8, v4;
	_ =	sdelay $0x1  }
0x275: {  	v6 =	vadd.f32 v7, v6;
	_ =	sdelay $0x1  }
0x276: {  	[tilespmem:s17+$0xD9A0] =	vst v6  }
0x277: {  	v6 =	vld [tilespmem:s14+$0x79B0]  }
0x278: {  	v7 =	vld [tilespmem:s15+$0x79B0]  }
0x279: {  	v8 =	vld [tilespmem:s16+$0x79B0];
	_ =	sdelay $0x2  }
0x27a: {  	v6 =	vmul.f32 v6, v3  }
0x27b: {  	v7 =	vmul.f32 v7, v5;
	_ =	sdelay $0x1  }
0x27c: {  	v6 =	vadd.f32 v7, v6;
	v7 =	vmul.f32 v8, v4;
	_ =	sdelay $0x1  }
0x27d: {  	v6 =	vadd.f32 v7, v6;
	_ =	sdelay $0x1  }
0x27e: {  	[tilespmem:s17+$0xD9B0] =	vst v6  }
0x27f: {  	v6 =	vld [tilespmem:s14+$0x79C0]  }
0x280: {  	v7 =	vld [tilespmem:s15+$0x79C0]  }
0x281: {  	v8 =	vld [tilespmem:s16+$0x79C0];
	_ =	sdelay $0x2  }
0x282: {  	v6 =	vmul.f32 v6, v3  }
0x283: {  	v7 =	vmul.f32 v7, v5;
	_ =	sdelay $0x1  }
0x284: {  	v6 =	vadd.f32 v7, v6;
	v7 =	vmul.f32 v8, v4;
	_ =	sdelay $0x1  }
0x285: {  	v6 =	vadd.f32 v7, v6;
	_ =	sdelay $0x1  }
0x286: {  	[tilespmem:s17+$0xD9C0] =	vst v6  }
0x287: {  	v6 =	vld [tilespmem:s14+$0x79D0]  }
0x288: {  	v7 =	vld [tilespmem:s15+$0x79D0]  }
0x289: {  	v8 =	vld [tilespmem:s16+$0x79D0];
	_ =	sdelay $0x2  }
0x28a: {  	v6 =	vmul.f32 v6, v3  }
0x28b: {  	v7 =	vmul.f32 v7, v5;
	_ =	sdelay $0x1  }
0x28c: {  	v6 =	vadd.f32 v7, v6;
	v7 =	vmul.f32 v8, v4;
	_ =	sdelay $0x1  }
0x28d: {  	v6 =	vadd.f32 v7, v6;
	_ =	sdelay $0x1  }
0x28e: {  	[tilespmem:s17+$0xD9D0] =	vst v6  }
0x28f: {  	v6 =	vld [tilespmem:s14+$0x79E0]  }
0x290: {  	v7 =	vld [tilespmem:s15+$0x79E0]  }
0x291: {  	v8 =	vld [tilespmem:s16+$0x79E0];
	_ =	sdelay $0x2  }
0x292: {  	v6 =	vmul.f32 v6, v3  }
0x293: {  	v7 =	vmul.f32 v7, v5;
	_ =	sdelay $0x1  }
0x294: {  	v6 =	vadd.f32 v7, v6;
	v7 =	vmul.f32 v8, v4;
	_ =	sdelay $0x1  }
0x295: {  	v6 =	vadd.f32 v7, v6;
	_ =	sdelay $0x1  }
0x296: {  	[tilespmem:s17+$0xD9E0] =	vst v6  }
0x297: {  	v6 =	vld [tilespmem:s14+$0x79F0]  }
0x298: {  	v7 =	vld [tilespmem:s15+$0x79F0]  }
0x299: {  	v8 =	vld [tilespmem:s16+$0x79F0];
	_ =	sdelay $0x2  }
0x29a: {  	v6 =	vmul.f32 v6, v3  }
0x29b: {  	v7 =	vmul.f32 v7, v5;
	_ =	sdelay $0x1  }
0x29c: {  	v6 =	vadd.f32 v7, v6;
	v7 =	vmul.f32 v8, v4;
	_ =	sdelay $0x1  }
0x29d: {  	v6 =	vadd.f32 v7, v6;
	_ =	sdelay $0x1  }
0x29e: {  	[tilespmem:s17+$0xD9F0] =	vst v6  }
0x29f: {  	v6 =	vld [tilespmem:s14+$0x7D80]  }
0x2a0: {  	v7 =	vld [tilespmem:s15+$0x7D80]  }
0x2a1: {  	v8 =	vld [tilespmem:s16+$0x7D80];
	_ =	sdelay $0x2  }
0x2a2: {  	v6 =	vmul.f32 v6, v3  }
0x2a3: {  	v7 =	vmul.f32 v7, v5;
	_ =	sdelay $0x1  }
0x2a4: {  	v6 =	vadd.f32 v7, v6;
	v7 =	vmul.f32 v8, v4;
	_ =	sdelay $0x1  }
0x2a5: {  	v6 =	vadd.f32 v7, v6;
	_ =	sdelay $0x1  }
0x2a6: {  	[tilespmem:s17+$0xDD80] =	vst v6  }
0x2a7: {  	v6 =	vld [tilespmem:s14+$0x7D90]  }
0x2a8: {  	v7 =	vld [tilespmem:s15+$0x7D90]  }
0x2a9: {  	v8 =	vld [tilespmem:s16+$0x7D90];
	_ =	sdelay $0x2  }
0x2aa: {  	v6 =	vmul.f32 v6, v3  }
0x2ab: {  	v7 =	vmul.f32 v7, v5;
	_ =	sdelay $0x1  }
0x2ac: {  	v6 =	vadd.f32 v7, v6;
	v7 =	vmul.f32 v8, v4;
	_ =	sdelay $0x1  }
0x2ad: {  	v6 =	vadd.f32 v7, v6;
	_ =	sdelay $0x1  }
0x2ae: {  	[tilespmem:s17+$0xDD90] =	vst v6  }
0x2af: {  	v6 =	vld [tilespmem:s14+$0x7DA0]  }
0x2b0: {  	v7 =	vld [tilespmem:s15+$0x7DA0]  }
0x2b1: {  	v8 =	vld [tilespmem:s16+$0x7DA0];
	_ =	sdelay $0x2  }
0x2b2: {  	v6 =	vmul.f32 v6, v3  }
0x2b3: {  	v7 =	vmul.f32 v7, v5;
	_ =	sdelay $0x1  }
0x2b4: {  	v6 =	vadd.f32 v7, v6;
	v7 =	vmul.f32 v8, v4;
	_ =	sdelay $0x1  }
0x2b5: {  	v6 =	vadd.f32 v7, v6;
	_ =	sdelay $0x1  }
0x2b6: {  	[tilespmem:s17+$0xDDA0] =	vst v6  }
0x2b7: {  	v6 =	vld [tilespmem:s14+$0x7DB0]  }
0x2b8: {  	v7 =	vld [tilespmem:s15+$0x7DB0]  }
0x2b9: {  	v8 =	vld [tilespmem:s16+$0x7DB0];
	_ =	sdelay $0x2  }
0x2ba: {  	v6 =	vmul.f32 v6, v3  }
0x2bb: {  	v7 =	vmul.f32 v7, v5;
	_ =	sdelay $0x1  }
0x2bc: {  	v6 =	vadd.f32 v7, v6;
	v7 =	vmul.f32 v8, v4;
	_ =	sdelay $0x1  }
0x2bd: {  	v6 =	vadd.f32 v7, v6;
	_ =	sdelay $0x1  }
0x2be: {  	[tilespmem:s17+$0xDDB0] =	vst v6  }
.Ltmp1:
0x2bf: {  	v7 =	vld [tilespmem:s14+$0x7DC0];
	(pc) =	sbr.rel @p0 .LBB2_4-.Ltmp1, $3  }
0x2c0: {  	v8 =	vld [tilespmem:s15+$0x7DC0]  }
0x2c1: {  	v6 =	vld [tilespmem:s16+$0x7DC0];
	_ =	sdelay $0x1  }
0x2c2: {  	s20 =	sadd.s32 $0x30, s20  }
0x2c3: {  	_ = 	snop  }
0x2c4: {  	v7 =	vmul.f32 v7, v3;
	v8 =	vmul.f32 v8, v5;
	_ =	sdelay $0x1  }
0x2c5: {  	v6 =	vmul.f32 v6, v4;
	v7 =	vadd.f32 v8, v7;
	_ =	sdelay $0x1  }
0x2c6: {  	v6 =	vadd.f32 v6, v7;
	_ =	sdelay $0x1  }
0x2c7: {  	[tilespmem:s17+$0xDDC0] =	vst v6  }
0x2c8: {  	v6 =	vld [tilespmem:s14+$0x7DD0]  }
0x2c9: {  	v7 =	vld [tilespmem:s15+$0x7DD0];
	_ =	sdelay $0x1  }
0x2ca: {  	v8 =	vld [tilespmem:s16+$0x7DD0];
	_ =	sdelay $0x2  }
0x2cb: {  	v6 =	vmul.f32 v6, v3;
	v7 =	vmul.f32 v7, v5;
	_ =	sdelay $0x1  }
0x2cc: {  	v6 =	vadd.f32 v7, v6;
	v7 =	vmul.f32 v8, v4;
	_ =	sdelay $0x1  }
0x2cd: {  	v6 =	vadd.f32 v7, v6;
	_ =	sdelay $0x1  }
0x2ce: {  	[tilespmem:s17+$0xDDD0] =	vst v6  }
0x2cf: {  	v6 =	vld [tilespmem:s14+$0x7DE0]  }
0x2d0: {  	v7 =	vld [tilespmem:s15+$0x7DE0];
	_ =	sdelay $0x1  }
0x2d1: {  	v8 =	vld [tilespmem:s16+$0x7DE0];
	_ =	sdelay $0x2  }
0x2d2: {  	v6 =	vmul.f32 v6, v3;
	v7 =	vmul.f32 v7, v5;
	_ =	sdelay $0x1  }
0x2d3: {  	v6 =	vadd.f32 v7, v6;
	v7 =	vmul.f32 v8, v4;
	_ =	sdelay $0x1  }
0x2d4: {  	v6 =	vadd.f32 v7, v6;
	_ =	sdelay $0x1  }
0x2d5: {  	[tilespmem:s17+$0xDDE0] =	vst v6  }
0x2d6: {  	v6 =	vld [tilespmem:s14+$0x7DF0]  }
0x2d7: {  	v7 =	vld [tilespmem:s15+$0x7DF0];
	_ =	sdelay $0x1  }
0x2d8: {  	v8 =	vld [tilespmem:s16+$0x7DF0];
	_ =	sdelay $0x2  }
0x2d9: {  	v3 =	vmul.f32 v6, v3;
	v5 =	vmul.f32 v7, v5;
	_ =	sdelay $0x1  }
0x2da: {  	v4 =	vmul.f32 v8, v4;
	v3 =	vadd.f32 v5, v3;
	_ =	sdelay $0x1  }
0x2db: {  	v3 =	vadd.f32 v4, v3;
	_ =	sdelay $0x1  }
0x2dc: {  	[tilespmem:s17+$0xDDF0] =	vst v3  }
0x2dd: {  	v3 =	vld [tilespmem:$0x120];
	_ =	sdelay $0x4  }
0x2de: {  	v4 =	vshll.u32 v3, $0x1  }
0x2df: {  	v3 =	vand.u32 $0x7, v3;
	v4 =	vand.u32 $0xFFFFFFF0, v4  }
0x2e0: {  	v3 =	vor.u32 v3, v4  }
0x2e1: {  	v4 =	vperm.xlane v3, v0;
	_ =	sdelay $0x1  }
0x2e2: {  	v3 =	vperm.xlane v3, v2;
	v4 =	vadd.s32 v1, v4;
	_ =	sdelay $0x1  }
0x2e3: {  	v3 =	vadd.s32 v1, v3;
	_ =	sdelay $0x1  }
0x2e4: {  	s13 =	simm.s32 $0x0;
	s15 =	simm.s32 $0x7980  }
0x2e5: {  	[tilespmem:s15], [sflag:$0x2] =	stream.indirect_vreg.gather [hbm4b:s1+s13], $0x80, v4, vm0, $0xb8;
	[tilespmem:$0x15980] =	vst v63  }
0x2e6: {  	s16 =	simm.s32 $0x8180  }
0x2e7: {  	[tilespmem:s16], [sflag:$0x2] =	stream.indirect_vreg.gather [hbm4b:s1+s13], $0x80, v3, vm0, $0xb8;
	[tilespmem:$0x15980] =	vst v63  }
0x2e8: {  	v3 =	vld [tilespmem:$0x130];
	_ =	sdelay $0x4  }
0x2e9: {  	v4 =	vshll.u32 v3, $0x1  }
0x2ea: {  	v3 =	vand.u32 $0x7, v3;
	v4 =	vand.u32 $0xFFFFFFF0, v4  }
0x2eb: {  	v3 =	vor.u32 v3, v4  }
0x2ec: {  	v4 =	vperm.xlane v3, v0;
	_ =	sdelay $0x1  }
0x2ed: {  	v3 =	vperm.xlane v3, v2;
	v4 =	vadd.s32 v1, v4;
	_ =	sdelay $0x1  }
0x2ee: {  	v3 =	vadd.s32 v1, v3;
	_ =	sdelay $0x1  }
0x2ef: {  	s17 =	simm.s32 $0x8980  }
0x2f0: {  	[tilespmem:s17], [sflag:$0x2] =	stream.indirect_vreg.gather [hbm4b:s1+s13], $0x80, v4, vm0, $0xb8;
	[tilespmem:$0x15980] =	vst v63  }
0x2f1: {  	s18 =	simm.s32 $0x9180  }
0x2f2: {  	[tilespmem:s18], [sflag:$0x2] =	stream.indirect_vreg.gather [hbm4b:s1+s13], $0x80, v3, vm0, $0xb8;
	[tilespmem:$0x15980] =	vst v63  }
0x2f3: {  	v3 =	vld [tilespmem:$0x140];
	_ =	sdelay $0x4  }
0x2f4: {  	v4 =	vshll.u32 v3, $0x1  }
0x2f5: {  	v3 =	vand.u32 $0x7, v3;
	v4 =	vand.u32 $0xFFFFFFF0, v4  }
0x2f6: {  	v3 =	vor.u32 v3, v4  }
0x2f7: {  	v4 =	vperm.xlane v3, v0;
	_ =	sdelay $0x1  }
0x2f8: {  	v3 =	vperm.xlane v3, v2;
	v4 =	vadd.s32 v1, v4;
	_ =	sdelay $0x1  }
0x2f9: {  	v3 =	vadd.s32 v1, v3;
	_ =	sdelay $0x1  }
0x2fa: {  	s19 =	simm.s32 $0x9980  }
0x2fb: {  	[tilespmem:s19], [sflag:$0x2] =	stream.indirect_vreg.gather [hbm4b:s1+s13], $0x80, v4, vm0, $0xb8;
	[tilespmem:$0x15980] =	vst v63  }
0x2fc: {  	_ = 	snop  }
0x2fd: {  	[tilespmem:s28], [sflag:$0x2] =	stream.indirect_vreg.gather [hbm4b:s1+s13], $0x80, v3, vm0, $0xb8;
	[tilespmem:$0x15980] =	vst v63  }
0x2fe: {  	v3 =	vld [tilespmem:$0x150];
	_ =	sdelay $0x4  }
0x2ff: {  	v4 =	vshll.u32 v3, $0x1  }
0x300: {  	v3 =	vand.u32 $0x7, v3;
	v4 =	vand.u32 $0xFFFFFFF0, v4  }
0x301: {  	v3 =	vor.u32 v3, v4  }
0x302: {  	v4 =	vperm.xlane v3, v0;
	_ =	sdelay $0x1  }
0x303: {  	v3 =	vperm.xlane v3, v2;
	v4 =	vadd.s32 v1, v4;
	_ =	sdelay $0x1  }
0x304: {  	v3 =	vadd.s32 v1, v3;
	_ =	sdelay $0x2  }
0x305: {  	[tilespmem:s29], [sflag:$0x2] =	stream.indirect_vreg.gather [hbm4b:s1+s13], $0x80, v4, vm0, $0xb8;
	[tilespmem:$0x15980] =	vst v63  }
0x306: {  	_ = 	snop  }
0x307: {  	[tilespmem:s30], [sflag:$0x2] =	stream.indirect_vreg.gather [hbm4b:s1+s13], $0x80, v3, vm0, $0xb8;
	[tilespmem:$0x15980] =	vst v63  }
0x308: {  	v3 =	vld [tilespmem:$0x160];
	_ =	sdelay $0x4  }
0x309: {  	v4 =	vshll.u32 v3, $0x1  }
0x30a: {  	v3 =	vand.u32 $0x7, v3;
	v4 =	vand.u32 $0xFFFFFFF0, v4  }
0x30b: {  	v3 =	vor.u32 v3, v4  }
0x30c: {  	v4 =	vperm.xlane v3, v0;
	_ =	sdelay $0x1  }
0x30d: {  	v3 =	vperm.xlane v3, v2;
	v4 =	vadd.s32 v1, v4;
	_ =	sdelay $0x1  }
0x30e: {  	v3 =	vadd.s32 v1, v3;
	_ =	sdelay $0x2  }
0x30f: {  	[tilespmem:s31], [sflag:$0x2] =	stream.indirect_vreg.gather [hbm4b:s1+s13], $0x80, v4, vm0, $0xb8;
	[tilespmem:$0x15980] =	vst v63  }
0x310: {  	_ = 	snop  }
0x311: {  	[tilespmem:s2], [sflag:$0x2] =	stream.indirect_vreg.gather [hbm4b:s1+s13], $0x80, v3, vm0, $0xb8;
	[tilespmem:$0x15980] =	vst v63  }
0x312: {  	v3 =	vld [tilespmem:$0x170];
	_ =	sdelay $0x4  }
0x313: {  	v4 =	vshll.u32 v3, $0x1  }
0x314: {  	v3 =	vand.u32 $0x7, v3;
	v4 =	vand.u32 $0xFFFFFFF0, v4  }
0x315: {  	v3 =	vor.u32 v3, v4  }
0x316: {  	v4 =	vperm.xlane v3, v0;
	_ =	sdelay $0x1  }
0x317: {  	v3 =	vperm.xlane v3, v2;
	v4 =	vadd.s32 v1, v4;
	_ =	sdelay $0x1  }
0x318: {  	v3 =	vadd.s32 v1, v3;
	_ =	sdelay $0x2  }
0x319: {  	[tilespmem:s0], [sflag:$0x2] =	stream.indirect_vreg.gather [hbm4b:s1+s13], $0x80, v4, vm0, $0xb8;
	[tilespmem:$0x15980] =	vst v63  }
0x31a: {  	_ = 	snop  }
0x31b: {  	[tilespmem:s9], [sflag:$0x2] =	stream.indirect_vreg.gather [hbm4b:s1+s13], $0x80, v3, vm0, $0xb8;
	[tilespmem:$0x15980] =	vst v63  }
0x31c: {  	s22 =	simm.s32 $0x100;
	_ =	swait.ge [sflag:s10], $0x6000  }
0x31d: {  	s20 =	sand.u32 $0x7800, s13;
	s21 =	sand.u32 $0x380, s13;
	[sflag:s10] =	ssyncset.done $0x0  }
0x31e: {  	s23 =	simm.s32 $0x80;
	s14 =	sor.u32 s21, s20;
	[sflag:s10] =	ssyncadd.s32 $0xFFFFA000  }
0x31f: {  	s24 =	simm.s32 $0xDA0;
	s15 =	sand.u32 $0xF800, s22;
	s16 =	sand.u32 $0x380, s23;
	v6 =	vld [tilespmem:s14+$0x1980]  }
0x320: {  	s15 =	sor.u32 s16, s15;
	v3 =	vld [tilespmem:s24+$0xFFFFFFE0]  }
0x321: {  	s25 =	simm.s32 $0x100;
	s18 =	simm.s32 $0x200;
	v7 =	vld [tilespmem:s15+$0x1980]  }
0x322: {  	s16 =	sand.u32 $0x380, s25;
	s18 =	sand.u32 $0xF800, s18;
	v5 =	vld [tilespmem:s24+$0xFFFFFFF0]  }
0x323: {  	s16 =	sor.u32 s16, s18;
	v4 =	vld [tilespmem:s24+$0x0]  }
0x324: {  	v8 =	vld [tilespmem:s16+$0x1980];
	_ =	sdelay $0x2  }
0x325: {  	v6 =	vmul.f32 v6, v3;
	v7 =	vmul.f32 v7, v5;
	_ =	sdelay $0x1  }
0x326: {  	v6 =	vadd.f32 v7, v6;
	v7 =	vmul.f32 v8, v4  }
0x327: {  	s18 =	simm.s32 $0x4000  }
0x328: {  	s26 =	sand.u32 $0x5800, s18;
	s19 =	sand.u32 $0x380, s13;
	v6 =	vadd.f32 v7, v6  }
0x329: {  	s17 =	sor.u32 s19, s26  }
0x32a: {  	[tilespmem:s17+$0xD980] =	vst v6  }
0x32b: {  	v6 =	vld [tilespmem:s14+$0x1990]  }
0x32c: {  	v7 =	vld [tilespmem:s15+$0x1990];
	_ =	sdelay $0x1  }
0x32d: {  	v8 =	vld [tilespmem:s16+$0x1990];
	_ =	sdelay $0x2  }
0x32e: {  	v6 =	vmul.f32 v6, v3;
	v7 =	vmul.f32 v7, v5;
	_ =	sdelay $0x1  }
0x32f: {  	v6 =	vadd.f32 v7, v6;
	v7 =	vmul.f32 v8, v4;
	_ =	sdelay $0x1  }
0x330: {  	v6 =	vadd.f32 v7, v6;
	_ =	sdelay $0x1  }
0x331: {  	[tilespmem:s17+$0xD990] =	vst v6  }
0x332: {  	v6 =	vld [tilespmem:s14+$0x19A0]  }
0x333: {  	v7 =	vld [tilespmem:s15+$0x19A0];
	_ =	sdelay $0x1  }
0x334: {  	v8 =	vld [tilespmem:s16+$0x19A0];
	_ =	sdelay $0x2  }
0x335: {  	v6 =	vmul.f32 v6, v3;
	v7 =	vmul.f32 v7, v5;
	_ =	sdelay $0x1  }
0x336: {  	v6 =	vadd.f32 v7, v6;
	v7 =	vmul.f32 v8, v4;
	_ =	sdelay $0x1  }
0x337: {  	v6 =	vadd.f32 v7, v6;
	_ =	sdelay $0x1  }
0x338: {  	[tilespmem:s17+$0xD9A0] =	vst v6  }
0x339: {  	v6 =	vld [tilespmem:s14+$0x19B0]  }
0x33a: {  	v7 =	vld [tilespmem:s15+$0x19B0];
	_ =	sdelay $0x1  }
0x33b: {  	v8 =	vld [tilespmem:s16+$0x19B0];
	_ =	sdelay $0x2  }
0x33c: {  	v6 =	vmul.f32 v6, v3;
	v7 =	vmul.f32 v7, v5;
	_ =	sdelay $0x1  }
0x33d: {  	v6 =	vadd.f32 v7, v6;
	v7 =	vmul.f32 v8, v4;
	_ =	sdelay $0x1  }
0x33e: {  	v6 =	vadd.f32 v7, v6;
	_ =	sdelay $0x1  }
0x33f: {  	[tilespmem:s17+$0xD9B0] =	vst v6  }
0x340: {  	v6 =	vld [tilespmem:s14+$0x19C0]  }
0x341: {  	v7 =	vld [tilespmem:s15+$0x19C0];
	_ =	sdelay $0x1  }
0x342: {  	v8 =	vld [tilespmem:s16+$0x19C0];
	_ =	sdelay $0x2  }
0x343: {  	v6 =	vmul.f32 v6, v3;
	v7 =	vmul.f32 v7, v5;
	_ =	sdelay $0x1  }
0x344: {  	v6 =	vadd.f32 v7, v6;
	v7 =	vmul.f32 v8, v4;
	_ =	sdelay $0x1  }
0x345: {  	v6 =	vadd.f32 v7, v6;
	_ =	sdelay $0x1  }
0x346: {  	[tilespmem:s17+$0xD9C0] =	vst v6  }
0x347: {  	v6 =	vld [tilespmem:s14+$0x19D0]  }
0x348: {  	v7 =	vld [tilespmem:s15+$0x19D0];
	_ =	sdelay $0x1  }
0x349: {  	v8 =	vld [tilespmem:s16+$0x19D0];
	_ =	sdelay $0x2  }
0x34a: {  	v6 =	vmul.f32 v6, v3;
	v7 =	vmul.f32 v7, v5;
	_ =	sdelay $0x1  }
0x34b: {  	v6 =	vadd.f32 v7, v6;
	v7 =	vmul.f32 v8, v4;
	_ =	sdelay $0x1  }
0x34c: {  	v6 =	vadd.f32 v7, v6;
	_ =	sdelay $0x1  }
0x34d: {  	[tilespmem:s17+$0xD9D0] =	vst v6  }
0x34e: {  	v6 =	vld [tilespmem:s14+$0x19E0]  }
0x34f: {  	v7 =	vld [tilespmem:s15+$0x19E0];
	_ =	sdelay $0x1  }
0x350: {  	v8 =	vld [tilespmem:s16+$0x19E0];
	_ =	sdelay $0x2  }
0x351: {  	v6 =	vmul.f32 v6, v3;
	v7 =	vmul.f32 v7, v5;
	_ =	sdelay $0x1  }
0x352: {  	v6 =	vadd.f32 v7, v6;
	v7 =	vmul.f32 v8, v4;
	_ =	sdelay $0x1  }
0x353: {  	v6 =	vadd.f32 v7, v6;
	_ =	sdelay $0x1  }
0x354: {  	[tilespmem:s17+$0xD9E0] =	vst v6  }
0x355: {  	v6 =	vld [tilespmem:s14+$0x19F0]  }
0x356: {  	v7 =	vld [tilespmem:s15+$0x19F0];
	_ =	sdelay $0x1  }
0x357: {  	v8 =	vld [tilespmem:s16+$0x19F0];
	_ =	sdelay $0x2  }
0x358: {  	v6 =	vmul.f32 v6, v3;
	v7 =	vmul.f32 v7, v5;
	_ =	sdelay $0x1  }
0x359: {  	v6 =	vadd.f32 v7, v6;
	v7 =	vmul.f32 v8, v4;
	_ =	sdelay $0x1  }
0x35a: {  	v6 =	vadd.f32 v7, v6;
	_ =	sdelay $0x1  }
0x35b: {  	[tilespmem:s17+$0xD9F0] =	vst v6  }
0x35c: {  	v6 =	vld [tilespmem:s14+$0x1D80]  }
0x35d: {  	v7 =	vld [tilespmem:s15+$0x1D80];
	_ =	sdelay $0x1  }
0x35e: {  	v8 =	vld [tilespmem:s16+$0x1D80];
	_ =	sdelay $0x2  }
0x35f: {  	v6 =	vmul.f32 v6, v3;
	v7 =	vmul.f32 v7, v5;
	_ =	sdelay $0x1  }
0x360: {  	v6 =	vadd.f32 v7, v6;
	v7 =	vmul.f32 v8, v4;
	_ =	sdelay $0x1  }
0x361: {  	v6 =	vadd.f32 v7, v6;
	_ =	sdelay $0x1  }
0x362: {  	[tilespmem:s17+$0xDD80] =	vst v6  }
0x363: {  	v6 =	vld [tilespmem:s14+$0x1D90]  }
0x364: {  	v7 =	vld [tilespmem:s15+$0x1D90];
	_ =	sdelay $0x1  }
0x365: {  	v8 =	vld [tilespmem:s16+$0x1D90];
	_ =	sdelay $0x2  }
0x366: {  	v6 =	vmul.f32 v6, v3;
	v7 =	vmul.f32 v7, v5;
	_ =	sdelay $0x1  }
0x367: {  	v6 =	vadd.f32 v7, v6;
	v7 =	vmul.f32 v8, v4;
	_ =	sdelay $0x1  }
0x368: {  	v6 =	vadd.f32 v7, v6;
	_ =	sdelay $0x1  }
0x369: {  	[tilespmem:s17+$0xDD90] =	vst v6  }
0x36a: {  	v6 =	vld [tilespmem:s14+$0x1DA0]  }
0x36b: {  	v7 =	vld [tilespmem:s15+$0x1DA0];
	_ =	sdelay $0x1  }
0x36c: {  	v8 =	vld [tilespmem:s16+$0x1DA0];
	_ =	sdelay $0x2  }
0x36d: {  	v6 =	vmul.f32 v6, v3;
	v7 =	vmul.f32 v7, v5;
	_ =	sdelay $0x1  }
0x36e: {  	v6 =	vadd.f32 v7, v6;
	v7 =	vmul.f32 v8, v4;
	_ =	sdelay $0x1  }
0x36f: {  	v6 =	vadd.f32 v7, v6;
	_ =	sdelay $0x1  }
0x370: {  	[tilespmem:s17+$0xDDA0] =	vst v6  }
0x371: {  	v6 =	vld [tilespmem:s14+$0x1DB0]  }
0x372: {  	v7 =	vld [tilespmem:s15+$0x1DB0];
	_ =	sdelay $0x1  }
0x373: {  	v8 =	vld [tilespmem:s16+$0x1DB0];
	_ =	sdelay $0x2  }
0x374: {  	v6 =	vmul.f32 v6, v3;
	v7 =	vmul.f32 v7, v5;
	_ =	sdelay $0x1  }
0x375: {  	v6 =	vadd.f32 v7, v6;
	v7 =	vmul.f32 v8, v4;
	_ =	sdelay $0x1  }
0x376: {  	v6 =	vadd.f32 v7, v6;
	_ =	sdelay $0x1  }
0x377: {  	[tilespmem:s17+$0xDDB0] =	vst v6  }
0x378: {  	v7 =	vld [tilespmem:s14+$0x1DC0]  }
0x379: {  	v8 =	vld [tilespmem:s15+$0x1DC0];
	_ =	sdelay $0x1  }
0x37a: {  	v6 =	vld [tilespmem:s16+$0x1DC0]  }
0x37b: {  	s20 =	simm.s32 $0xDD0;
	s21 =	simm.s32 $0x0;
	s19 =	simm.s32 $0x180  }
.LBB2_6:
0x37c: {  	s13 =	sadd.s32 $0x80, s13;
	s21 =	sadd.s32 $0x300, s21;
	s18 =	sadd.s32 $0x100, s18  }
0x37d: {  	p0 =	sne.s32 s19, $0x2E80;
	v7 =	vmul.f32 v7, v3;
	s22 =	smov.u32 s19;
	s19 =	sadd.s32 $0x180, s19;
	v8 =	vmul.f32 v8, v5  }
0x37e: {  	_ = 	snop  }
0x37f: {  	v6 =	vmul.f32 v6, v4;
	v7 =	vadd.f32 v8, v7;
	_ =	sdelay $0x1  }
0x380: {  	v6 =	vadd.f32 v6, v7;
	_ =	sdelay $0x1  }
0x381: {  	[tilespmem:s17+$0xDDC0] =	vst v6  }
0x382: {  	v6 =	vld [tilespmem:s14+$0x1DD0]  }
0x383: {  	v7 =	vld [tilespmem:s15+$0x1DD0]  }
0x384: {  	v8 =	vld [tilespmem:s16+$0x1DD0];
	_ =	sdelay $0x2  }
0x385: {  	v6 =	vmul.f32 v6, v3  }
0x386: {  	v7 =	vmul.f32 v7, v5  }
0x387: {  	s23 =	sand.u32 $0x7800, s21;
	s24 =	sand.u32 $0x380, s22;
	s25 =	sadd.s32 $0x100, s22  }
0x388: {  	s22 =	sadd.s32 $0x80, s22;
	s23 =	sor.u32 s24, s23;
	s24 =	sadd.s32 $0x100, s21;
	v6 =	vadd.f32 v7, v6;
	v7 =	vmul.f32 v8, v4  }
0x389: {  	s26 =	sadd.s32 $0x200, s21;
	s22 =	sand.u32 $0x380, s22;
	s24 =	sand.u32 $0xF800, s24  }
0x38a: {  	s25 =	sand.u32 $0x380, s25;
	s22 =	sor.u32 s22, s24;
	s24 =	sand.u32 $0xF800, s26;
	v6 =	vadd.f32 v7, v6  }
0x38b: {  	s24 =	sor.u32 s25, s24  }
0x38c: {  	[tilespmem:s17+$0xDDD0] =	vst v6  }
0x38d: {  	v6 =	vld [tilespmem:s14+$0x1DE0]  }
0x38e: {  	v7 =	vld [tilespmem:s15+$0x1DE0]  }
0x38f: {  	v8 =	vld [tilespmem:s16+$0x1DE0];
	_ =	sdelay $0x2  }
0x390: {  	v6 =	vmul.f32 v6, v3  }
0x391: {  	v7 =	vmul.f32 v7, v5;
	_ =	sdelay $0x1  }
0x392: {  	v6 =	vadd.f32 v7, v6;
	v7 =	vmul.f32 v8, v4;
	_ =	sdelay $0x1  }
0x393: {  	v6 =	vadd.f32 v7, v6;
	_ =	sdelay $0x1  }
0x394: {  	[tilespmem:s17+$0xDDE0] =	vst v6  }
0x395: {  	v6 =	vld [tilespmem:s14+$0x1DF0];
	s14 =	smov.u32 s23  }
0x396: {  	v7 =	vld [tilespmem:s15+$0x1DF0];
	s15 =	smov.u32 s22  }
0x397: {  	v8 =	vld [tilespmem:s16+$0x1DF0];
	s16 =	smov.u32 s24;
	_ =	sdelay $0x2  }
0x398: {  	v3 =	vmul.f32 v6, v3  }
0x399: {  	v5 =	vmul.f32 v7, v5;
	_ =	sdelay $0x1  }
0x39a: {  	v4 =	vmul.f32 v8, v4;
	v3 =	vadd.f32 v5, v3;
	_ =	sdelay $0x1  }
0x39b: {  	v3 =	vadd.f32 v4, v3;
	_ =	sdelay $0x1  }
0x39c: {  	[tilespmem:s17+$0xDDF0] =	vst v3  }
0x39d: {  	v6 =	vld [tilespmem:s14+$0x1980]  }
0x39e: {  	v3 =	vld [tilespmem:s20+$0xFFFFFFE0]  }
0x39f: {  	v7 =	vld [tilespmem:s15+$0x1980]  }
0x3a0: {  	v5 =	vld [tilespmem:s20+$0xFFFFFFF0]  }
0x3a1: {  	v4 =	vld [tilespmem:s20+$0x0]  }
0x3a2: {  	v8 =	vld [tilespmem:s16+$0x1980];
	_ =	sdelay $0x1  }
0x3a3: {  	v6 =	vmul.f32 v6, v3  }
0x3a4: {  	v7 =	vmul.f32 v7, v5;
	_ =	sdelay $0x1  }
0x3a5: {  	v6 =	vadd.f32 v7, v6;
	v7 =	vmul.f32 v8, v4;
	_ =	sdelay $0x1  }
0x3a6: {  	s22 =	sand.u32 $0x380, s13;
	s17 =	sand.u32 $0x5800, s18;
	v6 =	vadd.f32 v7, v6  }
0x3a7: {  	s17 =	sor.u32 s22, s17  }
0x3a8: {  	[tilespmem:s17+$0xD980] =	vst v6  }
0x3a9: {  	v6 =	vld [tilespmem:s14+$0x1990]  }
0x3aa: {  	v7 =	vld [tilespmem:s15+$0x1990];
	_ =	sdelay $0x1  }
0x3ab: {  	v8 =	vld [tilespmem:s16+$0x1990];
	_ =	sdelay $0x1  }
0x3ac: {  	v6 =	vmul.f32 v6, v3  }
0x3ad: {  	v7 =	vmul.f32 v7, v5;
	_ =	sdelay $0x1  }
0x3ae: {  	v6 =	vadd.f32 v7, v6;
	v7 =	vmul.f32 v8, v4;
	_ =	sdelay $0x1  }
0x3af: {  	v6 =	vadd.f32 v7, v6;
	_ =	sdelay $0x1  }
0x3b0: {  	[tilespmem:s17+$0xD990] =	vst v6  }
0x3b1: {  	v6 =	vld [tilespmem:s14+$0x19A0]  }
0x3b2: {  	v7 =	vld [tilespmem:s15+$0x19A0];
	_ =	sdelay $0x1  }
0x3b3: {  	v8 =	vld [tilespmem:s16+$0x19A0];
	_ =	sdelay $0x1  }
0x3b4: {  	v6 =	vmul.f32 v6, v3  }
0x3b5: {  	v7 =	vmul.f32 v7, v5;
	_ =	sdelay $0x1  }
0x3b6: {  	v6 =	vadd.f32 v7, v6;
	v7 =	vmul.f32 v8, v4;
	_ =	sdelay $0x1  }
0x3b7: {  	v6 =	vadd.f32 v7, v6;
	_ =	sdelay $0x1  }
0x3b8: {  	[tilespmem:s17+$0xD9A0] =	vst v6  }
0x3b9: {  	v6 =	vld [tilespmem:s14+$0x19B0]  }
0x3ba: {  	v7 =	vld [tilespmem:s15+$0x19B0]  }
0x3bb: {  	v8 =	vld [tilespmem:s16+$0x19B0];
	_ =	sdelay $0x2  }
0x3bc: {  	v6 =	vmul.f32 v6, v3  }
0x3bd: {  	v7 =	vmul.f32 v7, v5;
	_ =	sdelay $0x1  }
0x3be: {  	v6 =	vadd.f32 v7, v6;
	v7 =	vmul.f32 v8, v4;
	_ =	sdelay $0x1  }
0x3bf: {  	v6 =	vadd.f32 v7, v6;
	_ =	sdelay $0x1  }
0x3c0: {  	[tilespmem:s17+$0xD9B0] =	vst v6  }
0x3c1: {  	v6 =	vld [tilespmem:s14+$0x19C0]  }
0x3c2: {  	v7 =	vld [tilespmem:s15+$0x19C0]  }
0x3c3: {  	v8 =	vld [tilespmem:s16+$0x19C0];
	_ =	sdelay $0x2  }
0x3c4: {  	v6 =	vmul.f32 v6, v3  }
0x3c5: {  	v7 =	vmul.f32 v7, v5;
	_ =	sdelay $0x1  }
0x3c6: {  	v6 =	vadd.f32 v7, v6;
	v7 =	vmul.f32 v8, v4;
	_ =	sdelay $0x1  }
0x3c7: {  	v6 =	vadd.f32 v7, v6;
	_ =	sdelay $0x1  }
0x3c8: {  	[tilespmem:s17+$0xD9C0] =	vst v6  }
0x3c9: {  	v6 =	vld [tilespmem:s14+$0x19D0]  }
0x3ca: {  	v7 =	vld [tilespmem:s15+$0x19D0]  }
0x3cb: {  	v8 =	vld [tilespmem:s16+$0x19D0];
	_ =	sdelay $0x2  }
0x3cc: {  	v6 =	vmul.f32 v6, v3  }
0x3cd: {  	v7 =	vmul.f32 v7, v5;
	_ =	sdelay $0x1  }
0x3ce: {  	v6 =	vadd.f32 v7, v6;
	v7 =	vmul.f32 v8, v4;
	_ =	sdelay $0x1  }
0x3cf: {  	v6 =	vadd.f32 v7, v6;
	_ =	sdelay $0x1  }
0x3d0: {  	[tilespmem:s17+$0xD9D0] =	vst v6  }
0x3d1: {  	v6 =	vld [tilespmem:s14+$0x19E0]  }
0x3d2: {  	v7 =	vld [tilespmem:s15+$0x19E0]  }
0x3d3: {  	v8 =	vld [tilespmem:s16+$0x19E0];
	_ =	sdelay $0x2  }
0x3d4: {  	v6 =	vmul.f32 v6, v3  }
0x3d5: {  	v7 =	vmul.f32 v7, v5;
	_ =	sdelay $0x1  }
0x3d6: {  	v6 =	vadd.f32 v7, v6;
	v7 =	vmul.f32 v8, v4;
	_ =	sdelay $0x1  }
0x3d7: {  	v6 =	vadd.f32 v7, v6;
	_ =	sdelay $0x1  }
0x3d8: {  	[tilespmem:s17+$0xD9E0] =	vst v6  }
0x3d9: {  	v6 =	vld [tilespmem:s14+$0x19F0]  }
0x3da: {  	v7 =	vld [tilespmem:s15+$0x19F0]  }
0x3db: {  	v8 =	vld [tilespmem:s16+$0x19F0];
	_ =	sdelay $0x2  }
0x3dc: {  	v6 =	vmul.f32 v6, v3  }
0x3dd: {  	v7 =	vmul.f32 v7, v5;
	_ =	sdelay $0x1  }
0x3de: {  	v6 =	vadd.f32 v7, v6;
	v7 =	vmul.f32 v8, v4;
	_ =	sdelay $0x1  }
0x3df: {  	v6 =	vadd.f32 v7, v6;
	_ =	sdelay $0x1  }
0x3e0: {  	[tilespmem:s17+$0xD9F0] =	vst v6  }
0x3e1: {  	v6 =	vld [tilespmem:s14+$0x1D80]  }
0x3e2: {  	v7 =	vld [tilespmem:s15+$0x1D80]  }
0x3e3: {  	v8 =	vld [tilespmem:s16+$0x1D80];
	_ =	sdelay $0x2  }
0x3e4: {  	v6 =	vmul.f32 v6, v3  }
0x3e5: {  	v7 =	vmul.f32 v7, v5;
	_ =	sdelay $0x1  }
0x3e6: {  	v6 =	vadd.f32 v7, v6;
	v7 =	vmul.f32 v8, v4;
	_ =	sdelay $0x1  }
0x3e7: {  	v6 =	vadd.f32 v7, v6;
	_ =	sdelay $0x1  }
0x3e8: {  	[tilespmem:s17+$0xDD80] =	vst v6  }
0x3e9: {  	v6 =	vld [tilespmem:s14+$0x1D90]  }
0x3ea: {  	v7 =	vld [tilespmem:s15+$0x1D90]  }
0x3eb: {  	v8 =	vld [tilespmem:s16+$0x1D90];
	_ =	sdelay $0x2  }
0x3ec: {  	v6 =	vmul.f32 v6, v3  }
0x3ed: {  	v7 =	vmul.f32 v7, v5;
	_ =	sdelay $0x1  }
0x3ee: {  	v6 =	vadd.f32 v7, v6;
	v7 =	vmul.f32 v8, v4;
	_ =	sdelay $0x1  }
0x3ef: {  	v6 =	vadd.f32 v7, v6;
	_ =	sdelay $0x1  }
0x3f0: {  	[tilespmem:s17+$0xDD90] =	vst v6  }
0x3f1: {  	v6 =	vld [tilespmem:s14+$0x1DA0]  }
0x3f2: {  	v7 =	vld [tilespmem:s15+$0x1DA0]  }
0x3f3: {  	v8 =	vld [tilespmem:s16+$0x1DA0];
	_ =	sdelay $0x2  }
0x3f4: {  	v6 =	vmul.f32 v6, v3  }
0x3f5: {  	v7 =	vmul.f32 v7, v5;
	_ =	sdelay $0x1  }
0x3f6: {  	v6 =	vadd.f32 v7, v6;
	v7 =	vmul.f32 v8, v4;
	_ =	sdelay $0x1  }
0x3f7: {  	v6 =	vadd.f32 v7, v6;
	_ =	sdelay $0x1  }
0x3f8: {  	[tilespmem:s17+$0xDDA0] =	vst v6  }
0x3f9: {  	v6 =	vld [tilespmem:s14+$0x1DB0]  }
0x3fa: {  	v7 =	vld [tilespmem:s15+$0x1DB0]  }
0x3fb: {  	v8 =	vld [tilespmem:s16+$0x1DB0];
	_ =	sdelay $0x2  }
0x3fc: {  	v6 =	vmul.f32 v6, v3  }
0x3fd: {  	v7 =	vmul.f32 v7, v5;
	_ =	sdelay $0x1  }
0x3fe: {  	v6 =	vadd.f32 v7, v6;
	v7 =	vmul.f32 v8, v4;
	_ =	sdelay $0x1  }
0x3ff: {  	v6 =	vadd.f32 v7, v6;
	_ =	sdelay $0x1  }
0x400: {  	[tilespmem:s17+$0xDDB0] =	vst v6  }
.Ltmp2:
0x401: {  	v7 =	vld [tilespmem:s14+$0x1DC0];
	(pc) =	sbr.rel @p0 .LBB2_6-.Ltmp2, $3  }
0x402: {  	v8 =	vld [tilespmem:s15+$0x1DC0]  }
0x403: {  	v6 =	vld [tilespmem:s16+$0x1DC0];
	_ =	sdelay $0x1  }
0x404: {  	s20 =	sadd.s32 $0x30, s20  }
0x405: {  	_ = 	snop  }
0x406: {  	v7 =	vmul.f32 v7, v3;
	v8 =	vmul.f32 v8, v5;
	_ =	sdelay $0x1  }
0x407: {  	v6 =	vmul.f32 v6, v4;
	v7 =	vadd.f32 v8, v7;
	_ =	sdelay $0x1  }
0x408: {  	v6 =	vadd.f32 v6, v7;
	_ =	sdelay $0x1  }
0x409: {  	[tilespmem:s17+$0xDDC0] =	vst v6  }
0x40a: {  	v6 =	vld [tilespmem:s14+$0x1DD0]  }
0x40b: {  	v7 =	vld [tilespmem:s15+$0x1DD0];
	_ =	sdelay $0x1  }
0x40c: {  	v8 =	vld [tilespmem:s16+$0x1DD0];
	_ =	sdelay $0x2  }
0x40d: {  	v6 =	vmul.f32 v6, v3;
	v7 =	vmul.f32 v7, v5;
	_ =	sdelay $0x1  }
0x40e: {  	v6 =	vadd.f32 v7, v6;
	v7 =	vmul.f32 v8, v4;
	_ =	sdelay $0x1  }
0x40f: {  	v6 =	vadd.f32 v7, v6;
	_ =	sdelay $0x1  }
0x410: {  	[tilespmem:s17+$0xDDD0] =	vst v6  }
0x411: {  	v6 =	vld [tilespmem:s14+$0x1DE0]  }
0x412: {  	v7 =	vld [tilespmem:s15+$0x1DE0];
	_ =	sdelay $0x1  }
0x413: {  	v8 =	vld [tilespmem:s16+$0x1DE0];
	_ =	sdelay $0x2  }
0x414: {  	v6 =	vmul.f32 v6, v3;
	v7 =	vmul.f32 v7, v5;
	_ =	sdelay $0x1  }
0x415: {  	v6 =	vadd.f32 v7, v6;
	v7 =	vmul.f32 v8, v4;
	_ =	sdelay $0x1  }
0x416: {  	v6 =	vadd.f32 v7, v6;
	_ =	sdelay $0x1  }
0x417: {  	[tilespmem:s17+$0xDDE0] =	vst v6  }
0x418: {  	v6 =	vld [tilespmem:s14+$0x1DF0]  }
0x419: {  	v7 =	vld [tilespmem:s15+$0x1DF0];
	_ =	sdelay $0x1  }
0x41a: {  	v8 =	vld [tilespmem:s16+$0x1DF0];
	_ =	sdelay $0x2  }
0x41b: {  	v3 =	vmul.f32 v6, v3;
	v5 =	vmul.f32 v7, v5;
	_ =	sdelay $0x1  }
0x41c: {  	v4 =	vmul.f32 v8, v4;
	v3 =	vadd.f32 v5, v3;
	_ =	sdelay $0x1  }
0x41d: {  	v3 =	vadd.f32 v4, v3;
	_ =	sdelay $0x1  }
0x41e: {  	[tilespmem:s17+$0xDDF0] =	vst v3  }
0x41f: {  	s22 =	simm.s32 $0x100;
	s16 =	simm.s32 $0x0;
	_ =	swait.ge [sflag:s11], $0x6000  }
0x420: {  	s13 =	sand.u32 $0x7800, s16;
	s21 =	sand.u32 $0x380, s16;
	[sflag:s11] =	ssyncset.done $0x0  }
0x421: {  	s23 =	simm.s32 $0x80;
	s13 =	sor.u32 s21, s13;
	[sflag:s11] =	ssyncadd.s32 $0xFFFFA000  }
0x422: {  	s24 =	simm.s32 $0x13A0;
	s14 =	sand.u32 $0xF800, s22;
	s15 =	sand.u32 $0x380, s23;
	v6 =	vld [tilespmem:s13+$0x7980]  }
0x423: {  	s14 =	sor.u32 s15, s14;
	v3 =	vld [tilespmem:s24+$0xFFFFFFE0]  }
0x424: {  	s25 =	simm.s32 $0x100;
	s18 =	simm.s32 $0x200;
	v7 =	vld [tilespmem:s14+$0x7980]  }
0x425: {  	s18 =	sand.u32 $0xF800, s18;
	s15 =	sand.u32 $0x380, s25;
	v5 =	vld [tilespmem:s24+$0xFFFFFFF0]  }
0x426: {  	s15 =	sor.u32 s15, s18;
	v4 =	vld [tilespmem:s24+$0x0]  }
0x427: {  	v8 =	vld [tilespmem:s15+$0x7980];
	_ =	sdelay $0x2  }
0x428: {  	v6 =	vmul.f32 v6, v3;
	v7 =	vmul.f32 v7, v5;
	_ =	sdelay $0x1  }
0x429: {  	v6 =	vadd.f32 v7, v6;
	v7 =	vmul.f32 v8, v4  }
0x42a: {  	s18 =	simm.s32 $0x6000  }
0x42b: {  	s19 =	sand.u32 $0x380, s16;
	s26 =	sand.u32 $0x7800, s18;
	v6 =	vadd.f32 v7, v6  }
0x42c: {  	s17 =	sor.u32 s19, s26  }
0x42d: {  	[tilespmem:s17+$0xD980] =	vst v6  }
0x42e: {  	v6 =	vld [tilespmem:s13+$0x7990]  }
0x42f: {  	v7 =	vld [tilespmem:s14+$0x7990];
	_ =	sdelay $0x1  }
0x430: {  	v8 =	vld [tilespmem:s15+$0x7990];
	_ =	sdelay $0x2  }
0x431: {  	v6 =	vmul.f32 v6, v3;
	v7 =	vmul.f32 v7, v5;
	_ =	sdelay $0x1  }
0x432: {  	v6 =	vadd.f32 v7, v6;
	v7 =	vmul.f32 v8, v4;
	_ =	sdelay $0x1  }
0x433: {  	v6 =	vadd.f32 v7, v6;
	_ =	sdelay $0x1  }
0x434: {  	[tilespmem:s17+$0xD990] =	vst v6  }
0x435: {  	v6 =	vld [tilespmem:s13+$0x79A0]  }
0x436: {  	v7 =	vld [tilespmem:s14+$0x79A0];
	_ =	sdelay $0x1  }
0x437: {  	v8 =	vld [tilespmem:s15+$0x79A0];
	_ =	sdelay $0x2  }
0x438: {  	v6 =	vmul.f32 v6, v3;
	v7 =	vmul.f32 v7, v5;
	_ =	sdelay $0x1  }
0x439: {  	v6 =	vadd.f32 v7, v6;
	v7 =	vmul.f32 v8, v4;
	_ =	sdelay $0x1  }
0x43a: {  	v6 =	vadd.f32 v7, v6;
	_ =	sdelay $0x1  }
0x43b: {  	[tilespmem:s17+$0xD9A0] =	vst v6  }
0x43c: {  	v6 =	vld [tilespmem:s13+$0x79B0]  }
0x43d: {  	v7 =	vld [tilespmem:s14+$0x79B0];
	_ =	sdelay $0x1  }
0x43e: {  	v8 =	vld [tilespmem:s15+$0x79B0];
	_ =	sdelay $0x2  }
0x43f: {  	v6 =	vmul.f32 v6, v3;
	v7 =	vmul.f32 v7, v5;
	_ =	sdelay $0x1  }
0x440: {  	v6 =	vadd.f32 v7, v6;
	v7 =	vmul.f32 v8, v4;
	_ =	sdelay $0x1  }
0x441: {  	v6 =	vadd.f32 v7, v6;
	_ =	sdelay $0x1  }
0x442: {  	[tilespmem:s17+$0xD9B0] =	vst v6  }
0x443: {  	v6 =	vld [tilespmem:s13+$0x79C0]  }
0x444: {  	v7 =	vld [tilespmem:s14+$0x79C0];
	_ =	sdelay $0x1  }
0x445: {  	v8 =	vld [tilespmem:s15+$0x79C0];
	_ =	sdelay $0x2  }
0x446: {  	v6 =	vmul.f32 v6, v3;
	v7 =	vmul.f32 v7, v5;
	_ =	sdelay $0x1  }
0x447: {  	v6 =	vadd.f32 v7, v6;
	v7 =	vmul.f32 v8, v4;
	_ =	sdelay $0x1  }
0x448: {  	v6 =	vadd.f32 v7, v6;
	_ =	sdelay $0x1  }
0x449: {  	[tilespmem:s17+$0xD9C0] =	vst v6  }
0x44a: {  	v6 =	vld [tilespmem:s13+$0x79D0]  }
0x44b: {  	v7 =	vld [tilespmem:s14+$0x79D0];
	_ =	sdelay $0x1  }
0x44c: {  	v8 =	vld [tilespmem:s15+$0x79D0];
	_ =	sdelay $0x2  }
0x44d: {  	v6 =	vmul.f32 v6, v3;
	v7 =	vmul.f32 v7, v5;
	_ =	sdelay $0x1  }
0x44e: {  	v6 =	vadd.f32 v7, v6;
	v7 =	vmul.f32 v8, v4;
	_ =	sdelay $0x1  }
0x44f: {  	v6 =	vadd.f32 v7, v6;
	_ =	sdelay $0x1  }
0x450: {  	[tilespmem:s17+$0xD9D0] =	vst v6  }
0x451: {  	v6 =	vld [tilespmem:s13+$0x79E0]  }
0x452: {  	v7 =	vld [tilespmem:s14+$0x79E0];
	_ =	sdelay $0x1  }
0x453: {  	v8 =	vld [tilespmem:s15+$0x79E0];
	_ =	sdelay $0x2  }
0x454: {  	v6 =	vmul.f32 v6, v3;
	v7 =	vmul.f32 v7, v5;
	_ =	sdelay $0x1  }
0x455: {  	v6 =	vadd.f32 v7, v6;
	v7 =	vmul.f32 v8, v4;
	_ =	sdelay $0x1  }
0x456: {  	v6 =	vadd.f32 v7, v6;
	_ =	sdelay $0x1  }
0x457: {  	[tilespmem:s17+$0xD9E0] =	vst v6  }
0x458: {  	v6 =	vld [tilespmem:s13+$0x79F0]  }
0x459: {  	v7 =	vld [tilespmem:s14+$0x79F0];
	_ =	sdelay $0x1  }
0x45a: {  	v8 =	vld [tilespmem:s15+$0x79F0];
	_ =	sdelay $0x2  }
0x45b: {  	v6 =	vmul.f32 v6, v3;
	v7 =	vmul.f32 v7, v5;
	_ =	sdelay $0x1  }
0x45c: {  	v6 =	vadd.f32 v7, v6;
	v7 =	vmul.f32 v8, v4;
	_ =	sdelay $0x1  }
0x45d: {  	v6 =	vadd.f32 v7, v6;
	_ =	sdelay $0x1  }
0x45e: {  	[tilespmem:s17+$0xD9F0] =	vst v6  }
0x45f: {  	v6 =	vld [tilespmem:s13+$0x7D80]  }
0x460: {  	v7 =	vld [tilespmem:s14+$0x7D80];
	_ =	sdelay $0x1  }
0x461: {  	v8 =	vld [tilespmem:s15+$0x7D80];
	_ =	sdelay $0x2  }
0x462: {  	v6 =	vmul.f32 v6, v3;
	v7 =	vmul.f32 v7, v5;
	_ =	sdelay $0x1  }
0x463: {  	v6 =	vadd.f32 v7, v6;
	v7 =	vmul.f32 v8, v4;
	_ =	sdelay $0x1  }
0x464: {  	v6 =	vadd.f32 v7, v6;
	_ =	sdelay $0x1  }
0x465: {  	[tilespmem:s17+$0xDD80] =	vst v6  }
0x466: {  	v6 =	vld [tilespmem:s13+$0x7D90]  }
0x467: {  	v7 =	vld [tilespmem:s14+$0x7D90];
	_ =	sdelay $0x1  }
0x468: {  	v8 =	vld [tilespmem:s15+$0x7D90];
	_ =	sdelay $0x2  }
0x469: {  	v6 =	vmul.f32 v6, v3;
	v7 =	vmul.f32 v7, v5;
	_ =	sdelay $0x1  }
0x46a: {  	v6 =	vadd.f32 v7, v6;
	v7 =	vmul.f32 v8, v4;
	_ =	sdelay $0x1  }
0x46b: {  	v6 =	vadd.f32 v7, v6;
	_ =	sdelay $0x1  }
0x46c: {  	[tilespmem:s17+$0xDD90] =	vst v6  }
0x46d: {  	v6 =	vld [tilespmem:s13+$0x7DA0]  }
0x46e: {  	v7 =	vld [tilespmem:s14+$0x7DA0];
	_ =	sdelay $0x1  }
0x46f: {  	v8 =	vld [tilespmem:s15+$0x7DA0];
	_ =	sdelay $0x2  }
0x470: {  	v6 =	vmul.f32 v6, v3;
	v7 =	vmul.f32 v7, v5;
	_ =	sdelay $0x1  }
0x471: {  	v6 =	vadd.f32 v7, v6;
	v7 =	vmul.f32 v8, v4;
	_ =	sdelay $0x1  }
0x472: {  	v6 =	vadd.f32 v7, v6;
	_ =	sdelay $0x1  }
0x473: {  	[tilespmem:s17+$0xDDA0] =	vst v6  }
0x474: {  	v6 =	vld [tilespmem:s13+$0x7DB0]  }
0x475: {  	v7 =	vld [tilespmem:s14+$0x7DB0];
	_ =	sdelay $0x1  }
0x476: {  	v8 =	vld [tilespmem:s15+$0x7DB0];
	_ =	sdelay $0x2  }
0x477: {  	v6 =	vmul.f32 v6, v3;
	v7 =	vmul.f32 v7, v5;
	_ =	sdelay $0x1  }
0x478: {  	v6 =	vadd.f32 v7, v6;
	v7 =	vmul.f32 v8, v4;
	_ =	sdelay $0x1  }
0x479: {  	v6 =	vadd.f32 v7, v6;
	_ =	sdelay $0x1  }
0x47a: {  	[tilespmem:s17+$0xDDB0] =	vst v6  }
0x47b: {  	v7 =	vld [tilespmem:s13+$0x7DC0]  }
0x47c: {  	v8 =	vld [tilespmem:s14+$0x7DC0];
	_ =	sdelay $0x1  }
0x47d: {  	v6 =	vld [tilespmem:s15+$0x7DC0]  }
0x47e: {  	s20 =	simm.s32 $0x13D0;
	s21 =	simm.s32 $0x0;
	s19 =	simm.s32 $0x180  }
.LBB2_8:
0x47f: {  	s16 =	sadd.s32 $0x80, s16;
	s21 =	sadd.s32 $0x300, s21;
	s18 =	sadd.s32 $0x100, s18  }
0x480: {  	p0 =	sne.s32 s19, $0x2E80;
	v7 =	vmul.f32 v7, v3;
	s22 =	smov.u32 s19;
	s19 =	sadd.s32 $0x180, s19;
	v8 =	vmul.f32 v8, v5  }
0x481: {  	_ = 	snop  }
0x482: {  	v6 =	vmul.f32 v6, v4;
	v7 =	vadd.f32 v8, v7;
	_ =	sdelay $0x1  }
0x483: {  	v6 =	vadd.f32 v6, v7;
	_ =	sdelay $0x1  }
0x484: {  	[tilespmem:s17+$0xDDC0] =	vst v6  }
0x485: {  	v6 =	vld [tilespmem:s13+$0x7DD0]  }
0x486: {  	v7 =	vld [tilespmem:s14+$0x7DD0]  }
0x487: {  	v8 =	vld [tilespmem:s15+$0x7DD0];
	_ =	sdelay $0x2  }
0x488: {  	v6 =	vmul.f32 v6, v3  }
0x489: {  	v7 =	vmul.f32 v7, v5  }
0x48a: {  	s23 =	sand.u32 $0x7800, s21;
	s24 =	sand.u32 $0x380, s22;
	s25 =	sadd.s32 $0x100, s22  }
0x48b: {  	s22 =	sadd.s32 $0x80, s22;
	s23 =	sor.u32 s24, s23;
	s24 =	sadd.s32 $0x100, s21;
	v6 =	vadd.f32 v7, v6;
	v7 =	vmul.f32 v8, v4  }
0x48c: {  	s26 =	sadd.s32 $0x200, s21;
	s22 =	sand.u32 $0x380, s22;
	s24 =	sand.u32 $0xF800, s24  }
0x48d: {  	s25 =	sand.u32 $0x380, s25;
	s22 =	sor.u32 s22, s24;
	s24 =	sand.u32 $0xF800, s26;
	v6 =	vadd.f32 v7, v6  }
0x48e: {  	s24 =	sor.u32 s25, s24  }
0x48f: {  	[tilespmem:s17+$0xDDD0] =	vst v6  }
0x490: {  	v6 =	vld [tilespmem:s13+$0x7DE0]  }
0x491: {  	v7 =	vld [tilespmem:s14+$0x7DE0]  }
0x492: {  	v8 =	vld [tilespmem:s15+$0x7DE0];
	_ =	sdelay $0x2  }
0x493: {  	v6 =	vmul.f32 v6, v3  }
0x494: {  	v7 =	vmul.f32 v7, v5;
	_ =	sdelay $0x1  }
0x495: {  	v6 =	vadd.f32 v7, v6;
	v7 =	vmul.f32 v8, v4;
	_ =	sdelay $0x1  }
0x496: {  	v6 =	vadd.f32 v7, v6;
	_ =	sdelay $0x1  }
0x497: {  	[tilespmem:s17+$0xDDE0] =	vst v6  }
0x498: {  	v6 =	vld [tilespmem:s13+$0x7DF0];
	s13 =	smov.u32 s23  }
0x499: {  	v7 =	vld [tilespmem:s14+$0x7DF0];
	s14 =	smov.u32 s22  }
0x49a: {  	v8 =	vld [tilespmem:s15+$0x7DF0];
	s15 =	smov.u32 s24;
	_ =	sdelay $0x2  }
0x49b: {  	v3 =	vmul.f32 v6, v3  }
0x49c: {  	v5 =	vmul.f32 v7, v5;
	_ =	sdelay $0x1  }
0x49d: {  	v4 =	vmul.f32 v8, v4;
	v3 =	vadd.f32 v5, v3;
	_ =	sdelay $0x1  }
0x49e: {  	v3 =	vadd.f32 v4, v3;
	_ =	sdelay $0x1  }
0x49f: {  	[tilespmem:s17+$0xDDF0] =	vst v3  }
0x4a0: {  	v6 =	vld [tilespmem:s13+$0x7980]  }
0x4a1: {  	v3 =	vld [tilespmem:s20+$0xFFFFFFE0]  }
0x4a2: {  	v7 =	vld [tilespmem:s14+$0x7980]  }
0x4a3: {  	v5 =	vld [tilespmem:s20+$0xFFFFFFF0]  }
0x4a4: {  	v4 =	vld [tilespmem:s20+$0x0]  }
0x4a5: {  	v8 =	vld [tilespmem:s15+$0x7980];
	_ =	sdelay $0x1  }
0x4a6: {  	v6 =	vmul.f32 v6, v3  }
0x4a7: {  	v7 =	vmul.f32 v7, v5;
	_ =	sdelay $0x1  }
0x4a8: {  	v6 =	vadd.f32 v7, v6;
	v7 =	vmul.f32 v8, v4;
	_ =	sdelay $0x1  }
0x4a9: {  	s22 =	sand.u32 $0x380, s16;
	s17 =	sand.u32 $0x7800, s18;
	v6 =	vadd.f32 v7, v6  }
0x4aa: {  	s17 =	sor.u32 s22, s17  }
0x4ab: {  	[tilespmem:s17+$0xD980] =	vst v6  }
0x4ac: {  	v6 =	vld [tilespmem:s13+$0x7990]  }
0x4ad: {  	v7 =	vld [tilespmem:s14+$0x7990];
	_ =	sdelay $0x1  }
0x4ae: {  	v8 =	vld [tilespmem:s15+$0x7990];
	_ =	sdelay $0x1  }
0x4af: {  	v6 =	vmul.f32 v6, v3  }
0x4b0: {  	v7 =	vmul.f32 v7, v5;
	_ =	sdelay $0x1  }
0x4b1: {  	v6 =	vadd.f32 v7, v6;
	v7 =	vmul.f32 v8, v4;
	_ =	sdelay $0x1  }
0x4b2: {  	v6 =	vadd.f32 v7, v6;
	_ =	sdelay $0x1  }
0x4b3: {  	[tilespmem:s17+$0xD990] =	vst v6  }
0x4b4: {  	v6 =	vld [tilespmem:s13+$0x79A0]  }
0x4b5: {  	v7 =	vld [tilespmem:s14+$0x79A0];
	_ =	sdelay $0x1  }
0x4b6: {  	v8 =	vld [tilespmem:s15+$0x79A0];
	_ =	sdelay $0x1  }
0x4b7: {  	v6 =	vmul.f32 v6, v3  }
0x4b8: {  	v7 =	vmul.f32 v7, v5;
	_ =	sdelay $0x1  }
0x4b9: {  	v6 =	vadd.f32 v7, v6;
	v7 =	vmul.f32 v8, v4;
	_ =	sdelay $0x1  }
0x4ba: {  	v6 =	vadd.f32 v7, v6;
	_ =	sdelay $0x1  }
0x4bb: {  	[tilespmem:s17+$0xD9A0] =	vst v6  }
0x4bc: {  	v6 =	vld [tilespmem:s13+$0x79B0]  }
0x4bd: {  	v7 =	vld [tilespmem:s14+$0x79B0]  }
0x4be: {  	v8 =	vld [tilespmem:s15+$0x79B0];
	_ =	sdelay $0x2  }
0x4bf: {  	v6 =	vmul.f32 v6, v3  }
0x4c0: {  	v7 =	vmul.f32 v7, v5;
	_ =	sdelay $0x1  }
0x4c1: {  	v6 =	vadd.f32 v7, v6;
	v7 =	vmul.f32 v8, v4;
	_ =	sdelay $0x1  }
0x4c2: {  	v6 =	vadd.f32 v7, v6;
	_ =	sdelay $0x1  }
0x4c3: {  	[tilespmem:s17+$0xD9B0] =	vst v6  }
0x4c4: {  	v6 =	vld [tilespmem:s13+$0x79C0]  }
0x4c5: {  	v7 =	vld [tilespmem:s14+$0x79C0]  }
0x4c6: {  	v8 =	vld [tilespmem:s15+$0x79C0];
	_ =	sdelay $0x2  }
0x4c7: {  	v6 =	vmul.f32 v6, v3  }
0x4c8: {  	v7 =	vmul.f32 v7, v5;
	_ =	sdelay $0x1  }
0x4c9: {  	v6 =	vadd.f32 v7, v6;
	v7 =	vmul.f32 v8, v4;
	_ =	sdelay $0x1  }
0x4ca: {  	v6 =	vadd.f32 v7, v6;
	_ =	sdelay $0x1  }
0x4cb: {  	[tilespmem:s17+$0xD9C0] =	vst v6  }
0x4cc: {  	v6 =	vld [tilespmem:s13+$0x79D0]  }
0x4cd: {  	v7 =	vld [tilespmem:s14+$0x79D0]  }
0x4ce: {  	v8 =	vld [tilespmem:s15+$0x79D0];
	_ =	sdelay $0x2  }
0x4cf: {  	v6 =	vmul.f32 v6, v3  }
0x4d0: {  	v7 =	vmul.f32 v7, v5;
	_ =	sdelay $0x1  }
0x4d1: {  	v6 =	vadd.f32 v7, v6;
	v7 =	vmul.f32 v8, v4;
	_ =	sdelay $0x1  }
0x4d2: {  	v6 =	vadd.f32 v7, v6;
	_ =	sdelay $0x1  }
0x4d3: {  	[tilespmem:s17+$0xD9D0] =	vst v6  }
0x4d4: {  	v6 =	vld [tilespmem:s13+$0x79E0]  }
0x4d5: {  	v7 =	vld [tilespmem:s14+$0x79E0]  }
0x4d6: {  	v8 =	vld [tilespmem:s15+$0x79E0];
	_ =	sdelay $0x2  }
0x4d7: {  	v6 =	vmul.f32 v6, v3  }
0x4d8: {  	v7 =	vmul.f32 v7, v5;
	_ =	sdelay $0x1  }
0x4d9: {  	v6 =	vadd.f32 v7, v6;
	v7 =	vmul.f32 v8, v4;
	_ =	sdelay $0x1  }
0x4da: {  	v6 =	vadd.f32 v7, v6;
	_ =	sdelay $0x1  }
0x4db: {  	[tilespmem:s17+$0xD9E0] =	vst v6  }
0x4dc: {  	v6 =	vld [tilespmem:s13+$0x79F0]  }
0x4dd: {  	v7 =	vld [tilespmem:s14+$0x79F0]  }
0x4de: {  	v8 =	vld [tilespmem:s15+$0x79F0];
	_ =	sdelay $0x2  }
0x4df: {  	v6 =	vmul.f32 v6, v3  }
0x4e0: {  	v7 =	vmul.f32 v7, v5;
	_ =	sdelay $0x1  }
0x4e1: {  	v6 =	vadd.f32 v7, v6;
	v7 =	vmul.f32 v8, v4;
	_ =	sdelay $0x1  }
0x4e2: {  	v6 =	vadd.f32 v7, v6;
	_ =	sdelay $0x1  }
0x4e3: {  	[tilespmem:s17+$0xD9F0] =	vst v6  }
0x4e4: {  	v6 =	vld [tilespmem:s13+$0x7D80]  }
0x4e5: {  	v7 =	vld [tilespmem:s14+$0x7D80]  }
0x4e6: {  	v8 =	vld [tilespmem:s15+$0x7D80];
	_ =	sdelay $0x2  }
0x4e7: {  	v6 =	vmul.f32 v6, v3  }
0x4e8: {  	v7 =	vmul.f32 v7, v5;
	_ =	sdelay $0x1  }
0x4e9: {  	v6 =	vadd.f32 v7, v6;
	v7 =	vmul.f32 v8, v4;
	_ =	sdelay $0x1  }
0x4ea: {  	v6 =	vadd.f32 v7, v6;
	_ =	sdelay $0x1  }
0x4eb: {  	[tilespmem:s17+$0xDD80] =	vst v6  }
0x4ec: {  	v6 =	vld [tilespmem:s13+$0x7D90]  }
0x4ed: {  	v7 =	vld [tilespmem:s14+$0x7D90]  }
0x4ee: {  	v8 =	vld [tilespmem:s15+$0x7D90];
	_ =	sdelay $0x2  }
0x4ef: {  	v6 =	vmul.f32 v6, v3  }
0x4f0: {  	v7 =	vmul.f32 v7, v5;
	_ =	sdelay $0x1  }
0x4f1: {  	v6 =	vadd.f32 v7, v6;
	v7 =	vmul.f32 v8, v4;
	_ =	sdelay $0x1  }
0x4f2: {  	v6 =	vadd.f32 v7, v6;
	_ =	sdelay $0x1  }
0x4f3: {  	[tilespmem:s17+$0xDD90] =	vst v6  }
0x4f4: {  	v6 =	vld [tilespmem:s13+$0x7DA0]  }
0x4f5: {  	v7 =	vld [tilespmem:s14+$0x7DA0]  }
0x4f6: {  	v8 =	vld [tilespmem:s15+$0x7DA0];
	_ =	sdelay $0x2  }
0x4f7: {  	v6 =	vmul.f32 v6, v3  }
0x4f8: {  	v7 =	vmul.f32 v7, v5;
	_ =	sdelay $0x1  }
0x4f9: {  	v6 =	vadd.f32 v7, v6;
	v7 =	vmul.f32 v8, v4;
	_ =	sdelay $0x1  }
0x4fa: {  	v6 =	vadd.f32 v7, v6;
	_ =	sdelay $0x1  }
0x4fb: {  	[tilespmem:s17+$0xDDA0] =	vst v6  }
0x4fc: {  	v6 =	vld [tilespmem:s13+$0x7DB0]  }
0x4fd: {  	v7 =	vld [tilespmem:s14+$0x7DB0]  }
0x4fe: {  	v8 =	vld [tilespmem:s15+$0x7DB0];
	_ =	sdelay $0x2  }
0x4ff: {  	v6 =	vmul.f32 v6, v3  }
0x500: {  	v7 =	vmul.f32 v7, v5;
	_ =	sdelay $0x1  }
0x501: {  	v6 =	vadd.f32 v7, v6;
	v7 =	vmul.f32 v8, v4;
	_ =	sdelay $0x1  }
0x502: {  	v6 =	vadd.f32 v7, v6;
	_ =	sdelay $0x1  }
0x503: {  	[tilespmem:s17+$0xDDB0] =	vst v6  }
.Ltmp3:
0x504: {  	v7 =	vld [tilespmem:s13+$0x7DC0];
	(pc) =	sbr.rel @p0 .LBB2_8-.Ltmp3, $3  }
0x505: {  	v8 =	vld [tilespmem:s14+$0x7DC0]  }
0x506: {  	v6 =	vld [tilespmem:s15+$0x7DC0];
	_ =	sdelay $0x1  }
0x507: {  	s20 =	sadd.s32 $0x30, s20  }
0x508: {  	_ = 	snop  }
0x509: {  	v7 =	vmul.f32 v7, v3;
	v8 =	vmul.f32 v8, v5;
	_ =	sdelay $0x1  }
0x50a: {  	v6 =	vmul.f32 v6, v4;
	v7 =	vadd.f32 v8, v7;
	_ =	sdelay $0x1  }
0x50b: {  	v6 =	vadd.f32 v6, v7;
	_ =	sdelay $0x1  }
0x50c: {  	[tilespmem:s17+$0xDDC0] =	vst v6  }
0x50d: {  	v6 =	vld [tilespmem:s13+$0x7DD0]  }
0x50e: {  	v54 =	vld [tilespmem:s14+$0x7DD0];
	_ =	sdelay $0x1  }
0x50f: {  	v55 =	vld [tilespmem:s15+$0x7DD0];
	_ =	sdelay $0x2  }
0x510: {  	v6 =	vmul.f32 v6, v3;
	v7 =	vmul.f32 v54, v5;
	_ =	sdelay $0x1  }
0x511: {  	v56 =	vmul.f32 v55, v4;
	v6 =	vadd.f32 v7, v6;
	_ =	sdelay $0x1  }
0x512: {  	v6 =	vadd.f32 v56, v6;
	_ =	sdelay $0x1  }
0x513: {  	[tilespmem:s17+$0xDDD0] =	vst v6  }
0x514: {  	v6 =	vld [tilespmem:s13+$0x7DE0]  }
0x515: {  	v57 =	vld [tilespmem:s14+$0x7DE0];
	_ =	sdelay $0x1  }
0x516: {  	v58 =	vld [tilespmem:s15+$0x7DE0];
	_ =	sdelay $0x2  }
0x517: {  	v6 =	vmul.f32 v6, v3;
	v7 =	vmul.f32 v57, v5;
	_ =	sdelay $0x1  }
0x518: {  	v59 =	vmul.f32 v58, v4;
	v6 =	vadd.f32 v7, v6;
	_ =	sdelay $0x1  }
0x519: {  	v6 =	vadd.f32 v59, v6;
	_ =	sdelay $0x1  }
0x51a: {  	[tilespmem:s17+$0xDDE0] =	vst v6  }
0x51b: {  	v6 =	vld [tilespmem:s13+$0x7DF0]  }
0x51c: {  	v60 =	vld [tilespmem:s14+$0x7DF0];
	_ =	sdelay $0x1  }
0x51d: {  	v61 =	vld [tilespmem:s15+$0x7DF0];
	_ =	sdelay $0x2  }
0x51e: {  	v3 =	vmul.f32 v6, v3;
	v62 =	vmul.f32 v60, v5;
	_ =	sdelay $0x1  }
0x51f: {  	v63 =	vmul.f32 v61, v4;
	v3 =	vadd.f32 v62, v3;
	_ =	sdelay $0x1  }
0x520: {  	s12 =	sadd.s32 $0x1, s12;
	v3 =	vadd.f32 v63, v3  }
0x521: {  	p0 =	sne.s32 s12, s7  }
.Ltmp4:
0x522: {  	s26 =	simm.s32 $0xD980;
	[tilespmem:s17+$0xDDF0] =	vst v3;
	(pc) =	sbr.rel @p0 .LBB2_1-.Ltmp4, $4  }
0x523: {  	[hbm4b:s6+s3] =	stream.linear.scatter [tilespmem:s26], [sflag:$0x3], $0x8000, $0x38;
	[tilespmem:$0x15980] =	vst v63  }
0x524: {  	_ =	swait.ge [sflag:s8], $0x8000  }
0x525: {  	[sflag:s8] =	ssyncset.done $0x0  }
0x526: {  	[sflag:s8] =	ssyncadd.s32 $0xFFFF8000  }
0x527: {  	_ =	sfence.sel $0x180000  }
0x528: {  	[bflag:$0x0] =	sbarrier.arrive $0xFFFF  }
0x529: {  	_ =	strace $0x90000047  }
0x52a: {  	s0 =	stileid.u32;
	[bflag:$0x2] =	sbarrier.arrive $0xFFFF  }
0x52b: {  	p0 =	sne.s32 s0, $0x0;
	s0 =	rddreg [dreg:$0x3]  }
0x52c: {  	s0 =	sadd.s32 @!p0 $0x100000, s0  }
0x52d: {  	[sflag:s0] =	ssyncadd.tile.s32 @!p0 $0x1;
	_ =	shalt  }
.Lfunc_end2:
_tile_overlayer_lowered:
.L_overlay_start_2:
0x52e: {  	(tag) =	ssettag $0x2  }
0x52f: {  	s0 =	rddreg [dreg:$0x0];
	s2 =	stileid.u32  }
0x530: {  	s1 =	rddreg [dreg:$0x1];
	p0 =	sne.s32 s2, $0x0  }
0x531: {  	s3 =	rddreg [dreg:$0x2];
	[bflag:$0x3] =	sbarrier.arrive $0xFFFF;
	s2 =	simm.s32 @!p0 $0x1C03  }
0x532: {  	[timem:s3], [sflag:s2] =	dma.local @!p0 [hbm:s0], s1  }
0x533: {  	s0 =	simm.s32 @!p0 $0x3  }
0x534: {  	_ =	swait.ge @!p0 [sflag:s0], s1  }
0x535: {  	s1 =	ssub.s32 @!p0 $0x0, s1;
	[sflag:s0] =	ssyncset.done @!p0 $0x0  }
0x536: {  	[sflag:s0] =	ssyncadd.s32 @!p0 s1  }
0x537: {  	[bflag:$0x3] =	sbarrier.arrive $0xFFFF  }
0x538: {  	_ =	shalt  }

</sc_bundles>
